<compile_context>
chip_gen: v7x
topology: tpu7x:2x2x1
jax: 0.10.2.dev20260603
libtpu: 0.0.44.dev20260713+nightly
codegen_flags: <defaults>
</compile_context>

<pallas_src>
import functools

import jax
import jax.numpy as jnp
from jax import lax
from jax.experimental import pallas as pl
from jax.experimental.pallas import tpu as pltpu
from jax.experimental.pallas import tpu_sc as plsc

N = 10000
E = 320000
D = 128

NC = 2
NS = 16
NW = NC * NS
EPW = E // NW
CHUNK = 80
NCHUNK = EPW // CHUNK
RPT = 624
REM0 = NS * RPT
REM = N - REM0

_MESH = plsc.VectorSubcoreMesh(core_axis_name="c", subcore_axis_name="s")


NBUF = 4
NROUND = NCHUNK // NBUF
NTAIL = NCHUNK - NROUND * NBUF


def _make_sc_aggregate(width):

    @functools.partial(
        pl.kernel,
        out_type=jax.ShapeDtypeStruct((NC, N, width), jnp.float32),
        mesh=_MESH,
        scratch_types=[pltpu.VMEM_SHARED((N, width), jnp.float32)]
          + [pltpu.VMEM((CHUNK,), jnp.int32)] * (2 * NBUF)
          + [pltpu.VMEM((CHUNK, width), jnp.float32)] * NBUF
          + [pltpu.SemaphoreType.DMA] * (3 * NBUF),
    )
    def agg(src_hbm, dst_hbm, tbl_hbm, zeros_hbm, out_hbm, acc_sp, *rest):
        sidx = rest[:NBUF]
        didx = rest[NBUF:2 * NBUF]
        rows = rest[2 * NBUF:3 * NBUF]
        semi = rest[3 * NBUF:4 * NBUF]
        semj = rest[4 * NBUF:5 * NBUF]
        semg = rest[5 * NBUF:6 * NBUF]
        c = lax.axis_index("c")
        s = lax.axis_index("s")
        wid = c * NS + s
        row0 = s * RPT
        pltpu.sync_copy(zeros_hbm.at[pl.ds(row0, RPT)],
                        acc_sp.at[pl.ds(row0, RPT)])

        @pl.when(s == NS - 1)
        def _():
            pltpu.sync_copy(zeros_hbm.at[pl.ds(REM0, REM)],
                            acc_sp.at[pl.ds(REM0, REM)])

        base = wid * EPW

        def idx_start(j, b):
            e0 = base + j * CHUNK
            pltpu.async_copy(src_hbm.at[pl.ds(e0, CHUNK)], sidx[b], semi[b])
            pltpu.async_copy(dst_hbm.at[pl.ds(e0, CHUNK)], didx[b], semj[b])

        def idx_drain(b):
            pltpu.make_async_copy(src_hbm.at[pl.ds(0, CHUNK)], sidx[b],
                                  semi[b]).wait()
            pltpu.make_async_copy(dst_hbm.at[pl.ds(0, CHUNK)], didx[b],
                                  semj[b]).wait()

        plsc.subcore_barrier()
        for b in range(NBUF):
            idx_start(b, b)

        def body(i, carry):
            gats = []
            for b in range(NBUF):
                idx_drain(b)
                gats.append(
                    pltpu.async_copy(tbl_hbm.at[sidx[b]], rows[b], semg[b]))
            for b in range(NBUF):
                gats[b].wait()
                pltpu.sync_copy(rows[b], acc_sp.at[didx[b]], add=True)
                jn = (i + 1) * NBUF + b
                if b < NTAIL:
                    idx_start(jn, b)
                else:
                    @pl.when(i < NROUND - 1)
                    def _():
                        idx_start(jn, b)
            return carry

        lax.fori_loop(0, NROUND, body, 0)
        for b in range(NTAIL):
            idx_drain(b)
            pltpu.async_copy(tbl_hbm.at[sidx[b]], rows[b], semg[b]).wait()
            pltpu.sync_copy(rows[b], acc_sp.at[didx[b]], add=True)
        plsc.subcore_barrier()
        pltpu.sync_copy(acc_sp.at[pl.ds(row0, RPT)],
                        out_hbm.at[c, pl.ds(row0, RPT)])

        @pl.when(s == NS - 1)
        def _():
            pltpu.sync_copy(acc_sp.at[pl.ds(REM0, REM)],
                            out_hbm.at[c, pl.ds(REM0, REM)])

    return agg


_sc_aggregate = _make_sc_aggregate(D)


_B = 1000
_GRID = N // _B


def _tc_first_body(x_ref, w_ref, d0_ref, d1_ref, hp_ref, dinv_ref):
    deg = d0_ref[:, :1] + d1_ref[:, :1] + 1.0
    dinv = lax.rsqrt(deg)
    h = jnp.dot(x_ref[...], w_ref[...], preferred_element_type=jnp.float32)
    hp_ref[...] = dinv * h
    dinv_ref[...] = dinv


def _tc_mid_body(s0_ref, s1_ref, hp_ref, dinv_ref, b_ref, w_ref, out_ref):
    dinv = dinv_ref[...]
    a = jax.nn.relu(dinv * (s0_ref[...] + s1_ref[...] + hp_ref[...]) + b_ref[...])
    out_ref[...] = dinv * jnp.dot(a, w_ref[...], preferred_element_type=jnp.float32)


def _tc_final_body(s0_ref, s1_ref, hp_ref, dinv_ref, b_ref, out_ref):
    out_ref[...] = (dinv_ref[...] * (s0_ref[...] + s1_ref[...] + hp_ref[...])
                    + b_ref[...])


_ROWS = pl.BlockSpec((_B, D), lambda i: (i, 0))
_COL1 = pl.BlockSpec((_B, 1), lambda i: (i, 0))

_WMAT = pl.BlockSpec((D, D), lambda i: (0, 0))
_BVEC = pl.BlockSpec((1, D), lambda i: (0, 0))

_tc_first = pl.pallas_call(
    _tc_first_body,
    grid=(_GRID,),
    in_specs=[_ROWS, _WMAT, _ROWS, _ROWS],
    out_specs=[_ROWS, _COL1],
    out_shape=[
        jax.ShapeDtypeStruct((N, D), jnp.float32),
        jax.ShapeDtypeStruct((N, 1), jnp.float32),
    ],
)

_tc_mid = pl.pallas_call(
    _tc_mid_body,
    grid=(_GRID,),
    in_specs=[_ROWS, _ROWS, _ROWS, _COL1, _BVEC, _WMAT],
    out_specs=_ROWS,
    out_shape=jax.ShapeDtypeStruct((N, D), jnp.float32),
)

_tc_final = pl.pallas_call(
    _tc_final_body,
    grid=(_GRID,),
    in_specs=[_ROWS, _ROWS, _ROWS, _COL1, _BVEC],
    out_specs=_ROWS,
    out_shape=jax.ShapeDtypeStruct((N, D), jnp.float32),
)


def kernel(x, edge_index, W1, b1, W2, b2, W3, b3):
    src = edge_index[0]
    dst = edge_index[1]
    onesD = jnp.ones((N, D), jnp.float32)
    zerosD = jnp.zeros((N, D), jnp.float32)

    deg2 = _sc_aggregate(dst, dst, onesD, zerosD)
    hp, dinv = _tc_first(x, W1, deg2[0], deg2[1])

    S = _sc_aggregate(src, dst, hp, zerosD)
    hp = _tc_mid(S[0], S[1], hp, dinv, b1.reshape(1, D), W2)

    S = _sc_aggregate(src, dst, hp, zerosD)
    hp = _tc_mid(S[0], S[1], hp, dinv, b2.reshape(1, D), W3)

    S = _sc_aggregate(src, dst, hp, zerosD)
    return _tc_final(S[0], S[1], hp, dinv, b3.reshape(1, D))

# --- scband reference (transcript-rebuilt; emitter-appended) ---
"""Pipeline reference for scband-simple-gnn-38603166056972 (READ-ONLY COPY).

The authoritative reference and input builder live on the scoring server;
editing this copy changes nothing except your own understanding.
"""

import jax, jax.numpy as jnp
import numpy as np

N = 10000
E = 320000
D_IN = 128
D_HID = 128
D_OUT = 128


def setup_inputs(seed: int = 0) -> dict:
    key = jax.random.key(seed)
    ks = jax.random.split(key, 8)
    x = jax.random.normal(ks[0], (N, D_IN), dtype=jnp.float32)
    edge_index = jax.random.randint(ks[1], (2, E), 0, N, dtype=jnp.int32)
    def glorot(k, fan_in, fan_out):
        limit = np.sqrt(6.0 / (fan_in + fan_out))
        return jax.random.uniform(k, (fan_in, fan_out), dtype=jnp.float32, minval=-limit, maxval=limit)
    W1 = glorot(ks[2], D_IN, D_HID)
    b1 = jnp.zeros((D_HID,), dtype=jnp.float32)
    W2 = glorot(ks[3], D_HID, D_HID)
    b2 = jnp.zeros((D_HID,), dtype=jnp.float32)
    W3 = glorot(ks[4], D_HID, D_OUT)
    b3 = jnp.zeros((D_OUT,), dtype=jnp.float32)
    return {"x": x, "edge_index": edge_index, "W1": W1, "b1": b1, "W2": W2, "b2": b2, "W3": W3, "b3": b3}


def gcn_conv(x, edge_index, W, b):
    # Faithful GCNConv: add self-loops, symmetric deg^-1/2 normalization,
    # linear transform, scatter-add aggregation at target nodes, then bias.
    n = x.shape[0]
    loop = jnp.arange(n, dtype=edge_index.dtype)
    src = jnp.concatenate([edge_index[0], loop])
    dst = jnp.concatenate([edge_index[1], loop])
    ew = jnp.ones(src.shape[0], dtype=x.dtype)
    deg = jnp.zeros((n,), dtype=x.dtype).at[dst].add(ew)
    deg_inv_sqrt = jnp.where(deg > 0, deg ** -0.5, 0.0)
    norm = deg_inv_sqrt[src] * ew * deg_inv_sqrt[dst]
    h = x @ W
    msg = h[src] * norm[:, None]
    out = jnp.zeros((n, W.shape[1]), dtype=h.dtype).at[dst].add(msg)
    return out + b


def reference(x, edge_index, W1, b1, W2, b2, W3, b3):
    h = gcn_conv(x, edge_index, W1, b1)
    h = jax.nn.relu(h)  # dropout is identity at inference
    h = gcn_conv(h, edge_index, W2, b2)
    h = jax.nn.relu(h)
    h = gcn_conv(h, edge_index, W3, b3)
    return h

if __name__ == "__main__":
    import jax
    _d = setup_inputs()
    print(jax.jit(kernel)(*tuple(_d.values())))

</pallas_src>

<mosaic_0001>
#map = affine_map<(d0, d1) -> (0)>
#map1 = affine_map<(d0, d1) -> (0, 0)>
#map2 = affine_map<(d0, d1) -> (0, 0, 0)>
module attributes {stable_mosaic.version = 14 : i64} {
  func.func @agg(%arg0: i32, %arg1: i32, %arg2: memref<320000xi32, #tpu.memory_space<hbm>>, %arg3: memref<320000xi32, #tpu.memory_space<hbm>>, %arg4: memref<10000x128xf32, #tpu.memory_space<hbm>>, %arg5: memref<10000x128xf32, #tpu.memory_space<hbm>>, %arg6: memref<2x10000x128xf32, #tpu.memory_space<hbm>>, %arg7: memref<10000x128xf32, #tpu.memory_space<vmem_shared>>, %arg8: memref<80xi32, #tpu.memory_space<vmem>>, %arg9: memref<80xi32, #tpu.memory_space<vmem>>, %arg10: memref<80xi32, #tpu.memory_space<vmem>>, %arg11: memref<80xi32, #tpu.memory_space<vmem>>, %arg12: memref<80xi32, #tpu.memory_space<vmem>>, %arg13: memref<80xi32, #tpu.memory_space<vmem>>, %arg14: memref<80xi32, #tpu.memory_space<vmem>>, %arg15: memref<80xi32, #tpu.memory_space<vmem>>, %arg16: memref<80x128xf32, #tpu.memory_space<vmem>>, %arg17: memref<80x128xf32, #tpu.memory_space<vmem>>, %arg18: memref<80x128xf32, #tpu.memory_space<vmem>>, %arg19: memref<80x128xf32, #tpu.memory_space<vmem>>, %arg20: memref<!tpu.dma_semaphore, #tpu.memory_space<semaphore_mem>>, %arg21: memref<!tpu.dma_semaphore, #tpu.memory_space<semaphore_mem>>, %arg22: memref<!tpu.dma_semaphore, #tpu.memory_space<semaphore_mem>>, %arg23: memref<!tpu.dma_semaphore, #tpu.memory_space<semaphore_mem>>, %arg24: memref<!tpu.dma_semaphore, #tpu.memory_space<semaphore_mem>>, %arg25: memref<!tpu.dma_semaphore, #tpu.memory_space<semaphore_mem>>, %arg26: memref<!tpu.dma_semaphore, #tpu.memory_space<semaphore_mem>>, %arg27: memref<!tpu.dma_semaphore, #tpu.memory_space<semaphore_mem>>, %arg28: memref<!tpu.dma_semaphore, #tpu.memory_space<semaphore_mem>>, %arg29: memref<!tpu.dma_semaphore, #tpu.memory_space<semaphore_mem>>, %arg30: memref<!tpu.dma_semaphore, #tpu.memory_space<semaphore_mem>>, %arg31: memref<!tpu.dma_semaphore, #tpu.memory_space<semaphore_mem>>) attributes {dimension_semantics = [#tpu.dimension_semantics<core_parallel>, #tpu.dimension_semantics<subcore_parallel>], iteration_bounds = array<i64: 2, 16>, scalar_prefetch = 0 : i64, scratch_operands = 25 : i64, tpu.core_type = #tpu.core_type<sc_vector_subcore>, window_params = [{transform_indices = #map}, {transform_indices = #map}, {transform_indices = #map1}, {transform_indices = #map1}, {transform_indices = #map2}]} {
    %mul3A = arith.constant 16 : i32
    %mul3A_0 = arith.muli %arg0, %mul3A : i32
    %add3A = arith.addi %mul3A_0, %arg1 : i32
    %mul3A_1 = arith.constant 624 : i32
    %mul3A_2 = arith.muli %arg1, %mul3A_1 : i32
    "tpu.region"() ({
      %run_scoped3A = tpu.sem_alloc : memref<!tpu.dma_semaphore, #tpu.memory_space<semaphore_mem>>
      %dma_start3A_54 = arith.constant 0 : i32
      %dma_start3A_55 = tpu.memref_slice %arg7[%mul3A_2, %dma_start3A_54] : memref<10000x128xf32, #tpu.memory_space<vmem_shared>> -> memref<624x128xf32, #tpu.memory_space<vmem_shared>>
      %dma_start3A_56 = arith.constant 0 : i32
      %dma_start3A_57 = tpu.memref_slice %arg5[%mul3A_2, %dma_start3A_56] : memref<10000x128xf32, #tpu.memory_space<hbm>> -> memref<624x128xf32, #tpu.memory_space<hbm>>
      tpu.enqueue_dma source(%dma_start3A_57 : memref<624x128xf32, #tpu.memory_space<hbm>>) target(%dma_start3A_55 : memref<624x128xf32, #tpu.memory_space<vmem_shared>>) target_semaphore(%run_scoped3A : memref<!tpu.dma_semaphore, #tpu.memory_space<semaphore_mem>>)
      %dma_wait3A_58 = arith.constant 0 : i32
      %dma_wait3A_59 = tpu.memref_slice %arg7[%mul3A_2, %dma_wait3A_58] : memref<10000x128xf32, #tpu.memory_space<vmem_shared>> -> memref<624x128xf32, #tpu.memory_space<vmem_shared>>
      %dma_wait3A_60 = arith.constant 0 : i32
      %dma_wait3A_61 = tpu.memref_slice %arg5[%mul3A_2, %dma_wait3A_60] : memref<10000x128xf32, #tpu.memory_space<hbm>> -> memref<624x128xf32, #tpu.memory_space<hbm>>
      tpu.wait_dma2 semaphore(%run_scoped3A : memref<!tpu.dma_semaphore, #tpu.memory_space<semaphore_mem>>) src(%dma_wait3A_61 : memref<624x128xf32, #tpu.memory_space<hbm>>) dst(%dma_wait3A_59 : memref<624x128xf32, #tpu.memory_space<vmem_shared>>)
      tpu.yield
    }) : () -> ()
    %eq3A = arith.constant 15 : i32
    %eq3A_3 = arith.cmpi eq, %arg1, %eq3A : i32
    %convert_element_type3A = arith.extui %eq3A_3 : i1 to i32
    %cond3A = arith.constant 0 : i32
    %cond3A_4 = arith.cmpi ne, %convert_element_type3A, %cond3A : i32
    scf.if %cond3A_4 {
      "tpu.region"() ({
        %run_scoped3A = tpu.sem_alloc : memref<!tpu.dma_semaphore, #tpu.memory_space<semaphore_mem>>
        %dma_start3A_54 = arith.constant 9984 : i32
        %dma_start3A_55 = arith.constant 0 : i32
        %dma_start3A_56 = tpu.memref_slice %arg7[%dma_start3A_54, %dma_start3A_55] : memref<10000x128xf32, #tpu.memory_space<vmem_shared>> -> memref<16x128xf32, #tpu.memory_space<vmem_shared>>
        %dma_start3A_57 = arith.constant 9984 : i32
        %dma_start3A_58 = arith.constant 0 : i32
        %dma_start3A_59 = tpu.memref_slice %arg5[%dma_start3A_57, %dma_start3A_58] : memref<10000x128xf32, #tpu.memory_space<hbm>> -> memref<16x128xf32, #tpu.memory_space<hbm>>
        tpu.enqueue_dma source(%dma_start3A_59 : memref<16x128xf32, #tpu.memory_space<hbm>>) target(%dma_start3A_56 : memref<16x128xf32, #tpu.memory_space<vmem_shared>>) target_semaphore(%run_scoped3A : memref<!tpu.dma_semaphore, #tpu.memory_space<semaphore_mem>>)
        %dma_wait3A_60 = arith.constant 9984 : i32
        %dma_wait3A_61 = arith.constant 0 : i32
        %dma_wait3A_62 = tpu.memref_slice %arg7[%dma_wait3A_60, %dma_wait3A_61] : memref<10000x128xf32, #tpu.memory_space<vmem_shared>> -> memref<16x128xf32, #tpu.memory_space<vmem_shared>>
        %dma_wait3A_63 = arith.constant 9984 : i32
        %dma_wait3A_64 = arith.constant 0 : i32
        %dma_wait3A_65 = tpu.memref_slice %arg5[%dma_wait3A_63, %dma_wait3A_64] : memref<10000x128xf32, #tpu.memory_space<hbm>> -> memref<16x128xf32, #tpu.memory_space<hbm>>
        tpu.wait_dma2 semaphore(%run_scoped3A : memref<!tpu.dma_semaphore, #tpu.memory_space<semaphore_mem>>) src(%dma_wait3A_65 : memref<16x128xf32, #tpu.memory_space<hbm>>) dst(%dma_wait3A_62 : memref<16x128xf32, #tpu.memory_space<vmem_shared>>)
        tpu.yield
      }) : () -> ()
    } else {
    }
    %mul3A_5 = arith.constant 10000 : i32
    %mul3A_6 = arith.muli %add3A, %mul3A_5 : i32
    %barrier3A = arith.constant 0 : index
    tpu.barrier barrier_id(%barrier3A)
    %add3A_7 = arith.constant 0 : i32
    %add3A_8 = arith.addi %mul3A_6, %add3A_7 : i32
    %dma_start3A = tpu.memref_slice %arg2[%add3A_8] : memref<320000xi32, #tpu.memory_space<hbm>> -> memref<80xi32, #tpu.memory_space<hbm>>
    %dma_start3A_9 = tpu.memref_slice %arg2[%add3A_8] : memref<320000xi32, #tpu.memory_space<hbm>> -> memref<80xi32, #tpu.memory_space<hbm>>
    tpu.enqueue_dma source(%dma_start3A_9 : memref<80xi32, #tpu.memory_space<hbm>>) target(%arg8 : memref<80xi32, #tpu.memory_space<vmem>>) target_semaphore(%arg20 : memref<!tpu.dma_semaphore, #tpu.memory_space<semaphore_mem>>)
    %dma_start3A_10 = tpu.memref_slice %arg3[%add3A_8] : memref<320000xi32, #tpu.memory_space<hbm>> -> memref<80xi32, #tpu.memory_space<hbm>>
    %dma_start3A_11 = tpu.memref_slice %arg3[%add3A_8] : memref<320000xi32, #tpu.memory_space<hbm>> -> memref<80xi32, #tpu.memory_space<hbm>>
    tpu.enqueue_dma source(%dma_start3A_11 : memref<80xi32, #tpu.memory_space<hbm>>) target(%arg12 : memref<80xi32, #tpu.memory_space<vmem>>) target_semaphore(%arg24 : memref<!tpu.dma_semaphore, #tpu.memory_space<semaphore_mem>>)
    %add3A_12 = arith.constant 80 : i32
    %add3A_13 = arith.addi %mul3A_6, %add3A_12 : i32
    %dma_start3A_14 = tpu.memref_slice %arg2[%add3A_13] : memref<320000xi32, #tpu.memory_space<hbm>> -> memref<80xi32, #tpu.memory_space<hbm>>
    %dma_start3A_15 = tpu.memref_slice %arg2[%add3A_13] : memref<320000xi32, #tpu.memory_space<hbm>> -> memref<80xi32, #tpu.memory_space<hbm>>
    tpu.enqueue_dma source(%dma_start3A_15 : memref<80xi32, #tpu.memory_space<hbm>>) target(%arg9 : memref<80xi32, #tpu.memory_space<vmem>>) target_semaphore(%arg21 : memref<!tpu.dma_semaphore, #tpu.memory_space<semaphore_mem>>)
    %dma_start3A_16 = tpu.memref_slice %arg3[%add3A_13] : memref<320000xi32, #tpu.memory_space<hbm>> -> memref<80xi32, #tpu.memory_space<hbm>>
    %dma_start3A_17 = tpu.memref_slice %arg3[%add3A_13] : memref<320000xi32, #tpu.memory_space<hbm>> -> memref<80xi32, #tpu.memory_space<hbm>>
    tpu.enqueue_dma source(%dma_start3A_17 : memref<80xi32, #tpu.memory_space<hbm>>) target(%arg13 : memref<80xi32, #tpu.memory_space<vmem>>) target_semaphore(%arg25 : memref<!tpu.dma_semaphore, #tpu.memory_space<semaphore_mem>>)
    %add3A_18 = arith.constant 160 : i32
    %add3A_19 = arith.addi %mul3A_6, %add3A_18 : i32
    %dma_start3A_20 = tpu.memref_slice %arg2[%add3A_19] : memref<320000xi32, #tpu.memory_space<hbm>> -> memref<80xi32, #tpu.memory_space<hbm>>
    %dma_start3A_21 = tpu.memref_slice %arg2[%add3A_19] : memref<320000xi32, #tpu.memory_space<hbm>> -> memref<80xi32, #tpu.memory_space<hbm>>
    tpu.enqueue_dma source(%dma_start3A_21 : memref<80xi32, #tpu.memory_space<hbm>>) target(%arg10 : memref<80xi32, #tpu.memory_space<vmem>>) target_semaphore(%arg22 : memref<!tpu.dma_semaphore, #tpu.memory_space<semaphore_mem>>)
    %dma_start3A_22 = tpu.memref_slice %arg3[%add3A_19] : memref<320000xi32, #tpu.memory_space<hbm>> -> memref<80xi32, #tpu.memory_space<hbm>>
    %dma_start3A_23 = tpu.memref_slice %arg3[%add3A_19] : memref<320000xi32, #tpu.memory_space<hbm>> -> memref<80xi32, #tpu.memory_space<hbm>>
    tpu.enqueue_dma source(%dma_start3A_23 : memref<80xi32, #tpu.memory_space<hbm>>) target(%arg14 : memref<80xi32, #tpu.memory_space<vmem>>) target_semaphore(%arg26 : memref<!tpu.dma_semaphore, #tpu.memory_space<semaphore_mem>>)
    %add3A_24 = arith.constant 240 : i32
    %add3A_25 = arith.addi %mul3A_6, %add3A_24 : i32
    %dma_start3A_26 = tpu.memref_slice %arg2[%add3A_25] : memref<320000xi32, #tpu.memory_space<hbm>> -> memref<80xi32, #tpu.memory_space<hbm>>
    %dma_start3A_27 = tpu.memref_slice %arg2[%add3A_25] : memref<320000xi32, #tpu.memory_space<hbm>> -> memref<80xi32, #tpu.memory_space<hbm>>
    tpu.enqueue_dma source(%dma_start3A_27 : memref<80xi32, #tpu.memory_space<hbm>>) target(%arg11 : memref<80xi32, #tpu.memory_space<vmem>>) target_semaphore(%arg23 : memref<!tpu.dma_semaphore, #tpu.memory_space<semaphore_mem>>)
    %dma_start3A_28 = tpu.memref_slice %arg3[%add3A_25] : memref<320000xi32, #tpu.memory_space<hbm>> -> memref<80xi32, #tpu.memory_space<hbm>>
    %dma_start3A_29 = tpu.memref_slice %arg3[%add3A_25] : memref<320000xi32, #tpu.memory_space<hbm>> -> memref<80xi32, #tpu.memory_space<hbm>>
    tpu.enqueue_dma source(%dma_start3A_29 : memref<80xi32, #tpu.memory_space<hbm>>) target(%arg15 : memref<80xi32, #tpu.memory_space<vmem>>) target_semaphore(%arg27 : memref<!tpu.dma_semaphore, #tpu.memory_space<semaphore_mem>>)
    %scan3A = arith.constant 0 : i32
    %scan3A_30 = arith.constant 0 : i32
    %scan3A_31 = arith.constant 31 : i32
    %scan3A_32 = arith.addi %scan3A_30, %scan3A_31 : i32
    %scan3A_33 = arith.constant 1 : i32
    scf.for %scan3A_54 = %scan3A_30 to %scan3A_32 step %scan3A_33  : i32 {
      %dma_wait3A_55 = arith.constant 0 : i32
      %dma_wait3A_56 = tpu.memref_slice %arg2[%dma_wait3A_55] : memref<320000xi32, #tpu.memory_space<hbm>> -> memref<80xi32, #tpu.memory_space<hbm>>
      %dma_wait3A_57 = arith.constant 0 : i32
      %dma_wait3A_58 = tpu.memref_slice %arg2[%dma_wait3A_57] : memref<320000xi32, #tpu.memory_space<hbm>> -> memref<80xi32, #tpu.memory_space<hbm>>
      tpu.wait_dma2 semaphore(%arg20 : memref<!tpu.dma_semaphore, #tpu.memory_space<semaphore_mem>>) src(%dma_wait3A_58 : memref<80xi32, #tpu.memory_space<hbm>>) dst(%arg8 : memref<80xi32, #tpu.memory_space<vmem>>)
      %dma_wait3A_59 = arith.constant 0 : i32
      %dma_wait3A_60 = tpu.memref_slice %arg3[%dma_wait3A_59] : memref<320000xi32, #tpu.memory_space<hbm>> -> memref<80xi32, #tpu.memory_space<hbm>>
      %dma_wait3A_61 = arith.constant 0 : i32
      %dma_wait3A_62 = tpu.memref_slice %arg3[%dma_wait3A_61] : memref<320000xi32, #tpu.memory_space<hbm>> -> memref<80xi32, #tpu.memory_space<hbm>>
      tpu.wait_dma2 semaphore(%arg24 : memref<!tpu.dma_semaphore, #tpu.memory_space<semaphore_mem>>) src(%dma_wait3A_62 : memref<80xi32, #tpu.memory_space<hbm>>) dst(%arg12 : memref<80xi32, #tpu.memory_space<vmem>>)
      %dma_start3A_63 = arith.constant 0 : i32
      %dma_start3A_64 = arith.constant 0 : i32
      %dma_start3A_65 = tpu.memref_slice %arg4[%dma_start3A_63, %dma_start3A_64] : memref<10000x128xf32, #tpu.memory_space<hbm>> -> memref<10000x128xf32, #tpu.memory_space<hbm>>
      tpu.enqueue_indirect_dma source(%dma_start3A_65 : memref<10000x128xf32, #tpu.memory_space<hbm>>) target(%arg16 : memref<80x128xf32, #tpu.memory_space<vmem>>) offsets(%arg8 : memref<80xi32, #tpu.memory_space<vmem>>) semaphore(%arg28 : memref<!tpu.dma_semaphore, #tpu.memory_space<semaphore_mem>>)
      %dma_wait3A_66 = arith.constant 0 : i32
      %dma_wait3A_67 = tpu.memref_slice %arg2[%dma_wait3A_66] : memref<320000xi32, #tpu.memory_space<hbm>> -> memref<80xi32, #tpu.memory_space<hbm>>
      %dma_wait3A_68 = arith.constant 0 : i32
      %dma_wait3A_69 = tpu.memref_slice %arg2[%dma_wait3A_68] : memref<320000xi32, #tpu.memory_space<hbm>> -> memref<80xi32, #tpu.memory_space<hbm>>
      tpu.wait_dma2 semaphore(%arg21 : memref<!tpu.dma_semaphore, #tpu.memory_space<semaphore_mem>>) src(%dma_wait3A_69 : memref<80xi32, #tpu.memory_space<hbm>>) dst(%arg9 : memref<80xi32, #tpu.memory_space<vmem>>)
      %dma_wait3A_70 = arith.constant 0 : i32
      %dma_wait3A_71 = tpu.memref_slice %arg3[%dma_wait3A_70] : memref<320000xi32, #tpu.memory_space<hbm>> -> memref<80xi32, #tpu.memory_space<hbm>>
      %dma_wait3A_72 = arith.constant 0 : i32
      %dma_wait3A_73 = tpu.memref_slice %arg3[%dma_wait3A_72] : memref<320000xi32, #tpu.memory_space<hbm>> -> memref<80xi32, #tpu.memory_space<hbm>>
      tpu.wait_dma2 semaphore(%arg25 : memref<!tpu.dma_semaphore, #tpu.memory_space<semaphore_mem>>) src(%dma_wait3A_73 : memref<80xi32, #tpu.memory_space<hbm>>) dst(%arg13 : memref<80xi32, #tpu.memory_space<vmem>>)
      %dma_start3A_74 = arith.constant 0 : i32
      %dma_start3A_75 = arith.constant 0 : i32
      %dma_start3A_76 = tpu.memref_slice %arg4[%dma_start3A_74, %dma_start3A_75] : memref<10000x128xf32, #tpu.memory_space<hbm>> -> memref<10000x128xf32, #tpu.memory_space<hbm>>
      tpu.enqueue_indirect_dma source(%dma_start3A_76 : memref<10000x128xf32, #tpu.memory_space<hbm>>) target(%arg17 : memref<80x128xf32, #tpu.memory_space<vmem>>) offsets(%arg9 : memref<80xi32, #tpu.memory_space<vmem>>) semaphore(%arg29 : memref<!tpu.dma_semaphore, #tpu.memory_space<semaphore_mem>>)
      %dma_wait3A_77 = arith.constant 0 : i32
      %dma_wait3A_78 = tpu.memref_slice %arg2[%dma_wait3A_77] : memref<320000xi32, #tpu.memory_space<hbm>> -> memref<80xi32, #tpu.memory_space<hbm>>
      %dma_wait3A_79 = arith.constant 0 : i32
      %dma_wait3A_80 = tpu.memref_slice %arg2[%dma_wait3A_79] : memref<320000xi32, #tpu.memory_space<hbm>> -> memref<80xi32, #tpu.memory_space<hbm>>
      tpu.wait_dma2 semaphore(%arg22 : memref<!tpu.dma_semaphore, #tpu.memory_space<semaphore_mem>>) src(%dma_wait3A_80 : memref<80xi32, #tpu.memory_space<hbm>>) dst(%arg10 : memref<80xi32, #tpu.memory_space<vmem>>)
      %dma_wait3A_81 = arith.constant 0 : i32
      %dma_wait3A_82 = tpu.memref_slice %arg3[%dma_wait3A_81] : memref<320000xi32, #tpu.memory_space<hbm>> -> memref<80xi32, #tpu.memory_space<hbm>>
      %dma_wait3A_83 = arith.constant 0 : i32
      %dma_wait3A_84 = tpu.memref_slice %arg3[%dma_wait3A_83] : memref<320000xi32, #tpu.memory_space<hbm>> -> memref<80xi32, #tpu.memory_space<hbm>>
      tpu.wait_dma2 semaphore(%arg26 : memref<!tpu.dma_semaphore, #tpu.memory_space<semaphore_mem>>) src(%dma_wait3A_84 : memref<80xi32, #tpu.memory_space<hbm>>) dst(%arg14 : memref<80xi32, #tpu.memory_space<vmem>>)
      %dma_start3A_85 = arith.constant 0 : i32
      %dma_start3A_86 = arith.constant 0 : i32
      %dma_start3A_87 = tpu.memref_slice %arg4[%dma_start3A_85, %dma_start3A_86] : memref<10000x128xf32, #tpu.memory_space<hbm>> -> memref<10000x128xf32, #tpu.memory_space<hbm>>
      tpu.enqueue_indirect_dma source(%dma_start3A_87 : memref<10000x128xf32, #tpu.memory_space<hbm>>) target(%arg18 : memref<80x128xf32, #tpu.memory_space<vmem>>) offsets(%arg10 : memref<80xi32, #tpu.memory_space<vmem>>) semaphore(%arg30 : memref<!tpu.dma_semaphore, #tpu.memory_space<semaphore_mem>>)
      %dma_wait3A_88 = arith.constant 0 : i32
      %dma_wait3A_89 = tpu.memref_slice %arg2[%dma_wait3A_88] : memref<320000xi32, #tpu.memory_space<hbm>> -> memref<80xi32, #tpu.memory_space<hbm>>
      %dma_wait3A_90 = arith.constant 0 : i32
      %dma_wait3A_91 = tpu.memref_slice %arg2[%dma_wait3A_90] : memref<320000xi32, #tpu.memory_space<hbm>> -> memref<80xi32, #tpu.memory_space<hbm>>
      tpu.wait_dma2 semaphore(%arg23 : memref<!tpu.dma_semaphore, #tpu.memory_space<semaphore_mem>>) src(%dma_wait3A_91 : memref<80xi32, #tpu.memory_space<hbm>>) dst(%arg11 : memref<80xi32, #tpu.memory_space<vmem>>)
      %dma_wait3A_92 = arith.constant 0 : i32
      %dma_wait3A_93 = tpu.memref_slice %arg3[%dma_wait3A_92] : memref<320000xi32, #tpu.memory_space<hbm>> -> memref<80xi32, #tpu.memory_space<hbm>>
      %dma_wait3A_94 = arith.constant 0 : i32
      %dma_wait3A_95 = tpu.memref_slice %arg3[%dma_wait3A_94] : memref<320000xi32, #tpu.memory_space<hbm>> -> memref<80xi32, #tpu.memory_space<hbm>>
      tpu.wait_dma2 semaphore(%arg27 : memref<!tpu.dma_semaphore, #tpu.memory_space<semaphore_mem>>) src(%dma_wait3A_95 : memref<80xi32, #tpu.memory_space<hbm>>) dst(%arg15 : memref<80xi32, #tpu.memory_space<vmem>>)
      %dma_start3A_96 = arith.constant 0 : i32
      %dma_start3A_97 = arith.constant 0 : i32
      %dma_start3A_98 = tpu.memref_slice %arg4[%dma_start3A_96, %dma_start3A_97] : memref<10000x128xf32, #tpu.memory_space<hbm>> -> memref<10000x128xf32, #tpu.memory_space<hbm>>
      tpu.enqueue_indirect_dma source(%dma_start3A_98 : memref<10000x128xf32, #tpu.memory_space<hbm>>) target(%arg19 : memref<80x128xf32, #tpu.memory_space<vmem>>) offsets(%arg11 : memref<80xi32, #tpu.memory_space<vmem>>) semaphore(%arg31 : memref<!tpu.dma_semaphore, #tpu.memory_space<semaphore_mem>>)
      %dma_wait3A_99 = arith.constant 0 : i32
      %dma_wait3A_100 = arith.constant 0 : i32
      %dma_wait3A_101 = tpu.memref_slice %arg4[%dma_wait3A_99, %dma_wait3A_100] : memref<10000x128xf32, #tpu.memory_space<hbm>> -> memref<10000x128xf32, #tpu.memory_space<hbm>>
      tpu.wait_indirect_dma semaphore(%arg28 : memref<!tpu.dma_semaphore, #tpu.memory_space<semaphore_mem>>) src(%dma_wait3A_101 : memref<10000x128xf32, #tpu.memory_space<hbm>>) dst(%arg16 : memref<80x128xf32, #tpu.memory_space<vmem>>)
      "tpu.region"() ({
        %run_scoped3A = tpu.sem_alloc : memref<!tpu.dma_semaphore, #tpu.memory_space<semaphore_mem>>
        %dma_start3A_156 = arith.constant 0 : i32
        %dma_start3A_157 = arith.constant 0 : i32
        %dma_start3A_158 = tpu.memref_slice %arg7[%dma_start3A_156, %dma_start3A_157] : memref<10000x128xf32, #tpu.memory_space<vmem_shared>> -> memref<10000x128xf32, #tpu.memory_space<vmem_shared>>
        tpu.enqueue_indirect_dma source(%arg16 : memref<80x128xf32, #tpu.memory_space<vmem>>) target(%dma_start3A_158 : memref<10000x128xf32, #tpu.memory_space<vmem_shared>>) offsets(%arg12 : memref<80xi32, #tpu.memory_space<vmem>>) semaphore(%run_scoped3A : memref<!tpu.dma_semaphore, #tpu.memory_space<semaphore_mem>>) {add = true}
        %dma_wait3A_159 = arith.constant 0 : i32
        %dma_wait3A_160 = arith.constant 0 : i32
        %dma_wait3A_161 = tpu.memref_slice %arg7[%dma_wait3A_159, %dma_wait3A_160] : memref<10000x128xf32, #tpu.memory_space<vmem_shared>> -> memref<10000x128xf32, #tpu.memory_space<vmem_shared>>
        tpu.wait_indirect_dma semaphore(%run_scoped3A : memref<!tpu.dma_semaphore, #tpu.memory_space<semaphore_mem>>) src(%arg16 : memref<80x128xf32, #tpu.memory_space<vmem>>) dst(%dma_wait3A_161 : memref<10000x128xf32, #tpu.memory_space<vmem_shared>>)
        tpu.yield
      }) : () -> ()
      %add3A_102 = arith.constant 1 : i32
      %add3A_103 = arith.addi %scan3A_54, %add3A_102 : i32
      %mul3A_104 = arith.constant 4 : i32
      %mul3A_105 = arith.muli %add3A_103, %mul3A_104 : i32
      %add3A_106 = arith.constant 0 : i32
      %add3A_107 = arith.addi %mul3A_105, %add3A_106 : i32
      %mul3A_108 = arith.constant 80 : i32
      %mul3A_109 = arith.muli %add3A_107, %mul3A_108 : i32
      %add3A_110 = arith.addi %mul3A_6, %mul3A_109 : i32
      %dma_start3A_111 = tpu.memref_slice %arg2[%add3A_110] : memref<320000xi32, #tpu.memory_space<hbm>> -> memref<80xi32, #tpu.memory_space<hbm>>
      %dma_start3A_112 = tpu.memref_slice %arg2[%add3A_110] : memref<320000xi32, #tpu.memory_space<hbm>> -> memref<80xi32, #tpu.memory_space<hbm>>
      tpu.enqueue_dma source(%dma_start3A_112 : memref<80xi32, #tpu.memory_space<hbm>>) target(%arg8 : memref<80xi32, #tpu.memory_space<vmem>>) target_semaphore(%arg20 : memref<!tpu.dma_semaphore, #tpu.memory_space<semaphore_mem>>)
      %dma_start3A_113 = tpu.memref_slice %arg3[%add3A_110] : memref<320000xi32, #tpu.memory_space<hbm>> -> memref<80xi32, #tpu.memory_space<hbm>>
      %dma_start3A_114 = tpu.memref_slice %arg3[%add3A_110] : memref<320000xi32, #tpu.memory_space<hbm>> -> memref<80xi32, #tpu.memory_space<hbm>>
      tpu.enqueue_dma source(%dma_start3A_114 : memref<80xi32, #tpu.memory_space<hbm>>) target(%arg12 : memref<80xi32, #tpu.memory_space<vmem>>) target_semaphore(%arg24 : memref<!tpu.dma_semaphore, #tpu.memory_space<semaphore_mem>>)
      %dma_wait3A_115 = arith.constant 0 : i32
      %dma_wait3A_116 = arith.constant 0 : i32
      %dma_wait3A_117 = tpu.memref_slice %arg4[%dma_wait3A_115, %dma_wait3A_116] : memref<10000x128xf32, #tpu.memory_space<hbm>> -> memref<10000x128xf32, #tpu.memory_space<hbm>>
      tpu.wait_indirect_dma semaphore(%arg29 : memref<!tpu.dma_semaphore, #tpu.memory_space<semaphore_mem>>) src(%dma_wait3A_117 : memref<10000x128xf32, #tpu.memory_space<hbm>>) dst(%arg17 : memref<80x128xf32, #tpu.memory_space<vmem>>)
      "tpu.region"() ({
        %run_scoped3A = tpu.sem_alloc : memref<!tpu.dma_semaphore, #tpu.memory_space<semaphore_mem>>
        %dma_start3A_156 = arith.constant 0 : i32
        %dma_start3A_157 = arith.constant 0 : i32
        %dma_start3A_158 = tpu.memref_slice %arg7[%dma_start3A_156, %dma_start3A_157] : memref<10000x128xf32, #tpu.memory_space<vmem_shared>> -> memref<10000x128xf32, #tpu.memory_space<vmem_shared>>
        tpu.enqueue_indirect_dma source(%arg17 : memref<80x128xf32, #tpu.memory_space<vmem>>) target(%dma_start3A_158 : memref<10000x128xf32, #tpu.memory_space<vmem_shared>>) offsets(%arg13 : memref<80xi32, #tpu.memory_space<vmem>>) semaphore(%run_scoped3A : memref<!tpu.dma_semaphore, #tpu.memory_space<semaphore_mem>>) {add = true}
        %dma_wait3A_159 = arith.constant 0 : i32
        %dma_wait3A_160 = arith.constant 0 : i32
        %dma_wait3A_161 = tpu.memref_slice %arg7[%dma_wait3A_159, %dma_wait3A_160] : memref<10000x128xf32, #tpu.memory_space<vmem_shared>> -> memref<10000x128xf32, #tpu.memory_space<vmem_shared>>
        tpu.wait_indirect_dma semaphore(%run_scoped3A : memref<!tpu.dma_semaphore, #tpu.memory_space<semaphore_mem>>) src(%arg17 : memref<80x128xf32, #tpu.memory_space<vmem>>) dst(%dma_wait3A_161 : memref<10000x128xf32, #tpu.memory_space<vmem_shared>>)
        tpu.yield
      }) : () -> ()
      %add3A_118 = arith.constant 1 : i32
      %add3A_119 = arith.addi %scan3A_54, %add3A_118 : i32
      %mul3A_120 = arith.constant 4 : i32
      %mul3A_121 = arith.muli %add3A_119, %mul3A_120 : i32
      %add3A_122 = arith.constant 1 : i32
      %add3A_123 = arith.addi %mul3A_121, %add3A_122 : i32
      %lt3A = arith.constant 30 : i32
      %lt3A_124 = arith.cmpi slt, %scan3A_54, %lt3A : i32
      %convert_element_type3A_125 = arith.extui %lt3A_124 : i1 to i32
      %cond3A_126 = arith.constant 0 : i32
      %cond3A_127 = arith.cmpi ne, %convert_element_type3A_125, %cond3A_126 : i32
      scf.if %cond3A_127 {
        %mul3A_156 = arith.constant 80 : i32
        %mul3A_157 = arith.muli %add3A_123, %mul3A_156 : i32
        %add3A_158 = arith.addi %mul3A_6, %mul3A_157 : i32
        %dma_start3A_159 = tpu.memref_slice %arg2[%add3A_158] : memref<320000xi32, #tpu.memory_space<hbm>> -> memref<80xi32, #tpu.memory_space<hbm>>
        %dma_start3A_160 = tpu.memref_slice %arg2[%add3A_158] : memref<320000xi32, #tpu.memory_space<hbm>> -> memref<80xi32, #tpu.memory_space<hbm>>
        tpu.enqueue_dma source(%dma_start3A_160 : memref<80xi32, #tpu.memory_space<hbm>>) target(%arg9 : memref<80xi32, #tpu.memory_space<vmem>>) target_semaphore(%arg21 : memref<!tpu.dma_semaphore, #tpu.memory_space<semaphore_mem>>)
        %dma_start3A_161 = tpu.memref_slice %arg3[%add3A_158] : memref<320000xi32, #tpu.memory_space<hbm>> -> memref<80xi32, #tpu.memory_space<hbm>>
        %dma_start3A_162 = tpu.memref_slice %arg3[%add3A_158] : memref<320000xi32, #tpu.memory_space<hbm>> -> memref<80xi32, #tpu.memory_space<hbm>>
        tpu.enqueue_dma source(%dma_start3A_162 : memref<80xi32, #tpu.memory_space<hbm>>) target(%arg13 : memref<80xi32, #tpu.memory_space<vmem>>) target_semaphore(%arg25 : memref<!tpu.dma_semaphore, #tpu.memory_space<semaphore_mem>>)
      } else {
      }
      %dma_wait3A_128 = arith.constant 0 : i32
      %dma_wait3A_129 = arith.constant 0 : i32
      %dma_wait3A_130 = tpu.memref_slice %arg4[%dma_wait3A_128, %dma_wait3A_129] : memref<10000x128xf32, #tpu.memory_space<hbm>> -> memref<10000x128xf32, #tpu.memory_space<hbm>>
      tpu.wait_indirect_dma semaphore(%arg30 : memref<!tpu.dma_semaphore, #tpu.memory_space<semaphore_mem>>) src(%dma_wait3A_130 : memref<10000x128xf32, #tpu.memory_space<hbm>>) dst(%arg18 : memref<80x128xf32, #tpu.memory_space<vmem>>)
      "tpu.region"() ({
        %run_scoped3A = tpu.sem_alloc : memref<!tpu.dma_semaphore, #tpu.memory_space<semaphore_mem>>
        %dma_start3A_156 = arith.constant 0 : i32
        %dma_start3A_157 = arith.constant 0 : i32
        %dma_start3A_158 = tpu.memref_slice %arg7[%dma_start3A_156, %dma_start3A_157] : memref<10000x128xf32, #tpu.memory_space<vmem_shared>> -> memref<10000x128xf32, #tpu.memory_space<vmem_shared>>
        tpu.enqueue_indirect_dma source(%arg18 : memref<80x128xf32, #tpu.memory_space<vmem>>) target(%dma_start3A_158 : memref<10000x128xf32, #tpu.memory_space<vmem_shared>>) offsets(%arg14 : memref<80xi32, #tpu.memory_space<vmem>>) semaphore(%run_scoped3A : memref<!tpu.dma_semaphore, #tpu.memory_space<semaphore_mem>>) {add = true}
        %dma_wait3A_159 = arith.constant 0 : i32
        %dma_wait3A_160 = arith.constant 0 : i32
        %dma_wait3A_161 = tpu.memref_slice %arg7[%dma_wait3A_159, %dma_wait3A_160] : memref<10000x128xf32, #tpu.memory_space<vmem_shared>> -> memref<10000x128xf32, #tpu.memory_space<vmem_shared>>
        tpu.wait_indirect_dma semaphore(%run_scoped3A : memref<!tpu.dma_semaphore, #tpu.memory_space<semaphore_mem>>) src(%arg18 : memref<80x128xf32, #tpu.memory_space<vmem>>) dst(%dma_wait3A_161 : memref<10000x128xf32, #tpu.memory_space<vmem_shared>>)
        tpu.yield
      }) : () -> ()
      %add3A_131 = arith.constant 1 : i32
      %add3A_132 = arith.addi %scan3A_54, %add3A_131 : i32
      %mul3A_133 = arith.constant 4 : i32
      %mul3A_134 = arith.muli %add3A_132, %mul3A_133 : i32
      %add3A_135 = arith.constant 2 : i32
      %add3A_136 = arith.addi %mul3A_134, %add3A_135 : i32
      %lt3A_137 = arith.constant 30 : i32
      %lt3A_138 = arith.cmpi slt, %scan3A_54, %lt3A_137 : i32
      %convert_element_type3A_139 = arith.extui %lt3A_138 : i1 to i32
      %cond3A_140 = arith.constant 0 : i32
      %cond3A_141 = arith.cmpi ne, %convert_element_type3A_139, %cond3A_140 : i32
      scf.if %cond3A_141 {
        %mul3A_156 = arith.constant 80 : i32
        %mul3A_157 = arith.muli %add3A_136, %mul3A_156 : i32
        %add3A_158 = arith.addi %mul3A_6, %mul3A_157 : i32
        %dma_start3A_159 = tpu.memref_slice %arg2[%add3A_158] : memref<320000xi32, #tpu.memory_space<hbm>> -> memref<80xi32, #tpu.memory_space<hbm>>
        %dma_start3A_160 = tpu.memref_slice %arg2[%add3A_158] : memref<320000xi32, #tpu.memory_space<hbm>> -> memref<80xi32, #tpu.memory_space<hbm>>
        tpu.enqueue_dma source(%dma_start3A_160 : memref<80xi32, #tpu.memory_space<hbm>>) target(%arg10 : memref<80xi32, #tpu.memory_space<vmem>>) target_semaphore(%arg22 : memref<!tpu.dma_semaphore, #tpu.memory_space<semaphore_mem>>)
        %dma_start3A_161 = tpu.memref_slice %arg3[%add3A_158] : memref<320000xi32, #tpu.memory_space<hbm>> -> memref<80xi32, #tpu.memory_space<hbm>>
        %dma_start3A_162 = tpu.memref_slice %arg3[%add3A_158] : memref<320000xi32, #tpu.memory_space<hbm>> -> memref<80xi32, #tpu.memory_space<hbm>>
        tpu.enqueue_dma source(%dma_start3A_162 : memref<80xi32, #tpu.memory_space<hbm>>) target(%arg14 : memref<80xi32, #tpu.memory_space<vmem>>) target_semaphore(%arg26 : memref<!tpu.dma_semaphore, #tpu.memory_space<semaphore_mem>>)
      } else {
      }
      %dma_wait3A_142 = arith.constant 0 : i32
      %dma_wait3A_143 = arith.constant 0 : i32
      %dma_wait3A_144 = tpu.memref_slice %arg4[%dma_wait3A_142, %dma_wait3A_143] : memref<10000x128xf32, #tpu.memory_space<hbm>> -> memref<10000x128xf32, #tpu.memory_space<hbm>>
      tpu.wait_indirect_dma semaphore(%arg31 : memref<!tpu.dma_semaphore, #tpu.memory_space<semaphore_mem>>) src(%dma_wait3A_144 : memref<10000x128xf32, #tpu.memory_space<hbm>>) dst(%arg19 : memref<80x128xf32, #tpu.memory_space<vmem>>)
      "tpu.region"() ({
        %run_scoped3A = tpu.sem_alloc : memref<!tpu.dma_semaphore, #tpu.memory_space<semaphore_mem>>
        %dma_start3A_156 = arith.constant 0 : i32
        %dma_start3A_157 = arith.constant 0 : i32
        %dma_start3A_158 = tpu.memref_slice %arg7[%dma_start3A_156, %dma_start3A_157] : memref<10000x128xf32, #tpu.memory_space<vmem_shared>> -> memref<10000x128xf32, #tpu.memory_space<vmem_shared>>
        tpu.enqueue_indirect_dma source(%arg19 : memref<80x128xf32, #tpu.memory_space<vmem>>) target(%dma_start3A_158 : memref<10000x128xf32, #tpu.memory_space<vmem_shared>>) offsets(%arg15 : memref<80xi32, #tpu.memory_space<vmem>>) semaphore(%run_scoped3A : memref<!tpu.dma_semaphore, #tpu.memory_space<semaphore_mem>>) {add = true}
        %dma_wait3A_159 = arith.constant 0 : i32
        %dma_wait3A_160 = arith.constant 0 : i32
        %dma_wait3A_161 = tpu.memref_slice %arg7[%dma_wait3A_159, %dma_wait3A_160] : memref<10000x128xf32, #tpu.memory_space<vmem_shared>> -> memref<10000x128xf32, #tpu.memory_space<vmem_shared>>
        tpu.wait_indirect_dma semaphore(%run_scoped3A : memref<!tpu.dma_semaphore, #tpu.memory_space<semaphore_mem>>) src(%arg19 : memref<80x128xf32, #tpu.memory_space<vmem>>) dst(%dma_wait3A_161 : memref<10000x128xf32, #tpu.memory_space<vmem_shared>>)
        tpu.yield
      }) : () -> ()
      %add3A_145 = arith.constant 1 : i32
      %add3A_146 = arith.addi %scan3A_54, %add3A_145 : i32
      %mul3A_147 = arith.constant 4 : i32
      %mul3A_148 = arith.muli %add3A_146, %mul3A_147 : i32
      %add3A_149 = arith.constant 3 : i32
      %add3A_150 = arith.addi %mul3A_148, %add3A_149 : i32
      %lt3A_151 = arith.constant 30 : i32
      %lt3A_152 = arith.cmpi slt, %scan3A_54, %lt3A_151 : i32
      %convert_element_type3A_153 = arith.extui %lt3A_152 : i1 to i32
      %cond3A_154 = arith.constant 0 : i32
      %cond3A_155 = arith.cmpi ne, %convert_element_type3A_153, %cond3A_154 : i32
      scf.if %cond3A_155 {
        %mul3A_156 = arith.constant 80 : i32
        %mul3A_157 = arith.muli %add3A_150, %mul3A_156 : i32
        %add3A_158 = arith.addi %mul3A_6, %mul3A_157 : i32
        %dma_start3A_159 = tpu.memref_slice %arg2[%add3A_158] : memref<320000xi32, #tpu.memory_space<hbm>> -> memref<80xi32, #tpu.memory_space<hbm>>
        %dma_start3A_160 = tpu.memref_slice %arg2[%add3A_158] : memref<320000xi32, #tpu.memory_space<hbm>> -> memref<80xi32, #tpu.memory_space<hbm>>
        tpu.enqueue_dma source(%dma_start3A_160 : memref<80xi32, #tpu.memory_space<hbm>>) target(%arg11 : memref<80xi32, #tpu.memory_space<vmem>>) target_semaphore(%arg23 : memref<!tpu.dma_semaphore, #tpu.memory_space<semaphore_mem>>)
        %dma_start3A_161 = tpu.memref_slice %arg3[%add3A_158] : memref<320000xi32, #tpu.memory_space<hbm>> -> memref<80xi32, #tpu.memory_space<hbm>>
        %dma_start3A_162 = tpu.memref_slice %arg3[%add3A_158] : memref<320000xi32, #tpu.memory_space<hbm>> -> memref<80xi32, #tpu.memory_space<hbm>>
        tpu.enqueue_dma source(%dma_start3A_162 : memref<80xi32, #tpu.memory_space<hbm>>) target(%arg15 : memref<80xi32, #tpu.memory_space<vmem>>) target_semaphore(%arg27 : memref<!tpu.dma_semaphore, #tpu.memory_space<semaphore_mem>>)
      } else {
      }
    }
    %scan3A_34 = arith.constant 31 : i32
    %dma_wait3A = arith.constant 0 : i32
    %dma_wait3A_35 = tpu.memref_slice %arg2[%dma_wait3A] : memref<320000xi32, #tpu.memory_space<hbm>> -> memref<80xi32, #tpu.memory_space<hbm>>
    %dma_wait3A_36 = arith.constant 0 : i32
    %dma_wait3A_37 = tpu.memref_slice %arg2[%dma_wait3A_36] : memref<320000xi32, #tpu.memory_space<hbm>> -> memref<80xi32, #tpu.memory_space<hbm>>
    tpu.wait_dma2 semaphore(%arg20 : memref<!tpu.dma_semaphore, #tpu.memory_space<semaphore_mem>>) src(%dma_wait3A_37 : memref<80xi32, #tpu.memory_space<hbm>>) dst(%arg8 : memref<80xi32, #tpu.memory_space<vmem>>)
    %dma_wait3A_38 = arith.constant 0 : i32
    %dma_wait3A_39 = tpu.memref_slice %arg3[%dma_wait3A_38] : memref<320000xi32, #tpu.memory_space<hbm>> -> memref<80xi32, #tpu.memory_space<hbm>>
    %dma_wait3A_40 = arith.constant 0 : i32
    %dma_wait3A_41 = tpu.memref_slice %arg3[%dma_wait3A_40] : memref<320000xi32, #tpu.memory_space<hbm>> -> memref<80xi32, #tpu.memory_space<hbm>>
    tpu.wait_dma2 semaphore(%arg24 : memref<!tpu.dma_semaphore, #tpu.memory_space<semaphore_mem>>) src(%dma_wait3A_41 : memref<80xi32, #tpu.memory_space<hbm>>) dst(%arg12 : memref<80xi32, #tpu.memory_space<vmem>>)
    %dma_start3A_42 = arith.constant 0 : i32
    %dma_start3A_43 = arith.constant 0 : i32
    %dma_start3A_44 = tpu.memref_slice %arg4[%dma_start3A_42, %dma_start3A_43] : memref<10000x128xf32, #tpu.memory_space<hbm>> -> memref<10000x128xf32, #tpu.memory_space<hbm>>
    tpu.enqueue_indirect_dma source(%dma_start3A_44 : memref<10000x128xf32, #tpu.memory_space<hbm>>) target(%arg16 : memref<80x128xf32, #tpu.memory_space<vmem>>) offsets(%arg8 : memref<80xi32, #tpu.memory_space<vmem>>) semaphore(%arg28 : memref<!tpu.dma_semaphore, #tpu.memory_space<semaphore_mem>>)
    %dma_wait3A_45 = arith.constant 0 : i32
    %dma_wait3A_46 = arith.constant 0 : i32
    %dma_wait3A_47 = tpu.memref_slice %arg4[%dma_wait3A_45, %dma_wait3A_46] : memref<10000x128xf32, #tpu.memory_space<hbm>> -> memref<10000x128xf32, #tpu.memory_space<hbm>>
    tpu.wait_indirect_dma semaphore(%arg28 : memref<!tpu.dma_semaphore, #tpu.memory_space<semaphore_mem>>) src(%dma_wait3A_47 : memref<10000x128xf32, #tpu.memory_space<hbm>>) dst(%arg16 : memref<80x128xf32, #tpu.memory_space<vmem>>)
    "tpu.region"() ({
      %run_scoped3A = tpu.sem_alloc : memref<!tpu.dma_semaphore, #tpu.memory_space<semaphore_mem>>
      %dma_start3A_54 = arith.constant 0 : i32
      %dma_start3A_55 = arith.constant 0 : i32
      %dma_start3A_56 = tpu.memref_slice %arg7[%dma_start3A_54, %dma_start3A_55] : memref<10000x128xf32, #tpu.memory_space<vmem_shared>> -> memref<10000x128xf32, #tpu.memory_space<vmem_shared>>
      tpu.enqueue_indirect_dma source(%arg16 : memref<80x128xf32, #tpu.memory_space<vmem>>) target(%dma_start3A_56 : memref<10000x128xf32, #tpu.memory_space<vmem_shared>>) offsets(%arg12 : memref<80xi32, #tpu.memory_space<vmem>>) semaphore(%run_scoped3A : memref<!tpu.dma_semaphore, #tpu.memory_space<semaphore_mem>>) {add = true}
      %dma_wait3A_57 = arith.constant 0 : i32
      %dma_wait3A_58 = arith.constant 0 : i32
      %dma_wait3A_59 = tpu.memref_slice %arg7[%dma_wait3A_57, %dma_wait3A_58] : memref<10000x128xf32, #tpu.memory_space<vmem_shared>> -> memref<10000x128xf32, #tpu.memory_space<vmem_shared>>
      tpu.wait_indirect_dma semaphore(%run_scoped3A : memref<!tpu.dma_semaphore, #tpu.memory_space<semaphore_mem>>) src(%arg16 : memref<80x128xf32, #tpu.memory_space<vmem>>) dst(%dma_wait3A_59 : memref<10000x128xf32, #tpu.memory_space<vmem_shared>>)
      tpu.yield
    }) : () -> ()
    %barrier3A_48 = arith.constant 0 : index
    tpu.barrier barrier_id(%barrier3A_48)
    "tpu.region"() ({
      %run_scoped3A = tpu.sem_alloc : memref<!tpu.dma_semaphore, #tpu.memory_space<semaphore_mem>>
      %dma_start3A_54 = arith.constant 0 : i32
      %dma_start3A_55 = tpu.memref_slice %arg6[%arg0, %mul3A_2, %dma_start3A_54] : memref<2x10000x128xf32, #tpu.memory_space<hbm>> -> memref<1x624x128xf32, #tpu.memory_space<hbm>>
      %dma_start3A_56 = tpu.memref_squeeze %dma_start3A_55 : memref<1x624x128xf32, #tpu.memory_space<hbm>> -> memref<624x128xf32, #tpu.memory_space<hbm>>
      %dma_start3A_57 = arith.constant 0 : i32
      %dma_start3A_58 = tpu.memref_slice %arg7[%mul3A_2, %dma_start3A_57] : memref<10000x128xf32, #tpu.memory_space<vmem_shared>> -> memref<624x128xf32, #tpu.memory_space<vmem_shared>>
      tpu.enqueue_dma source(%dma_start3A_58 : memref<624x128xf32, #tpu.memory_space<vmem_shared>>) target(%dma_start3A_56 : memref<624x128xf32, #tpu.memory_space<hbm>>) target_semaphore(%run_scoped3A : memref<!tpu.dma_semaphore, #tpu.memory_space<semaphore_mem>>)
      %dma_wait3A_59 = arith.constant 0 : i32
      %dma_wait3A_60 = tpu.memref_slice %arg6[%arg0, %mul3A_2, %dma_wait3A_59] : memref<2x10000x128xf32, #tpu.memory_space<hbm>> -> memref<1x624x128xf32, #tpu.memory_space<hbm>>
      %dma_wait3A_61 = tpu.memref_squeeze %dma_wait3A_60 : memref<1x624x128xf32, #tpu.memory_space<hbm>> -> memref<624x128xf32, #tpu.memory_space<hbm>>
      %dma_wait3A_62 = arith.constant 0 : i32
      %dma_wait3A_63 = tpu.memref_slice %arg7[%mul3A_2, %dma_wait3A_62] : memref<10000x128xf32, #tpu.memory_space<vmem_shared>> -> memref<624x128xf32, #tpu.memory_space<vmem_shared>>
      tpu.wait_dma2 semaphore(%run_scoped3A : memref<!tpu.dma_semaphore, #tpu.memory_space<semaphore_mem>>) src(%dma_wait3A_63 : memref<624x128xf32, #tpu.memory_space<vmem_shared>>) dst(%dma_wait3A_61 : memref<624x128xf32, #tpu.memory_space<hbm>>)
      tpu.yield
    }) : () -> ()
    %eq3A_49 = arith.constant 15 : i32
    %eq3A_50 = arith.cmpi eq, %arg1, %eq3A_49 : i32
    %convert_element_type3A_51 = arith.extui %eq3A_50 : i1 to i32
    %cond3A_52 = arith.constant 0 : i32
    %cond3A_53 = arith.cmpi ne, %convert_element_type3A_51, %cond3A_52 : i32
    scf.if %cond3A_53 {
      "tpu.region"() ({
        %run_scoped3A = tpu.sem_alloc : memref<!tpu.dma_semaphore, #tpu.memory_space<semaphore_mem>>
        %dma_start3A_54 = arith.constant 9984 : i32
        %dma_start3A_55 = arith.constant 0 : i32
        %dma_start3A_56 = tpu.memref_slice %arg6[%arg0, %dma_start3A_54, %dma_start3A_55] : memref<2x10000x128xf32, #tpu.memory_space<hbm>> -> memref<1x16x128xf32, #tpu.memory_space<hbm>>
        %dma_start3A_57 = tpu.memref_squeeze %dma_start3A_56 : memref<1x16x128xf32, #tpu.memory_space<hbm>> -> memref<16x128xf32, #tpu.memory_space<hbm>>
        %dma_start3A_58 = arith.constant 9984 : i32
        %dma_start3A_59 = arith.constant 0 : i32
        %dma_start3A_60 = tpu.memref_slice %arg7[%dma_start3A_58, %dma_start3A_59] : memref<10000x128xf32, #tpu.memory_space<vmem_shared>> -> memref<16x128xf32, #tpu.memory_space<vmem_shared>>
        tpu.enqueue_dma source(%dma_start3A_60 : memref<16x128xf32, #tpu.memory_space<vmem_shared>>) target(%dma_start3A_57 : memref<16x128xf32, #tpu.memory_space<hbm>>) target_semaphore(%run_scoped3A : memref<!tpu.dma_semaphore, #tpu.memory_space<semaphore_mem>>)
        %dma_wait3A_61 = arith.constant 9984 : i32
        %dma_wait3A_62 = arith.constant 0 : i32
        %dma_wait3A_63 = tpu.memref_slice %arg6[%arg0, %dma_wait3A_61, %dma_wait3A_62] : memref<2x10000x128xf32, #tpu.memory_space<hbm>> -> memref<1x16x128xf32, #tpu.memory_space<hbm>>
        %dma_wait3A_64 = tpu.memref_squeeze %dma_wait3A_63 : memref<1x16x128xf32, #tpu.memory_space<hbm>> -> memref<16x128xf32, #tpu.memory_space<hbm>>
        %dma_wait3A_65 = arith.constant 9984 : i32
        %dma_wait3A_66 = arith.constant 0 : i32
        %dma_wait3A_67 = tpu.memref_slice %arg7[%dma_wait3A_65, %dma_wait3A_66] : memref<10000x128xf32, #tpu.memory_space<vmem_shared>> -> memref<16x128xf32, #tpu.memory_space<vmem_shared>>
        tpu.wait_dma2 semaphore(%run_scoped3A : memref<!tpu.dma_semaphore, #tpu.memory_space<semaphore_mem>>) src(%dma_wait3A_67 : memref<16x128xf32, #tpu.memory_space<vmem_shared>>) dst(%dma_wait3A_64 : memref<16x128xf32, #tpu.memory_space<hbm>>)
        tpu.yield
      }) : () -> ()
    } else {
    }
    return
  }
}

#map = affine_map<(d0, d1) -> (0)>
#map1 = affine_map<(d0, d1) -> (0, 0)>
#map2 = affine_map<(d0, d1) -> (0, 0, 0)>
module attributes {stable_mosaic.version = 14 : i64} {
  func.func @agg(%arg0: i32, %arg1: i32, %arg2: memref<320000xi32, #tpu.memory_space<hbm>>, %arg3: memref<320000xi32, #tpu.memory_space<hbm>>, %arg4: memref<10000x128xf32, #tpu.memory_space<hbm>>, %arg5: memref<10000x128xf32, #tpu.memory_space<hbm>>, %arg6: memref<2x10000x128xf32, #tpu.memory_space<hbm>>, %arg7: memref<10000x128xf32, #tpu.memory_space<vmem_shared>>, %arg8: memref<80xi32, #tpu.memory_space<vmem>>, %arg9: memref<80xi32, #tpu.memory_space<vmem>>, %arg10: memref<80xi32, #tpu.memory_space<vmem>>, %arg11: memref<80xi32, #tpu.memory_space<vmem>>, %arg12: memref<80xi32, #tpu.memory_space<vmem>>, %arg13: memref<80xi32, #tpu.memory_space<vmem>>, %arg14: memref<80xi32, #tpu.memory_space<vmem>>, %arg15: memref<80xi32, #tpu.memory_space<vmem>>, %arg16: memref<80x128xf32, #tpu.memory_space<vmem>>, %arg17: memref<80x128xf32, #tpu.memory_space<vmem>>, %arg18: memref<80x128xf32, #tpu.memory_space<vmem>>, %arg19: memref<80x128xf32, #tpu.memory_space<vmem>>, %arg20: memref<!tpu.dma_semaphore, #tpu.memory_space<semaphore_mem>>, %arg21: memref<!tpu.dma_semaphore, #tpu.memory_space<semaphore_mem>>, %arg22: memref<!tpu.dma_semaphore, #tpu.memory_space<semaphore_mem>>, %arg23: memref<!tpu.dma_semaphore, #tpu.memory_space<semaphore_mem>>, %arg24: memref<!tpu.dma_semaphore, #tpu.memory_space<semaphore_mem>>, %arg25: memref<!tpu.dma_semaphore, #tpu.memory_space<semaphore_mem>>, %arg26: memref<!tpu.dma_semaphore, #tpu.memory_space<semaphore_mem>>, %arg27: memref<!tpu.dma_semaphore, #tpu.memory_space<semaphore_mem>>, %arg28: memref<!tpu.dma_semaphore, #tpu.memory_space<semaphore_mem>>, %arg29: memref<!tpu.dma_semaphore, #tpu.memory_space<semaphore_mem>>, %arg30: memref<!tpu.dma_semaphore, #tpu.memory_space<semaphore_mem>>, %arg31: memref<!tpu.dma_semaphore, #tpu.memory_space<semaphore_mem>>) attributes {dimension_semantics = [#tpu.dimension_semantics<core_parallel>, #tpu.dimension_semantics<subcore_parallel>], iteration_bounds = array<i64: 2, 16>, scalar_prefetch = 0 : i64, scratch_operands = 25 : i64, tpu.core_type = #tpu.core_type<sc_vector_subcore>, window_params = [{transform_indices = #map}, {transform_indices = #map}, {transform_indices = #map1}, {transform_indices = #map1}, {transform_indices = #map2}]} {
    %mul3A = arith.constant 16 : i32
    %mul3A_0 = arith.muli %arg0, %mul3A : i32
    %add3A = arith.addi %mul3A_0, %arg1 : i32
    %mul3A_1 = arith.constant 624 : i32
    %mul3A_2 = arith.muli %arg1, %mul3A_1 : i32
    "tpu.region"() ({
      %run_scoped3A = tpu.sem_alloc : memref<!tpu.dma_semaphore, #tpu.memory_space<semaphore_mem>>
      %dma_start3A_54 = arith.constant 0 : i32
      %dma_start3A_55 = tpu.memref_slice %arg7[%mul3A_2, %dma_start3A_54] : memref<10000x128xf32, #tpu.memory_space<vmem_shared>> -> memref<624x128xf32, #tpu.memory_space<vmem_shared>>
      %dma_start3A_56 = arith.constant 0 : i32
      %dma_start3A_57 = tpu.memref_slice %arg5[%mul3A_2, %dma_start3A_56] : memref<10000x128xf32, #tpu.memory_space<hbm>> -> memref<624x128xf32, #tpu.memory_space<hbm>>
      tpu.enqueue_dma source(%dma_start3A_57 : memref<624x128xf32, #tpu.memory_space<hbm>>) target(%dma_start3A_55 : memref<624x128xf32, #tpu.memory_space<vmem_shared>>) target_semaphore(%run_scoped3A : memref<!tpu.dma_semaphore, #tpu.memory_space<semaphore_mem>>)
      %dma_wait3A_58 = arith.constant 0 : i32
      %dma_wait3A_59 = tpu.memref_slice %arg7[%mul3A_2, %dma_wait3A_58] : memref<10000x128xf32, #tpu.memory_space<vmem_shared>> -> memref<624x128xf32, #tpu.memory_space<vmem_shared>>
      %dma_wait3A_60 = arith.constant 0 : i32
      %dma_wait3A_61 = tpu.memref_slice %arg5[%mul3A_2, %dma_wait3A_60] : memref<10000x128xf32, #tpu.memory_space<hbm>> -> memref<624x128xf32, #tpu.memory_space<hbm>>
      tpu.wait_dma2 semaphore(%run_scoped3A : memref<!tpu.dma_semaphore, #tpu.memory_space<semaphore_mem>>) src(%dma_wait3A_61 : memref<624x128xf32, #tpu.memory_space<hbm>>) dst(%dma_wait3A_59 : memref<624x128xf32, #tpu.memory_space<vmem_shared>>)
      tpu.yield
    }) : () -> ()
    %eq3A = arith.constant 15 : i32
    %eq3A_3 = arith.cmpi eq, %arg1, %eq3A : i32
    %convert_element_type3A = arith.extui %eq3A_3 : i1 to i32
    %cond3A = arith.constant 0 : i32
    %cond3A_4 = arith.cmpi ne, %convert_element_type3A, %cond3A : i32
    scf.if %cond3A_4 {
      "tpu.region"() ({
        %run_scoped3A = tpu.sem_alloc : memref<!tpu.dma_semaphore, #tpu.memory_space<semaphore_mem>>
        %dma_start3A_54 = arith.constant 9984 : i32
        %dma_start3A_55 = arith.constant 0 : i32
        %dma_start3A_56 = tpu.memref_slice %arg7[%dma_start3A_54, %dma_start3A_55] : memref<10000x128xf32, #tpu.memory_space<vmem_shared>> -> memref<16x128xf32, #tpu.memory_space<vmem_shared>>
        %dma_start3A_57 = arith.constant 9984 : i32
        %dma_start3A_58 = arith.constant 0 : i32
        %dma_start3A_59 = tpu.memref_slice %arg5[%dma_start3A_57, %dma_start3A_58] : memref<10000x128xf32, #tpu.memory_space<hbm>> -> memref<16x128xf32, #tpu.memory_space<hbm>>
        tpu.enqueue_dma source(%dma_start3A_59 : memref<16x128xf32, #tpu.memory_space<hbm>>) target(%dma_start3A_56 : memref<16x128xf32, #tpu.memory_space<vmem_shared>>) target_semaphore(%run_scoped3A : memref<!tpu.dma_semaphore, #tpu.memory_space<semaphore_mem>>)
        %dma_wait3A_60 = arith.constant 9984 : i32
        %dma_wait3A_61 = arith.constant 0 : i32
        %dma_wait3A_62 = tpu.memref_slice %arg7[%dma_wait3A_60, %dma_wait3A_61] : memref<10000x128xf32, #tpu.memory_space<vmem_shared>> -> memref<16x128xf32, #tpu.memory_space<vmem_shared>>
        %dma_wait3A_63 = arith.constant 9984 : i32
        %dma_wait3A_64 = arith.constant 0 : i32
        %dma_wait3A_65 = tpu.memref_slice %arg5[%dma_wait3A_63, %dma_wait3A_64] : memref<10000x128xf32, #tpu.memory_space<hbm>> -> memref<16x128xf32, #tpu.memory_space<hbm>>
        tpu.wait_dma2 semaphore(%run_scoped3A : memref<!tpu.dma_semaphore, #tpu.memory_space<semaphore_mem>>) src(%dma_wait3A_65 : memref<16x128xf32, #tpu.memory_space<hbm>>) dst(%dma_wait3A_62 : memref<16x128xf32, #tpu.memory_space<vmem_shared>>)
        tpu.yield
      }) : () -> ()
    } else {
    }
    %mul3A_5 = arith.constant 10000 : i32
    %mul3A_6 = arith.muli %add3A, %mul3A_5 : i32
    %barrier3A = arith.constant 0 : index
    tpu.barrier barrier_id(%barrier3A)
    %add3A_7 = arith.constant 0 : i32
    %add3A_8 = arith.addi %mul3A_6, %add3A_7 : i32
    %dma_start3A = tpu.memref_slice %arg2[%add3A_8] : memref<320000xi32, #tpu.memory_space<hbm>> -> memref<80xi32, #tpu.memory_space<hbm>>
    %dma_start3A_9 = tpu.memref_slice %arg2[%add3A_8] : memref<320000xi32, #tpu.memory_space<hbm>> -> memref<80xi32, #tpu.memory_space<hbm>>
    tpu.enqueue_dma source(%dma_start3A_9 : memref<80xi32, #tpu.memory_space<hbm>>) target(%arg8 : memref<80xi32, #tpu.memory_space<vmem>>) target_semaphore(%arg20 : memref<!tpu.dma_semaphore, #tpu.memory_space<semaphore_mem>>)
    %dma_start3A_10 = tpu.memref_slice %arg3[%add3A_8] : memref<320000xi32, #tpu.memory_space<hbm>> -> memref<80xi32, #tpu.memory_space<hbm>>
    %dma_start3A_11 = tpu.memref_slice %arg3[%add3A_8] : memref<320000xi32, #tpu.memory_space<hbm>> -> memref<80xi32, #tpu.memory_space<hbm>>
    tpu.enqueue_dma source(%dma_start3A_11 : memref<80xi32, #tpu.memory_space<hbm>>) target(%arg12 : memref<80xi32, #tpu.memory_space<vmem>>) target_semaphore(%arg24 : memref<!tpu.dma_semaphore, #tpu.memory_space<semaphore_mem>>)
    %add3A_12 = arith.constant 80 : i32
    %add3A_13 = arith.addi %mul3A_6, %add3A_12 : i32
    %dma_start3A_14 = tpu.memref_slice %arg2[%add3A_13] : memref<320000xi32, #tpu.memory_space<hbm>> -> memref<80xi32, #tpu.memory_space<hbm>>
    %dma_start3A_15 = tpu.memref_slice %arg2[%add3A_13] : memref<320000xi32, #tpu.memory_space<hbm>> -> memref<80xi32, #tpu.memory_space<hbm>>
    tpu.enqueue_dma source(%dma_start3A_15 : memref<80xi32, #tpu.memory_space<hbm>>) target(%arg9 : memref<80xi32, #tpu.memory_space<vmem>>) target_semaphore(%arg21 : memref<!tpu.dma_semaphore, #tpu.memory_space<semaphore_mem>>)
    %dma_start3A_16 = tpu.memref_slice %arg3[%add3A_13] : memref<320000xi32, #tpu.memory_space<hbm>> -> memref<80xi32, #tpu.memory_space<hbm>>
    %dma_start3A_17 = tpu.memref_slice %arg3[%add3A_13] : memref<320000xi32, #tpu.memory_space<hbm>> -> memref<80xi32, #tpu.memory_space<hbm>>
    tpu.enqueue_dma source(%dma_start3A_17 : memref<80xi32, #tpu.memory_space<hbm>>) target(%arg13 : memref<80xi32, #tpu.memory_space<vmem>>) target_semaphore(%arg25 : memref<!tpu.dma_semaphore, #tpu.memory_space<semaphore_mem>>)
    %add3A_18 = arith.constant 160 : i32
    %add3A_19 = arith.addi %mul3A_6, %add3A_18 : i32
    %dma_start3A_20 = tpu.memref_slice %arg2[%add3A_19] : memref<320000xi32, #tpu.memory_space<hbm>> -> memref<80xi32, #tpu.memory_space<hbm>>
    %dma_start3A_21 = tpu.memref_slice %arg2[%add3A_19] : memref<320000xi32, #tpu.memory_space<hbm>> -> memref<80xi32, #tpu.memory_space<hbm>>
    tpu.enqueue_dma source(%dma_start3A_21 : memref<80xi32, #tpu.memory_space<hbm>>) target(%arg10 : memref<80xi32, #tpu.memory_space<vmem>>) target_semaphore(%arg22 : memref<!tpu.dma_semaphore, #tpu.memory_space<semaphore_mem>>)
    %dma_start3A_22 = tpu.memref_slice %arg3[%add3A_19] : memref<320000xi32, #tpu.memory_space<hbm>> -> memref<80xi32, #tpu.memory_space<hbm>>
    %dma_start3A_23 = tpu.memref_slice %arg3[%add3A_19] : memref<320000xi32, #tpu.memory_space<hbm>> -> memref<80xi32, #tpu.memory_space<hbm>>
    tpu.enqueue_dma source(%dma_start3A_23 : memref<80xi32, #tpu.memory_space<hbm>>) target(%arg14 : memref<80xi32, #tpu.memory_space<vmem>>) target_semaphore(%arg26 : memref<!tpu.dma_semaphore, #tpu.memory_space<semaphore_mem>>)
    %add3A_24 = arith.constant 240 : i32
    %add3A_25 = arith.addi %mul3A_6, %add3A_24 : i32
    %dma_start3A_26 = tpu.memref_slice %arg2[%add3A_25] : memref<320000xi32, #tpu.memory_space<hbm>> -> memref<80xi32, #tpu.memory_space<hbm>>
    %dma_start3A_27 = tpu.memref_slice %arg2[%add3A_25] : memref<320000xi32, #tpu.memory_space<hbm>> -> memref<80xi32, #tpu.memory_space<hbm>>
    tpu.enqueue_dma source(%dma_start3A_27 : memref<80xi32, #tpu.memory_space<hbm>>) target(%arg11 : memref<80xi32, #tpu.memory_space<vmem>>) target_semaphore(%arg23 : memref<!tpu.dma_semaphore, #tpu.memory_space<semaphore_mem>>)
    %dma_start3A_28 = tpu.memref_slice %arg3[%add3A_25] : memref<320000xi32, #tpu.memory_space<hbm>> -> memref<80xi32, #tpu.memory_space<hbm>>
    %dma_start3A_29 = tpu.memref_slice %arg3[%add3A_25] : memref<320000xi32, #tpu.memory_space<hbm>> -> memref<80xi32, #tpu.memory_space<hbm>>
    tpu.enqueue_dma source(%dma_start3A_29 : memref<80xi32, #tpu.memory_space<hbm>>) target(%arg15 : memref<80xi32, #tpu.memory_space<vmem>>) target_semaphore(%arg27 : memref<!tpu.dma_semaphore, #tpu.memory_space<semaphore_mem>>)
    %scan3A = arith.constant 0 : i32
    %scan3A_30 = arith.constant 0 : i32
    %scan3A_31 = arith.constant 31 : i32
    %scan3A_32 = arith.addi %scan3A_30, %scan3A_31 : i32
    %scan3A_33 = arith.constant 1 : i32
    scf.for %scan3A_54 = %scan3A_30 to %scan3A_32 step %scan3A_33  : i32 {
      %dma_wait3A_55 = arith.constant 0 : i32
      %dma_wait3A_56 = tpu.memref_slice %arg2[%dma_wait3A_55] : memref<320000xi32, #tpu.memory_space<hbm>> -> memref<80xi32, #tpu.memory_space<hbm>>
      %dma_wait3A_57 = arith.constant 0 : i32
      %dma_wait3A_58 = tpu.memref_slice %arg2[%dma_wait3A_57] : memref<320000xi32, #tpu.memory_space<hbm>> -> memref<80xi32, #tpu.memory_space<hbm>>
      tpu.wait_dma2 semaphore(%arg20 : memref<!tpu.dma_semaphore, #tpu.memory_space<semaphore_mem>>) src(%dma_wait3A_58 : memref<80xi32, #tpu.memory_space<hbm>>) dst(%arg8 : memref<80xi32, #tpu.memory_space<vmem>>)
      %dma_wait3A_59 = arith.constant 0 : i32
      %dma_wait3A_60 = tpu.memref_slice %arg3[%dma_wait3A_59] : memref<320000xi32, #tpu.memory_space<hbm>> -> memref<80xi32, #tpu.memory_space<hbm>>
      %dma_wait3A_61 = arith.constant 0 : i32
      %dma_wait3A_62 = tpu.memref_slice %arg3[%dma_wait3A_61] : memref<320000xi32, #tpu.memory_space<hbm>> -> memref<80xi32, #tpu.memory_space<hbm>>
      tpu.wait_dma2 semaphore(%arg24 : memref<!tpu.dma_semaphore, #tpu.memory_space<semaphore_mem>>) src(%dma_wait3A_62 : memref<80xi32, #tpu.memory_space<hbm>>) dst(%arg12 : memref<80xi32, #tpu.memory_space<vmem>>)
      %dma_start3A_63 = arith.constant 0 : i32
      %dma_start3A_64 = arith.constant 0 : i32
      %dma_start3A_65 = tpu.memref_slice %arg4[%dma_start3A_63, %dma_start3A_64] : memref<10000x128xf32, #tpu.memory_space<hbm>> -> memref<10000x128xf32, #tpu.memory_space<hbm>>
      tpu.enqueue_indirect_dma source(%dma_start3A_65 : memref<10000x128xf32, #tpu.memory_space<hbm>>) target(%arg16 : memref<80x128xf32, #tpu.memory_space<vmem>>) offsets(%arg8 : memref<80xi32, #tpu.memory_space<vmem>>) semaphore(%arg28 : memref<!tpu.dma_semaphore, #tpu.memory_space<semaphore_mem>>)
      %dma_wait3A_66 = arith.constant 0 : i32
      %dma_wait3A_67 = tpu.memref_slice %arg2[%dma_wait3A_66] : memref<320000xi32, #tpu.memory_space<hbm>> -> memref<80xi32, #tpu.memory_space<hbm>>
      %dma_wait3A_68 = arith.constant 0 : i32
      %dma_wait3A_69 = tpu.memref_slice %arg2[%dma_wait3A_68] : memref<320000xi32, #tpu.memory_space<hbm>> -> memref<80xi32, #tpu.memory_space<hbm>>
      tpu.wait_dma2 semaphore(%arg21 : memref<!tpu.dma_semaphore, #tpu.memory_space<semaphore_mem>>) src(%dma_wait3A_69 : memref<80xi32, #tpu.memory_space<hbm>>) dst(%arg9 : memref<80xi32, #tpu.memory_space<vmem>>)
      %dma_wait3A_70 = arith.constant 0 : i32
      %dma_wait3A_71 = tpu.memref_slice %arg3[%dma_wait3A_70] : memref<320000xi32, #tpu.memory_space<hbm>> -> memref<80xi32, #tpu.memory_space<hbm>>
      %dma_wait3A_72 = arith.constant 0 : i32
      %dma_wait3A_73 = tpu.memref_slice %arg3[%dma_wait3A_72] : memref<320000xi32, #tpu.memory_space<hbm>> -> memref<80xi32, #tpu.memory_space<hbm>>
      tpu.wait_dma2 semaphore(%arg25 : memref<!tpu.dma_semaphore, #tpu.memory_space<semaphore_mem>>) src(%dma_wait3A_73 : memref<80xi32, #tpu.memory_space<hbm>>) dst(%arg13 : memref<80xi32, #tpu.memory_space<vmem>>)
      %dma_start3A_74 = arith.constant 0 : i32
      %dma_start3A_75 = arith.constant 0 : i32
      %dma_start3A_76 = tpu.memref_slice %arg4[%dma_start3A_74, %dma_start3A_75] : memref<10000x128xf32, #tpu.memory_space<hbm>> -> memref<10000x128xf32, #tpu.memory_space<hbm>>
      tpu.enqueue_indirect_dma source(%dma_start3A_76 : memref<10000x128xf32, #tpu.memory_space<hbm>>) target(%arg17 : memref<80x128xf32, #tpu.memory_space<vmem>>) offsets(%arg9 : memref<80xi32, #tpu.memory_space<vmem>>) semaphore(%arg29 : memref<!tpu.dma_semaphore, #tpu.memory_space<semaphore_mem>>)
      %dma_wait3A_77 = arith.constant 0 : i32
      %dma_wait3A_78 = tpu.memref_slice %arg2[%dma_wait3A_77] : memref<320000xi32, #tpu.memory_space<hbm>> -> memref<80xi32, #tpu.memory_space<hbm>>
      %dma_wait3A_79 = arith.constant 0 : i32
      %dma_wait3A_80 = tpu.memref_slice %arg2[%dma_wait3A_79] : memref<320000xi32, #tpu.memory_space<hbm>> -> memref<80xi32, #tpu.memory_space<hbm>>
      tpu.wait_dma2 semaphore(%arg22 : memref<!tpu.dma_semaphore, #tpu.memory_space<semaphore_mem>>) src(%dma_wait3A_80 : memref<80xi32, #tpu.memory_space<hbm>>) dst(%arg10 : memref<80xi32, #tpu.memory_space<vmem>>)
      %dma_wait3A_81 = arith.constant 0 : i32
      %dma_wait3A_82 = tpu.memref_slice %arg3[%dma_wait3A_81] : memref<320000xi32, #tpu.memory_space<hbm>> -> memref<80xi32, #tpu.memory_space<hbm>>
      %dma_wait3A_83 = arith.constant 0 : i32
      %dma_wait3A_84 = tpu.memref_slice %arg3[%dma_wait3A_83] : memref<320000xi32, #tpu.memory_space<hbm>> -> memref<80xi32, #tpu.memory_space<hbm>>
      tpu.wait_dma2 semaphore(%arg26 : memref<!tpu.dma_semaphore, #tpu.memory_space<semaphore_mem>>) src(%dma_wait3A_84 : memref<80xi32, #tpu.memory_space<hbm>>) dst(%arg14 : memref<80xi32, #tpu.memory_space<vmem>>)
      %dma_start3A_85 = arith.constant 0 : i32
      %dma_start3A_86 = arith.constant 0 : i32
      %dma_start3A_87 = tpu.memref_slice %arg4[%dma_start3A_85, %dma_start3A_86] : memref<10000x128xf32, #tpu.memory_space<hbm>> -> memref<10000x128xf32, #tpu.memory_space<hbm>>
      tpu.enqueue_indirect_dma source(%dma_start3A_87 : memref<10000x128xf32, #tpu.memory_space<hbm>>) target(%arg18 : memref<80x128xf32, #tpu.memory_space<vmem>>) offsets(%arg10 : memref<80xi32, #tpu.memory_space<vmem>>) semaphore(%arg30 : memref<!tpu.dma_semaphore, #tpu.memory_space<semaphore_mem>>)
      %dma_wait3A_88 = arith.constant 0 : i32
      %dma_wait3A_89 = tpu.memref_slice %arg2[%dma_wait3A_88] : memref<320000xi32, #tpu.memory_space<hbm>> -> memref<80xi32, #tpu.memory_space<hbm>>
      %dma_wait3A_90 = arith.constant 0 : i32
      %dma_wait3A_91 = tpu.memref_slice %arg2[%dma_wait3A_90] : memref<320000xi32, #tpu.memory_space<hbm>> -> memref<80xi32, #tpu.memory_space<hbm>>
      tpu.wait_dma2 semaphore(%arg23 : memref<!tpu.dma_semaphore, #tpu.memory_space<semaphore_mem>>) src(%dma_wait3A_91 : memref<80xi32, #tpu.memory_space<hbm>>) dst(%arg11 : memref<80xi32, #tpu.memory_space<vmem>>)
      %dma_wait3A_92 = arith.constant 0 : i32
      %dma_wait3A_93 = tpu.memref_slice %arg3[%dma_wait3A_92] : memref<320000xi32, #tpu.memory_space<hbm>> -> memref<80xi32, #tpu.memory_space<hbm>>
      %dma_wait3A_94 = arith.constant 0 : i32
      %dma_wait3A_95 = tpu.memref_slice %arg3[%dma_wait3A_94] : memref<320000xi32, #tpu.memory_space<hbm>> -> memref<80xi32, #tpu.memory_space<hbm>>
      tpu.wait_dma2 semaphore(%arg27 : memref<!tpu.dma_semaphore, #tpu.memory_space<semaphore_mem>>) src(%dma_wait3A_95 : memref<80xi32, #tpu.memory_space<hbm>>) dst(%arg15 : memref<80xi32, #tpu.memory_space<vmem>>)
      %dma_start3A_96 = arith.constant 0 : i32
      %dma_start3A_97 = arith.constant 0 : i32
      %dma_start3A_98 = tpu.memref_slice %arg4[%dma_start3A_96, %dma_start3A_97] : memref<10000x128xf32, #tpu.memory_space<hbm>> -> memref<10000x128xf32, #tpu.memory_space<hbm>>
      tpu.enqueue_indirect_dma source(%dma_start3A_98 : memref<10000x128xf32, #tpu.memory_space<hbm>>) target(%arg19 : memref<80x128xf32, #tpu.memory_space<vmem>>) offsets(%arg11 : memref<80xi32, #tpu.memory_space<vmem>>) semaphore(%arg31 : memref<!tpu.dma_semaphore, #tpu.memory_space<semaphore_mem>>)
      %dma_wait3A_99 = arith.constant 0 : i32
      %dma_wait3A_100 = arith.constant 0 : i32
      %dma_wait3A_101 = tpu.memref_slice %arg4[%dma_wait3A_99, %dma_wait3A_100] : memref<10000x128xf32, #tpu.memory_space<hbm>> -> memref<10000x128xf32, #tpu.memory_space<hbm>>
      tpu.wait_indirect_dma semaphore(%arg28 : memref<!tpu.dma_semaphore, #tpu.memory_space<semaphore_mem>>) src(%dma_wait3A_101 : memref<10000x128xf32, #tpu.memory_space<hbm>>) dst(%arg16 : memref<80x128xf32, #tpu.memory_space<vmem>>)
      "tpu.region"() ({
        %run_scoped3A = tpu.sem_alloc : memref<!tpu.dma_semaphore, #tpu.memory_space<semaphore_mem>>
        %dma_start3A_156 = arith.constant 0 : i32
        %dma_start3A_157 = arith.constant 0 : i32
        %dma_start3A_158 = tpu.memref_slice %arg7[%dma_start3A_156, %dma_start3A_157] : memref<10000x128xf32, #tpu.memory_space<vmem_shared>> -> memref<10000x128xf32, #tpu.memory_space<vmem_shared>>
        tpu.enqueue_indirect_dma source(%arg16 : memref<80x128xf32, #tpu.memory_space<vmem>>) target(%dma_start3A_158 : memref<10000x128xf32, #tpu.memory_space<vmem_shared>>) offsets(%arg12 : memref<80xi32, #tpu.memory_space<vmem>>) semaphore(%run_scoped3A : memref<!tpu.dma_semaphore, #tpu.memory_space<semaphore_mem>>) {add = true}
        %dma_wait3A_159 = arith.constant 0 : i32
        %dma_wait3A_160 = arith.constant 0 : i32
        %dma_wait3A_161 = tpu.memref_slice %arg7[%dma_wait3A_159, %dma_wait3A_160] : memref<10000x128xf32, #tpu.memory_space<vmem_shared>> -> memref<10000x128xf32, #tpu.memory_space<vmem_shared>>
        tpu.wait_indirect_dma semaphore(%run_scoped3A : memref<!tpu.dma_semaphore, #tpu.memory_space<semaphore_mem>>) src(%arg16 : memref<80x128xf32, #tpu.memory_space<vmem>>) dst(%dma_wait3A_161 : memref<10000x128xf32, #tpu.memory_space<vmem_shared>>)
        tpu.yield
      }) : () -> ()
      %add3A_102 = arith.constant 1 : i32
      %add3A_103 = arith.addi %scan3A_54, %add3A_102 : i32
      %mul3A_104 = arith.constant 4 : i32
      %mul3A_105 = arith.muli %add3A_103, %mul3A_104 : i32
      %add3A_106 = arith.constant 0 : i32
      %add3A_107 = arith.addi %mul3A_105, %add3A_106 : i32
      %mul3A_108 = arith.constant 80 : i32
      %mul3A_109 = arith.muli %add3A_107, %mul3A_108 : i32
      %add3A_110 = arith.addi %mul3A_6, %mul3A_109 : i32
      %dma_start3A_111 = tpu.memref_slice %arg2[%add3A_110] : memref<320000xi32, #tpu.memory_space<hbm>> -> memref<80xi32, #tpu.memory_space<hbm>>
      %dma_start3A_112 = tpu.memref_slice %arg2[%add3A_110] : memref<320000xi32, #tpu.memory_space<hbm>> -> memref<80xi32, #tpu.memory_space<hbm>>
      tpu.enqueue_dma source(%dma_start3A_112 : memref<80xi32, #tpu.memory_space<hbm>>) target(%arg8 : memref<80xi32, #tpu.memory_space<vmem>>) target_semaphore(%arg20 : memref<!tpu.dma_semaphore, #tpu.memory_space<semaphore_mem>>)
      %dma_start3A_113 = tpu.memref_slice %arg3[%add3A_110] : memref<320000xi32, #tpu.memory_space<hbm>> -> memref<80xi32, #tpu.memory_space<hbm>>
      %dma_start3A_114 = tpu.memref_slice %arg3[%add3A_110] : memref<320000xi32, #tpu.memory_space<hbm>> -> memref<80xi32, #tpu.memory_space<hbm>>
      tpu.enqueue_dma source(%dma_start3A_114 : memref<80xi32, #tpu.memory_space<hbm>>) target(%arg12 : memref<80xi32, #tpu.memory_space<vmem>>) target_semaphore(%arg24 : memref<!tpu.dma_semaphore, #tpu.memory_space<semaphore_mem>>)
      %dma_wait3A_115 = arith.constant 0 : i32
      %dma_wait3A_116 = arith.constant 0 : i32
      %dma_wait3A_117 = tpu.memref_slice %arg4[%dma_wait3A_115, %dma_wait3A_116] : memref<10000x128xf32, #tpu.memory_space<hbm>> -> memref<10000x128xf32, #tpu.memory_space<hbm>>
      tpu.wait_indirect_dma semaphore(%arg29 : memref<!tpu.dma_semaphore, #tpu.memory_space<semaphore_mem>>) src(%dma_wait3A_117 : memref<10000x128xf32, #tpu.memory_space<hbm>>) dst(%arg17 : memref<80x128xf32, #tpu.memory_space<vmem>>)
      "tpu.region"() ({
        %run_scoped3A = tpu.sem_alloc : memref<!tpu.dma_semaphore, #tpu.memory_space<semaphore_mem>>
        %dma_start3A_156 = arith.constant 0 : i32
        %dma_start3A_157 = arith.constant 0 : i32
        %dma_start3A_158 = tpu.memref_slice %arg7[%dma_start3A_156, %dma_start3A_157] : memref<10000x128xf32, #tpu.memory_space<vmem_shared>> -> memref<10000x128xf32, #tpu.memory_space<vmem_shared>>
        tpu.enqueue_indirect_dma source(%arg17 : memref<80x128xf32, #tpu.memory_space<vmem>>) target(%dma_start3A_158 : memref<10000x128xf32, #tpu.memory_space<vmem_shared>>) offsets(%arg13 : memref<80xi32, #tpu.memory_space<vmem>>) semaphore(%run_scoped3A : memref<!tpu.dma_semaphore, #tpu.memory_space<semaphore_mem>>) {add = true}
        %dma_wait3A_159 = arith.constant 0 : i32
        %dma_wait3A_160 = arith.constant 0 : i32
        %dma_wait3A_161 = tpu.memref_slice %arg7[%dma_wait3A_159, %dma_wait3A_160] : memref<10000x128xf32, #tpu.memory_space<vmem_shared>> -> memref<10000x128xf32, #tpu.memory_space<vmem_shared>>
        tpu.wait_indirect_dma semaphore(%run_scoped3A : memref<!tpu.dma_semaphore, #tpu.memory_space<semaphore_mem>>) src(%arg17 : memref<80x128xf32, #tpu.memory_space<vmem>>) dst(%dma_wait3A_161 : memref<10000x128xf32, #tpu.memory_space<vmem_shared>>)
        tpu.yield
      }) : () -> ()
      %add3A_118 = arith.constant 1 : i32
      %add3A_119 = arith.addi %scan3A_54, %add3A_118 : i32
      %mul3A_120 = arith.constant 4 : i32
      %mul3A_121 = arith.muli %add3A_119, %mul3A_120 : i32
      %add3A_122 = arith.constant 1 : i32
      %add3A_123 = arith.addi %mul3A_121, %add3A_122 : i32
      %lt3A = arith.constant 30 : i32
      %lt3A_124 = arith.cmpi slt, %scan3A_54, %lt3A : i32
      %convert_element_type3A_125 = arith.extui %lt3A_124 : i1 to i32
      %cond3A_126 = arith.constant 0 : i32
      %cond3A_127 = arith.cmpi ne, %convert_element_type3A_125, %cond3A_126 : i32
      scf.if %cond3A_127 {
        %mul3A_156 = arith.constant 80 : i32
        %mul3A_157 = arith.muli %add3A_123, %mul3A_156 : i32
        %add3A_158 = arith.addi %mul3A_6, %mul3A_157 : i32
        %dma_start3A_159 = tpu.memref_slice %arg2[%add3A_158] : memref<320000xi32, #tpu.memory_space<hbm>> -> memref<80xi32, #tpu.memory_space<hbm>>
        %dma_start3A_160 = tpu.memref_slice %arg2[%add3A_158] : memref<320000xi32, #tpu.memory_space<hbm>> -> memref<80xi32, #tpu.memory_space<hbm>>
        tpu.enqueue_dma source(%dma_start3A_160 : memref<80xi32, #tpu.memory_space<hbm>>) target(%arg9 : memref<80xi32, #tpu.memory_space<vmem>>) target_semaphore(%arg21 : memref<!tpu.dma_semaphore, #tpu.memory_space<semaphore_mem>>)
        %dma_start3A_161 = tpu.memref_slice %arg3[%add3A_158] : memref<320000xi32, #tpu.memory_space<hbm>> -> memref<80xi32, #tpu.memory_space<hbm>>
        %dma_start3A_162 = tpu.memref_slice %arg3[%add3A_158] : memref<320000xi32, #tpu.memory_space<hbm>> -> memref<80xi32, #tpu.memory_space<hbm>>
        tpu.enqueue_dma source(%dma_start3A_162 : memref<80xi32, #tpu.memory_space<hbm>>) target(%arg13 : memref<80xi32, #tpu.memory_space<vmem>>) target_semaphore(%arg25 : memref<!tpu.dma_semaphore, #tpu.memory_space<semaphore_mem>>)
      } else {
      }
      %dma_wait3A_128 = arith.constant 0 : i32
      %dma_wait3A_129 = arith.constant 0 : i32
      %dma_wait3A_130 = tpu.memref_slice %arg4[%dma_wait3A_128, %dma_wait3A_129] : memref<10000x128xf32, #tpu.memory_space<hbm>> -> memref<10000x128xf32, #tpu.memory_space<hbm>>
      tpu.wait_indirect_dma semaphore(%arg30 : memref<!tpu.dma_semaphore, #tpu.memory_space<semaphore_mem>>) src(%dma_wait3A_130 : memref<10000x128xf32, #tpu.memory_space<hbm>>) dst(%arg18 : memref<80x128xf32, #tpu.memory_space<vmem>>)
      "tpu.region"() ({
        %run_scoped3A = tpu.sem_alloc : memref<!tpu.dma_semaphore, #tpu.memory_space<semaphore_mem>>
        %dma_start3A_156 = arith.constant 0 : i32
        %dma_start3A_157 = arith.constant 0 : i32
        %dma_start3A_158 = tpu.memref_slice %arg7[%dma_start3A_156, %dma_start3A_157] : memref<10000x128xf32, #tpu.memory_space<vmem_shared>> -> memref<10000x128xf32, #tpu.memory_space<vmem_shared>>
        tpu.enqueue_indirect_dma source(%arg18 : memref<80x128xf32, #tpu.memory_space<vmem>>) target(%dma_start3A_158 : memref<10000x128xf32, #tpu.memory_space<vmem_shared>>) offsets(%arg14 : memref<80xi32, #tpu.memory_space<vmem>>) semaphore(%run_scoped3A : memref<!tpu.dma_semaphore, #tpu.memory_space<semaphore_mem>>) {add = true}
        %dma_wait3A_159 = arith.constant 0 : i32
        %dma_wait3A_160 = arith.constant 0 : i32
        %dma_wait3A_161 = tpu.memref_slice %arg7[%dma_wait3A_159, %dma_wait3A_160] : memref<10000x128xf32, #tpu.memory_space<vmem_shared>> -> memref<10000x128xf32, #tpu.memory_space<vmem_shared>>
        tpu.wait_indirect_dma semaphore(%run_scoped3A : memref<!tpu.dma_semaphore, #tpu.memory_space<semaphore_mem>>) src(%arg18 : memref<80x128xf32, #tpu.memory_space<vmem>>) dst(%dma_wait3A_161 : memref<10000x128xf32, #tpu.memory_space<vmem_shared>>)
        tpu.yield
      }) : () -> ()
      %add3A_131 = arith.constant 1 : i32
      %add3A_132 = arith.addi %scan3A_54, %add3A_131 : i32
      %mul3A_133 = arith.constant 4 : i32
      %mul3A_134 = arith.muli %add3A_132, %mul3A_133 : i32
      %add3A_135 = arith.constant 2 : i32
      %add3A_136 = arith.addi %mul3A_134, %add3A_135 : i32
      %lt3A_137 = arith.constant 30 : i32
      %lt3A_138 = arith.cmpi slt, %scan3A_54, %lt3A_137 : i32
      %convert_element_type3A_139 = arith.extui %lt3A_138 : i1 to i32
      %cond3A_140 = arith.constant 0 : i32
      %cond3A_141 = arith.cmpi ne, %convert_element_type3A_139, %cond3A_140 : i32
      scf.if %cond3A_141 {
        %mul3A_156 = arith.constant 80 : i32
        %mul3A_157 = arith.muli %add3A_136, %mul3A_156 : i32
        %add3A_158 = arith.addi %mul3A_6, %mul3A_157 : i32
        %dma_start3A_159 = tpu.memref_slice %arg2[%add3A_158] : memref<320000xi32, #tpu.memory_space<hbm>> -> memref<80xi32, #tpu.memory_space<hbm>>
        %dma_start3A_160 = tpu.memref_slice %arg2[%add3A_158] : memref<320000xi32, #tpu.memory_space<hbm>> -> memref<80xi32, #tpu.memory_space<hbm>>
        tpu.enqueue_dma source(%dma_start3A_160 : memref<80xi32, #tpu.memory_space<hbm>>) target(%arg10 : memref<80xi32, #tpu.memory_space<vmem>>) target_semaphore(%arg22 : memref<!tpu.dma_semaphore, #tpu.memory_space<semaphore_mem>>)
        %dma_start3A_161 = tpu.memref_slice %arg3[%add3A_158] : memref<320000xi32, #tpu.memory_space<hbm>> -> memref<80xi32, #tpu.memory_space<hbm>>
        %dma_start3A_162 = tpu.memref_slice %arg3[%add3A_158] : memref<320000xi32, #tpu.memory_space<hbm>> -> memref<80xi32, #tpu.memory_space<hbm>>
        tpu.enqueue_dma source(%dma_start3A_162 : memref<80xi32, #tpu.memory_space<hbm>>) target(%arg14 : memref<80xi32, #tpu.memory_space<vmem>>) target_semaphore(%arg26 : memref<!tpu.dma_semaphore, #tpu.memory_space<semaphore_mem>>)
      } else {
      }
      %dma_wait3A_142 = arith.constant 0 : i32
      %dma_wait3A_143 = arith.constant 0 : i32
      %dma_wait3A_144 = tpu.memref_slice %arg4[%dma_wait3A_142, %dma_wait3A_143] : memref<10000x128xf32, #tpu.memory_space<hbm>> -> memref<10000x128xf32, #tpu.memory_space<hbm>>
      tpu.wait_indirect_dma semaphore(%arg31 : memref<!tpu.dma_semaphore, #tpu.memory_space<semaphore_mem>>) src(%dma_wait3A_144 : memref<10000x128xf32, #tpu.memory_space<hbm>>) dst(%arg19 : memref<80x128xf32, #tpu.memory_space<vmem>>)
      "tpu.region"() ({
        %run_scoped3A = tpu.sem_alloc : memref<!tpu.dma_semaphore, #tpu.memory_space<semaphore_mem>>
        %dma_start3A_156 = arith.constant 0 : i32
        %dma_start3A_157 = arith.constant 0 : i32
        %dma_start3A_158 = tpu.memref_slice %arg7[%dma_start3A_156, %dma_start3A_157] : memref<10000x128xf32, #tpu.memory_space<vmem_shared>> -> memref<10000x128xf32, #tpu.memory_space<vmem_shared>>
        tpu.enqueue_indirect_dma source(%arg19 : memref<80x128xf32, #tpu.memory_space<vmem>>) target(%dma_start3A_158 : memref<10000x128xf32, #tpu.memory_space<vmem_shared>>) offsets(%arg15 : memref<80xi32, #tpu.memory_space<vmem>>) semaphore(%run_scoped3A : memref<!tpu.dma_semaphore, #tpu.memory_space<semaphore_mem>>) {add = true}
        %dma_wait3A_159 = arith.constant 0 : i32
        %dma_wait3A_160 = arith.constant 0 : i32
        %dma_wait3A_161 = tpu.memref_slice %arg7[%dma_wait3A_159, %dma_wait3A_160] : memref<10000x128xf32, #tpu.memory_space<vmem_shared>> -> memref<10000x128xf32, #tpu.memory_space<vmem_shared>>
        tpu.wait_indirect_dma semaphore(%run_scoped3A : memref<!tpu.dma_semaphore, #tpu.memory_space<semaphore_mem>>) src(%arg19 : memref<80x128xf32, #tpu.memory_space<vmem>>) dst(%dma_wait3A_161 : memref<10000x128xf32, #tpu.memory_space<vmem_shared>>)
        tpu.yield
      }) : () -> ()
      %add3A_145 = arith.constant 1 : i32
      %add3A_146 = arith.addi %scan3A_54, %add3A_145 : i32
      %mul3A_147 = arith.constant 4 : i32
      %mul3A_148 = arith.muli %add3A_146, %mul3A_147 : i32
      %add3A_149 = arith.constant 3 : i32
      %add3A_150 = arith.addi %mul3A_148, %add3A_149 : i32
      %lt3A_151 = arith.constant 30 : i32
      %lt3A_152 = arith.cmpi slt, %scan3A_54, %lt3A_151 : i32
      %convert_element_type3A_153 = arith.extui %lt3A_152 : i1 to i32
      %cond3A_154 = arith.constant 0 : i32
      %cond3A_155 = arith.cmpi ne, %convert_element_type3A_153, %cond3A_154 : i32
      scf.if %cond3A_155 {
        %mul3A_156 = arith.constant 80 : i32
        %mul3A_157 = arith.muli %add3A_150, %mul3A_156 : i32
        %add3A_158 = arith.addi %mul3A_6, %mul3A_157 : i32
        %dma_start3A_159 = tpu.memref_slice %arg2[%add3A_158] : memref<320000xi32, #tpu.memory_space<hbm>> -> memref<80xi32, #tpu.memory_space<hbm>>
        %dma_start3A_160 = tpu.memref_slice %arg2[%add3A_158] : memref<320000xi32, #tpu.memory_space<hbm>> -> memref<80xi32, #tpu.memory_space<hbm>>
        tpu.enqueue_dma source(%dma_start3A_160 : memref<80xi32, #tpu.memory_space<hbm>>) target(%arg11 : memref<80xi32, #tpu.memory_space<vmem>>) target_semaphore(%arg23 : memref<!tpu.dma_semaphore, #tpu.memory_space<semaphore_mem>>)
        %dma_start3A_161 = tpu.memref_slice %arg3[%add3A_158] : memref<320000xi32, #tpu.memory_space<hbm>> -> memref<80xi32, #tpu.memory_space<hbm>>
        %dma_start3A_162 = tpu.memref_slice %arg3[%add3A_158] : memref<320000xi32, #tpu.memory_space<hbm>> -> memref<80xi32, #tpu.memory_space<hbm>>
        tpu.enqueue_dma source(%dma_start3A_162 : memref<80xi32, #tpu.memory_space<hbm>>) target(%arg15 : memref<80xi32, #tpu.memory_space<vmem>>) target_semaphore(%arg27 : memref<!tpu.dma_semaphore, #tpu.memory_space<semaphore_mem>>)
      } else {
      }
    }
    %scan3A_34 = arith.constant 31 : i32
    %dma_wait3A = arith.constant 0 : i32
    %dma_wait3A_35 = tpu.memref_slice %arg2[%dma_wait3A] : memref<320000xi32, #tpu.memory_space<hbm>> -> memref<80xi32, #tpu.memory_space<hbm>>
    %dma_wait3A_36 = arith.constant 0 : i32
    %dma_wait3A_37 = tpu.memref_slice %arg2[%dma_wait3A_36] : memref<320000xi32, #tpu.memory_space<hbm>> -> memref<80xi32, #tpu.memory_space<hbm>>
    tpu.wait_dma2 semaphore(%arg20 : memref<!tpu.dma_semaphore, #tpu.memory_space<semaphore_mem>>) src(%dma_wait3A_37 : memref<80xi32, #tpu.memory_space<hbm>>) dst(%arg8 : memref<80xi32, #tpu.memory_space<vmem>>)
    %dma_wait3A_38 = arith.constant 0 : i32
    %dma_wait3A_39 = tpu.memref_slice %arg3[%dma_wait3A_38] : memref<320000xi32, #tpu.memory_space<hbm>> -> memref<80xi32, #tpu.memory_space<hbm>>
    %dma_wait3A_40 = arith.constant 0 : i32
    %dma_wait3A_41 = tpu.memref_slice %arg3[%dma_wait3A_40] : memref<320000xi32, #tpu.memory_space<hbm>> -> memref<80xi32, #tpu.memory_space<hbm>>
    tpu.wait_dma2 semaphore(%arg24 : memref<!tpu.dma_semaphore, #tpu.memory_space<semaphore_mem>>) src(%dma_wait3A_41 : memref<80xi32, #tpu.memory_space<hbm>>) dst(%arg12 : memref<80xi32, #tpu.memory_space<vmem>>)
    %dma_start3A_42 = arith.constant 0 : i32
    %dma_start3A_43 = arith.constant 0 : i32
    %dma_start3A_44 = tpu.memref_slice %arg4[%dma_start3A_42, %dma_start3A_43] : memref<10000x128xf32, #tpu.memory_space<hbm>> -> memref<10000x128xf32, #tpu.memory_space<hbm>>
    tpu.enqueue_indirect_dma source(%dma_start3A_44 : memref<10000x128xf32, #tpu.memory_space<hbm>>) target(%arg16 : memref<80x128xf32, #tpu.memory_space<vmem>>) offsets(%arg8 : memref<80xi32, #tpu.memory_space<vmem>>) semaphore(%arg28 : memref<!tpu.dma_semaphore, #tpu.memory_space<semaphore_mem>>)
    %dma_wait3A_45 = arith.constant 0 : i32
    %dma_wait3A_46 = arith.constant 0 : i32
    %dma_wait3A_47 = tpu.memref_slice %arg4[%dma_wait3A_45, %dma_wait3A_46] : memref<10000x128xf32, #tpu.memory_space<hbm>> -> memref<10000x128xf32, #tpu.memory_space<hbm>>
    tpu.wait_indirect_dma semaphore(%arg28 : memref<!tpu.dma_semaphore, #tpu.memory_space<semaphore_mem>>) src(%dma_wait3A_47 : memref<10000x128xf32, #tpu.memory_space<hbm>>) dst(%arg16 : memref<80x128xf32, #tpu.memory_space<vmem>>)
    "tpu.region"() ({
      %run_scoped3A = tpu.sem_alloc : memref<!tpu.dma_semaphore, #tpu.memory_space<semaphore_mem>>
      %dma_start3A_54 = arith.constant 0 : i32
      %dma_start3A_55 = arith.constant 0 : i32
      %dma_start3A_56 = tpu.memref_slice %arg7[%dma_start3A_54, %dma_start3A_55] : memref<10000x128xf32, #tpu.memory_space<vmem_shared>> -> memref<10000x128xf32, #tpu.memory_space<vmem_shared>>
      tpu.enqueue_indirect_dma source(%arg16 : memref<80x128xf32, #tpu.memory_space<vmem>>) target(%dma_start3A_56 : memref<10000x128xf32, #tpu.memory_space<vmem_shared>>) offsets(%arg12 : memref<80xi32, #tpu.memory_space<vmem>>) semaphore(%run_scoped3A : memref<!tpu.dma_semaphore, #tpu.memory_space<semaphore_mem>>) {add = true}
      %dma_wait3A_57 = arith.constant 0 : i32
      %dma_wait3A_58 = arith.constant 0 : i32
      %dma_wait3A_59 = tpu.memref_slice %arg7[%dma_wait3A_57, %dma_wait3A_58] : memref<10000x128xf32, #tpu.memory_space<vmem_shared>> -> memref<10000x128xf32, #tpu.memory_space<vmem_shared>>
      tpu.wait_indirect_dma semaphore(%run_scoped3A : memref<!tpu.dma_semaphore, #tpu.memory_space<semaphore_mem>>) src(%arg16 : memref<80x128xf32, #tpu.memory_space<vmem>>) dst(%dma_wait3A_59 : memref<10000x128xf32, #tpu.memory_space<vmem_shared>>)
      tpu.yield
    }) : () -> ()
    %barrier3A_48 = arith.constant 0 : index
    tpu.barrier barrier_id(%barrier3A_48)
    "tpu.region"() ({
      %run_scoped3A = tpu.sem_alloc : memref<!tpu.dma_semaphore, #tpu.memory_space<semaphore_mem>>
      %dma_start3A_54 = arith.constant 0 : i32
      %dma_start3A_55 = tpu.memref_slice %arg6[%arg0, %mul3A_2, %dma_start3A_54] : memref<2x10000x128xf32, #tpu.memory_space<hbm>> -> memref<1x624x128xf32, #tpu.memory_space<hbm>>
      %dma_start3A_56 = tpu.memref_squeeze %dma_start3A_55 : memref<1x624x128xf32, #tpu.memory_space<hbm>> -> memref<624x128xf32, #tpu.memory_space<hbm>>
      %dma_start3A_57 = arith.constant 0 : i32
      %dma_start3A_58 = tpu.memref_slice %arg7[%mul3A_2, %dma_start3A_57] : memref<10000x128xf32, #tpu.memory_space<vmem_shared>> -> memref<624x128xf32, #tpu.memory_space<vmem_shared>>
      tpu.enqueue_dma source(%dma_start3A_58 : memref<624x128xf32, #tpu.memory_space<vmem_shared>>) target(%dma_start3A_56 : memref<624x128xf32, #tpu.memory_space<hbm>>) target_semaphore(%run_scoped3A : memref<!tpu.dma_semaphore, #tpu.memory_space<semaphore_mem>>)
      %dma_wait3A_59 = arith.constant 0 : i32
      %dma_wait3A_60 = tpu.memref_slice %arg6[%arg0, %mul3A_2, %dma_wait3A_59] : memref<2x10000x128xf32, #tpu.memory_space<hbm>> -> memref<1x624x128xf32, #tpu.memory_space<hbm>>
      %dma_wait3A_61 = tpu.memref_squeeze %dma_wait3A_60 : memref<1x624x128xf32, #tpu.memory_space<hbm>> -> memref<624x128xf32, #tpu.memory_space<hbm>>
      %dma_wait3A_62 = arith.constant 0 : i32
      %dma_wait3A_63 = tpu.memref_slice %arg7[%mul3A_2, %dma_wait3A_62] : memref<10000x128xf32, #tpu.memory_space<vmem_shared>> -> memref<624x128xf32, #tpu.memory_space<vmem_shared>>
      tpu.wait_dma2 semaphore(%run_scoped3A : memref<!tpu.dma_semaphore, #tpu.memory_space<semaphore_mem>>) src(%dma_wait3A_63 : memref<624x128xf32, #tpu.memory_space<vmem_shared>>) dst(%dma_wait3A_61 : memref<624x128xf32, #tpu.memory_space<hbm>>)
      tpu.yield
    }) : () -> ()
    %eq3A_49 = arith.constant 15 : i32
    %eq3A_50 = arith.cmpi eq, %arg1, %eq3A_49 : i32
    %convert_element_type3A_51 = arith.extui %eq3A_50 : i1 to i32
    %cond3A_52 = arith.constant 0 : i32
    %cond3A_53 = arith.cmpi ne, %convert_element_type3A_51, %cond3A_52 : i32
    scf.if %cond3A_53 {
      "tpu.region"() ({
        %run_scoped3A = tpu.sem_alloc : memref<!tpu.dma_semaphore, #tpu.memory_space<semaphore_mem>>
        %dma_start3A_54 = arith.constant 9984 : i32
        %dma_start3A_55 = arith.constant 0 : i32
        %dma_start3A_56 = tpu.memref_slice %arg6[%arg0, %dma_start3A_54, %dma_start3A_55] : memref<2x10000x128xf32, #tpu.memory_space<hbm>> -> memref<1x16x128xf32, #tpu.memory_space<hbm>>
        %dma_start3A_57 = tpu.memref_squeeze %dma_start3A_56 : memref<1x16x128xf32, #tpu.memory_space<hbm>> -> memref<16x128xf32, #tpu.memory_space<hbm>>
        %dma_start3A_58 = arith.constant 9984 : i32
        %dma_start3A_59 = arith.constant 0 : i32
        %dma_start3A_60 = tpu.memref_slice %arg7[%dma_start3A_58, %dma_start3A_59] : memref<10000x128xf32, #tpu.memory_space<vmem_shared>> -> memref<16x128xf32, #tpu.memory_space<vmem_shared>>
        tpu.enqueue_dma source(%dma_start3A_60 : memref<16x128xf32, #tpu.memory_space<vmem_shared>>) target(%dma_start3A_57 : memref<16x128xf32, #tpu.memory_space<hbm>>) target_semaphore(%run_scoped3A : memref<!tpu.dma_semaphore, #tpu.memory_space<semaphore_mem>>)
        %dma_wait3A_61 = arith.constant 9984 : i32
        %dma_wait3A_62 = arith.constant 0 : i32
        %dma_wait3A_63 = tpu.memref_slice %arg6[%arg0, %dma_wait3A_61, %dma_wait3A_62] : memref<2x10000x128xf32, #tpu.memory_space<hbm>> -> memref<1x16x128xf32, #tpu.memory_space<hbm>>
        %dma_wait3A_64 = tpu.memref_squeeze %dma_wait3A_63 : memref<1x16x128xf32, #tpu.memory_space<hbm>> -> memref<16x128xf32, #tpu.memory_space<hbm>>
        %dma_wait3A_65 = arith.constant 9984 : i32
        %dma_wait3A_66 = arith.constant 0 : i32
        %dma_wait3A_67 = tpu.memref_slice %arg7[%dma_wait3A_65, %dma_wait3A_66] : memref<10000x128xf32, #tpu.memory_space<vmem_shared>> -> memref<16x128xf32, #tpu.memory_space<vmem_shared>>
        tpu.wait_dma2 semaphore(%run_scoped3A : memref<!tpu.dma_semaphore, #tpu.memory_space<semaphore_mem>>) src(%dma_wait3A_67 : memref<16x128xf32, #tpu.memory_space<vmem_shared>>) dst(%dma_wait3A_64 : memref<16x128xf32, #tpu.memory_space<hbm>>)
        tpu.yield
      }) : () -> ()
    } else {
    }
    return
  }
}

#map = affine_map<(d0, d1) -> (0)>
#map1 = affine_map<(d0, d1) -> (0, 0)>
#map2 = affine_map<(d0, d1) -> (0, 0, 0)>
module attributes {stable_mosaic.version = 14 : i64} {
  func.func @agg(%arg0: i32, %arg1: i32, %arg2: memref<320000xi32, #tpu.memory_space<hbm>>, %arg3: memref<320000xi32, #tpu.memory_space<hbm>>, %arg4: memref<10000x128xf32, #tpu.memory_space<hbm>>, %arg5: memref<10000x128xf32, #tpu.memory_space<hbm>>, %arg6: memref<2x10000x128xf32, #tpu.memory_space<hbm>>, %arg7: memref<10000x128xf32, #tpu.memory_space<vmem_shared>>, %arg8: memref<80xi32, #tpu.memory_space<vmem>>, %arg9: memref<80xi32, #tpu.memory_space<vmem>>, %arg10: memref<80xi32, #tpu.memory_space<vmem>>, %arg11: memref<80xi32, #tpu.memory_space<vmem>>, %arg12: memref<80xi32, #tpu.memory_space<vmem>>, %arg13: memref<80xi32, #tpu.memory_space<vmem>>, %arg14: memref<80xi32, #tpu.memory_space<vmem>>, %arg15: memref<80xi32, #tpu.memory_space<vmem>>, %arg16: memref<80x128xf32, #tpu.memory_space<vmem>>, %arg17: memref<80x128xf32, #tpu.memory_space<vmem>>, %arg18: memref<80x128xf32, #tpu.memory_space<vmem>>, %arg19: memref<80x128xf32, #tpu.memory_space<vmem>>, %arg20: memref<!tpu.dma_semaphore, #tpu.memory_space<semaphore_mem>>, %arg21: memref<!tpu.dma_semaphore, #tpu.memory_space<semaphore_mem>>, %arg22: memref<!tpu.dma_semaphore, #tpu.memory_space<semaphore_mem>>, %arg23: memref<!tpu.dma_semaphore, #tpu.memory_space<semaphore_mem>>, %arg24: memref<!tpu.dma_semaphore, #tpu.memory_space<semaphore_mem>>, %arg25: memref<!tpu.dma_semaphore, #tpu.memory_space<semaphore_mem>>, %arg26: memref<!tpu.dma_semaphore, #tpu.memory_space<semaphore_mem>>, %arg27: memref<!tpu.dma_semaphore, #tpu.memory_space<semaphore_mem>>, %arg28: memref<!tpu.dma_semaphore, #tpu.memory_space<semaphore_mem>>, %arg29: memref<!tpu.dma_semaphore, #tpu.memory_space<semaphore_mem>>, %arg30: memref<!tpu.dma_semaphore, #tpu.memory_space<semaphore_mem>>, %arg31: memref<!tpu.dma_semaphore, #tpu.memory_space<semaphore_mem>>) attributes {dimension_semantics = [#tpu.dimension_semantics<core_parallel>, #tpu.dimension_semantics<subcore_parallel>], iteration_bounds = array<i64: 2, 16>, scalar_prefetch = 0 : i64, scratch_operands = 25 : i64, tpu.core_type = #tpu.core_type<sc_vector_subcore>, window_params = [{transform_indices = #map}, {transform_indices = #map}, {transform_indices = #map1}, {transform_indices = #map1}, {transform_indices = #map2}]} {
    %mul3A = arith.constant 16 : i32
    %mul3A_0 = arith.muli %arg0, %mul3A : i32
    %add3A = arith.addi %mul3A_0, %arg1 : i32
    %mul3A_1 = arith.constant 624 : i32
    %mul3A_2 = arith.muli %arg1, %mul3A_1 : i32
    "tpu.region"() ({
      %run_scoped3A = tpu.sem_alloc : memref<!tpu.dma_semaphore, #tpu.memory_space<semaphore_mem>>
      %dma_start3A_54 = arith.constant 0 : i32
      %dma_start3A_55 = tpu.memref_slice %arg7[%mul3A_2, %dma_start3A_54] : memref<10000x128xf32, #tpu.memory_space<vmem_shared>> -> memref<624x128xf32, #tpu.memory_space<vmem_shared>>
      %dma_start3A_56 = arith.constant 0 : i32
      %dma_start3A_57 = tpu.memref_slice %arg5[%mul3A_2, %dma_start3A_56] : memref<10000x128xf32, #tpu.memory_space<hbm>> -> memref<624x128xf32, #tpu.memory_space<hbm>>
      tpu.enqueue_dma source(%dma_start3A_57 : memref<624x128xf32, #tpu.memory_space<hbm>>) target(%dma_start3A_55 : memref<624x128xf32, #tpu.memory_space<vmem_shared>>) target_semaphore(%run_scoped3A : memref<!tpu.dma_semaphore, #tpu.memory_space<semaphore_mem>>)
      %dma_wait3A_58 = arith.constant 0 : i32
      %dma_wait3A_59 = tpu.memref_slice %arg7[%mul3A_2, %dma_wait3A_58] : memref<10000x128xf32, #tpu.memory_space<vmem_shared>> -> memref<624x128xf32, #tpu.memory_space<vmem_shared>>
      %dma_wait3A_60 = arith.constant 0 : i32
      %dma_wait3A_61 = tpu.memref_slice %arg5[%mul3A_2, %dma_wait3A_60] : memref<10000x128xf32, #tpu.memory_space<hbm>> -> memref<624x128xf32, #tpu.memory_space<hbm>>
      tpu.wait_dma2 semaphore(%run_scoped3A : memref<!tpu.dma_semaphore, #tpu.memory_space<semaphore_mem>>) src(%dma_wait3A_61 : memref<624x128xf32, #tpu.memory_space<hbm>>) dst(%dma_wait3A_59 : memref<624x128xf32, #tpu.memory_space<vmem_shared>>)
      tpu.yield
    }) : () -> ()
    %eq3A = arith.constant 15 : i32
    %eq3A_3 = arith.cmpi eq, %arg1, %eq3A : i32
    %convert_element_type3A = arith.extui %eq3A_3 : i1 to i32
    %cond3A = arith.constant 0 : i32
    %cond3A_4 = arith.cmpi ne, %convert_element_type3A, %cond3A : i32
    scf.if %cond3A_4 {
      "tpu.region"() ({
        %run_scoped3A = tpu.sem_alloc : memref<!tpu.dma_semaphore, #tpu.memory_space<semaphore_mem>>
        %dma_start3A_54 = arith.constant 9984 : i32
        %dma_start3A_55 = arith.constant 0 : i32
        %dma_start3A_56 = tpu.memref_slice %arg7[%dma_start3A_54, %dma_start3A_55] : memref<10000x128xf32, #tpu.memory_space<vmem_shared>> -> memref<16x128xf32, #tpu.memory_space<vmem_shared>>
        %dma_start3A_57 = arith.constant 9984 : i32
        %dma_start3A_58 = arith.constant 0 : i32
        %dma_start3A_59 = tpu.memref_slice %arg5[%dma_start3A_57, %dma_start3A_58] : memref<10000x128xf32, #tpu.memory_space<hbm>> -> memref<16x128xf32, #tpu.memory_space<hbm>>
        tpu.enqueue_dma source(%dma_start3A_59 : memref<16x128xf32, #tpu.memory_space<hbm>>) target(%dma_start3A_56 : memref<16x128xf32, #tpu.memory_space<vmem_shared>>) target_semaphore(%run_scoped3A : memref<!tpu.dma_semaphore, #tpu.memory_space<semaphore_mem>>)
        %dma_wait3A_60 = arith.constant 9984 : i32
        %dma_wait3A_61 = arith.constant 0 : i32
        %dma_wait3A_62 = tpu.memref_slice %arg7[%dma_wait3A_60, %dma_wait3A_61] : memref<10000x128xf32, #tpu.memory_space<vmem_shared>> -> memref<16x128xf32, #tpu.memory_space<vmem_shared>>
        %dma_wait3A_63 = arith.constant 9984 : i32
        %dma_wait3A_64 = arith.constant 0 : i32
        %dma_wait3A_65 = tpu.memref_slice %arg5[%dma_wait3A_63, %dma_wait3A_64] : memref<10000x128xf32, #tpu.memory_space<hbm>> -> memref<16x128xf32, #tpu.memory_space<hbm>>
        tpu.wait_dma2 semaphore(%run_scoped3A : memref<!tpu.dma_semaphore, #tpu.memory_space<semaphore_mem>>) src(%dma_wait3A_65 : memref<16x128xf32, #tpu.memory_space<hbm>>) dst(%dma_wait3A_62 : memref<16x128xf32, #tpu.memory_space<vmem_shared>>)
        tpu.yield
      }) : () -> ()
    } else {
    }
    %mul3A_5 = arith.constant 10000 : i32
    %mul3A_6 = arith.muli %add3A, %mul3A_5 : i32
    %barrier3A = arith.constant 0 : index
    tpu.barrier barrier_id(%barrier3A)
    %add3A_7 = arith.constant 0 : i32
    %add3A_8 = arith.addi %mul3A_6, %add3A_7 : i32
    %dma_start3A = tpu.memref_slice %arg2[%add3A_8] : memref<320000xi32, #tpu.memory_space<hbm>> -> memref<80xi32, #tpu.memory_space<hbm>>
    %dma_start3A_9 = tpu.memref_slice %arg2[%add3A_8] : memref<320000xi32, #tpu.memory_space<hbm>> -> memref<80xi32, #tpu.memory_space<hbm>>
    tpu.enqueue_dma source(%dma_start3A_9 : memref<80xi32, #tpu.memory_space<hbm>>) target(%arg8 : memref<80xi32, #tpu.memory_space<vmem>>) target_semaphore(%arg20 : memref<!tpu.dma_semaphore, #tpu.memory_space<semaphore_mem>>)
    %dma_start3A_10 = tpu.memref_slice %arg3[%add3A_8] : memref<320000xi32, #tpu.memory_space<hbm>> -> memref<80xi32, #tpu.memory_space<hbm>>
    %dma_start3A_11 = tpu.memref_slice %arg3[%add3A_8] : memref<320000xi32, #tpu.memory_space<hbm>> -> memref<80xi32, #tpu.memory_space<hbm>>
    tpu.enqueue_dma source(%dma_start3A_11 : memref<80xi32, #tpu.memory_space<hbm>>) target(%arg12 : memref<80xi32, #tpu.memory_space<vmem>>) target_semaphore(%arg24 : memref<!tpu.dma_semaphore, #tpu.memory_space<semaphore_mem>>)
    %add3A_12 = arith.constant 80 : i32
    %add3A_13 = arith.addi %mul3A_6, %add3A_12 : i32
    %dma_start3A_14 = tpu.memref_slice %arg2[%add3A_13] : memref<320000xi32, #tpu.memory_space<hbm>> -> memref<80xi32, #tpu.memory_space<hbm>>
    %dma_start3A_15 = tpu.memref_slice %arg2[%add3A_13] : memref<320000xi32, #tpu.memory_space<hbm>> -> memref<80xi32, #tpu.memory_space<hbm>>
    tpu.enqueue_dma source(%dma_start3A_15 : memref<80xi32, #tpu.memory_space<hbm>>) target(%arg9 : memref<80xi32, #tpu.memory_space<vmem>>) target_semaphore(%arg21 : memref<!tpu.dma_semaphore, #tpu.memory_space<semaphore_mem>>)
    %dma_start3A_16 = tpu.memref_slice %arg3[%add3A_13] : memref<320000xi32, #tpu.memory_space<hbm>> -> memref<80xi32, #tpu.memory_space<hbm>>
    %dma_start3A_17 = tpu.memref_slice %arg3[%add3A_13] : memref<320000xi32, #tpu.memory_space<hbm>> -> memref<80xi32, #tpu.memory_space<hbm>>
    tpu.enqueue_dma source(%dma_start3A_17 : memref<80xi32, #tpu.memory_space<hbm>>) target(%arg13 : memref<80xi32, #tpu.memory_space<vmem>>) target_semaphore(%arg25 : memref<!tpu.dma_semaphore, #tpu.memory_space<semaphore_mem>>)
    %add3A_18 = arith.constant 160 : i32
    %add3A_19 = arith.addi %mul3A_6, %add3A_18 : i32
    %dma_start3A_20 = tpu.memref_slice %arg2[%add3A_19] : memref<320000xi32, #tpu.memory_space<hbm>> -> memref<80xi32, #tpu.memory_space<hbm>>
    %dma_start3A_21 = tpu.memref_slice %arg2[%add3A_19] : memref<320000xi32, #tpu.memory_space<hbm>> -> memref<80xi32, #tpu.memory_space<hbm>>
    tpu.enqueue_dma source(%dma_start3A_21 : memref<80xi32, #tpu.memory_space<hbm>>) target(%arg10 : memref<80xi32, #tpu.memory_space<vmem>>) target_semaphore(%arg22 : memref<!tpu.dma_semaphore, #tpu.memory_space<semaphore_mem>>)
    %dma_start3A_22 = tpu.memref_slice %arg3[%add3A_19] : memref<320000xi32, #tpu.memory_space<hbm>> -> memref<80xi32, #tpu.memory_space<hbm>>
    %dma_start3A_23 = tpu.memref_slice %arg3[%add3A_19] : memref<320000xi32, #tpu.memory_space<hbm>> -> memref<80xi32, #tpu.memory_space<hbm>>
    tpu.enqueue_dma source(%dma_start3A_23 : memref<80xi32, #tpu.memory_space<hbm>>) target(%arg14 : memref<80xi32, #tpu.memory_space<vmem>>) target_semaphore(%arg26 : memref<!tpu.dma_semaphore, #tpu.memory_space<semaphore_mem>>)
    %add3A_24 = arith.constant 240 : i32
    %add3A_25 = arith.addi %mul3A_6, %add3A_24 : i32
    %dma_start3A_26 = tpu.memref_slice %arg2[%add3A_25] : memref<320000xi32, #tpu.memory_space<hbm>> -> memref<80xi32, #tpu.memory_space<hbm>>
    %dma_start3A_27 = tpu.memref_slice %arg2[%add3A_25] : memref<320000xi32, #tpu.memory_space<hbm>> -> memref<80xi32, #tpu.memory_space<hbm>>
    tpu.enqueue_dma source(%dma_start3A_27 : memref<80xi32, #tpu.memory_space<hbm>>) target(%arg11 : memref<80xi32, #tpu.memory_space<vmem>>) target_semaphore(%arg23 : memref<!tpu.dma_semaphore, #tpu.memory_space<semaphore_mem>>)
    %dma_start3A_28 = tpu.memref_slice %arg3[%add3A_25] : memref<320000xi32, #tpu.memory_space<hbm>> -> memref<80xi32, #tpu.memory_space<hbm>>
    %dma_start3A_29 = tpu.memref_slice %arg3[%add3A_25] : memref<320000xi32, #tpu.memory_space<hbm>> -> memref<80xi32, #tpu.memory_space<hbm>>
    tpu.enqueue_dma source(%dma_start3A_29 : memref<80xi32, #tpu.memory_space<hbm>>) target(%arg15 : memref<80xi32, #tpu.memory_space<vmem>>) target_semaphore(%arg27 : memref<!tpu.dma_semaphore, #tpu.memory_space<semaphore_mem>>)
    %scan3A = arith.constant 0 : i32
    %scan3A_30 = arith.constant 0 : i32
    %scan3A_31 = arith.constant 31 : i32
    %scan3A_32 = arith.addi %scan3A_30, %scan3A_31 : i32
    %scan3A_33 = arith.constant 1 : i32
    scf.for %scan3A_54 = %scan3A_30 to %scan3A_32 step %scan3A_33  : i32 {
      %dma_wait3A_55 = arith.constant 0 : i32
      %dma_wait3A_56 = tpu.memref_slice %arg2[%dma_wait3A_55] : memref<320000xi32, #tpu.memory_space<hbm>> -> memref<80xi32, #tpu.memory_space<hbm>>
      %dma_wait3A_57 = arith.constant 0 : i32
      %dma_wait3A_58 = tpu.memref_slice %arg2[%dma_wait3A_57] : memref<320000xi32, #tpu.memory_space<hbm>> -> memref<80xi32, #tpu.memory_space<hbm>>
      tpu.wait_dma2 semaphore(%arg20 : memref<!tpu.dma_semaphore, #tpu.memory_space<semaphore_mem>>) src(%dma_wait3A_58 : memref<80xi32, #tpu.memory_space<hbm>>) dst(%arg8 : memref<80xi32, #tpu.memory_space<vmem>>)
      %dma_wait3A_59 = arith.constant 0 : i32
      %dma_wait3A_60 = tpu.memref_slice %arg3[%dma_wait3A_59] : memref<320000xi32, #tpu.memory_space<hbm>> -> memref<80xi32, #tpu.memory_space<hbm>>
      %dma_wait3A_61 = arith.constant 0 : i32
      %dma_wait3A_62 = tpu.memref_slice %arg3[%dma_wait3A_61] : memref<320000xi32, #tpu.memory_space<hbm>> -> memref<80xi32, #tpu.memory_space<hbm>>
      tpu.wait_dma2 semaphore(%arg24 : memref<!tpu.dma_semaphore, #tpu.memory_space<semaphore_mem>>) src(%dma_wait3A_62 : memref<80xi32, #tpu.memory_space<hbm>>) dst(%arg12 : memref<80xi32, #tpu.memory_space<vmem>>)
      %dma_start3A_63 = arith.constant 0 : i32
      %dma_start3A_64 = arith.constant 0 : i32
      %dma_start3A_65 = tpu.memref_slice %arg4[%dma_start3A_63, %dma_start3A_64] : memref<10000x128xf32, #tpu.memory_space<hbm>> -> memref<10000x128xf32, #tpu.memory_space<hbm>>
      tpu.enqueue_indirect_dma source(%dma_start3A_65 : memref<10000x128xf32, #tpu.memory_space<hbm>>) target(%arg16 : memref<80x128xf32, #tpu.memory_space<vmem>>) offsets(%arg8 : memref<80xi32, #tpu.memory_space<vmem>>) semaphore(%arg28 : memref<!tpu.dma_semaphore, #tpu.memory_space<semaphore_mem>>)
      %dma_wait3A_66 = arith.constant 0 : i32
      %dma_wait3A_67 = tpu.memref_slice %arg2[%dma_wait3A_66] : memref<320000xi32, #tpu.memory_space<hbm>> -> memref<80xi32, #tpu.memory_space<hbm>>
      %dma_wait3A_68 = arith.constant 0 : i32
      %dma_wait3A_69 = tpu.memref_slice %arg2[%dma_wait3A_68] : memref<320000xi32, #tpu.memory_space<hbm>> -> memref<80xi32, #tpu.memory_space<hbm>>
      tpu.wait_dma2 semaphore(%arg21 : memref<!tpu.dma_semaphore, #tpu.memory_space<semaphore_mem>>) src(%dma_wait3A_69 : memref<80xi32, #tpu.memory_space<hbm>>) dst(%arg9 : memref<80xi32, #tpu.memory_space<vmem>>)
      %dma_wait3A_70 = arith.constant 0 : i32
      %dma_wait3A_71 = tpu.memref_slice %arg3[%dma_wait3A_70] : memref<320000xi32, #tpu.memory_space<hbm>> -> memref<80xi32, #tpu.memory_space<hbm>>
      %dma_wait3A_72 = arith.constant 0 : i32
      %dma_wait3A_73 = tpu.memref_slice %arg3[%dma_wait3A_72] : memref<320000xi32, #tpu.memory_space<hbm>> -> memref<80xi32, #tpu.memory_space<hbm>>
      tpu.wait_dma2 semaphore(%arg25 : memref<!tpu.dma_semaphore, #tpu.memory_space<semaphore_mem>>) src(%dma_wait3A_73 : memref<80xi32, #tpu.memory_space<hbm>>) dst(%arg13 : memref<80xi32, #tpu.memory_space<vmem>>)
      %dma_start3A_74 = arith.constant 0 : i32
      %dma_start3A_75 = arith.constant 0 : i32
      %dma_start3A_76 = tpu.memref_slice %arg4[%dma_start3A_74, %dma_start3A_75] : memref<10000x128xf32, #tpu.memory_space<hbm>> -> memref<10000x128xf32, #tpu.memory_space<hbm>>
      tpu.enqueue_indirect_dma source(%dma_start3A_76 : memref<10000x128xf32, #tpu.memory_space<hbm>>) target(%arg17 : memref<80x128xf32, #tpu.memory_space<vmem>>) offsets(%arg9 : memref<80xi32, #tpu.memory_space<vmem>>) semaphore(%arg29 : memref<!tpu.dma_semaphore, #tpu.memory_space<semaphore_mem>>)
      %dma_wait3A_77 = arith.constant 0 : i32
      %dma_wait3A_78 = tpu.memref_slice %arg2[%dma_wait3A_77] : memref<320000xi32, #tpu.memory_space<hbm>> -> memref<80xi32, #tpu.memory_space<hbm>>
      %dma_wait3A_79 = arith.constant 0 : i32
      %dma_wait3A_80 = tpu.memref_slice %arg2[%dma_wait3A_79] : memref<320000xi32, #tpu.memory_space<hbm>> -> memref<80xi32, #tpu.memory_space<hbm>>
      tpu.wait_dma2 semaphore(%arg22 : memref<!tpu.dma_semaphore, #tpu.memory_space<semaphore_mem>>) src(%dma_wait3A_80 : memref<80xi32, #tpu.memory_space<hbm>>) dst(%arg10 : memref<80xi32, #tpu.memory_space<vmem>>)
      %dma_wait3A_81 = arith.constant 0 : i32
      %dma_wait3A_82 = tpu.memref_slice %arg3[%dma_wait3A_81] : memref<320000xi32, #tpu.memory_space<hbm>> -> memref<80xi32, #tpu.memory_space<hbm>>
      %dma_wait3A_83 = arith.constant 0 : i32
      %dma_wait3A_84 = tpu.memref_slice %arg3[%dma_wait3A_83] : memref<320000xi32, #tpu.memory_space<hbm>> -> memref<80xi32, #tpu.memory_space<hbm>>
      tpu.wait_dma2 semaphore(%arg26 : memref<!tpu.dma_semaphore, #tpu.memory_space<semaphore_mem>>) src(%dma_wait3A_84 : memref<80xi32, #tpu.memory_space<hbm>>) dst(%arg14 : memref<80xi32, #tpu.memory_space<vmem>>)
      %dma_start3A_85 = arith.constant 0 : i32
      %dma_start3A_86 = arith.constant 0 : i32
      %dma_start3A_87 = tpu.memref_slice %arg4[%dma_start3A_85, %dma_start3A_86] : memref<10000x128xf32, #tpu.memory_space<hbm>> -> memref<10000x128xf32, #tpu.memory_space<hbm>>
      tpu.enqueue_indirect_dma source(%dma_start3A_87 : memref<10000x128xf32, #tpu.memory_space<hbm>>) target(%arg18 : memref<80x128xf32, #tpu.memory_space<vmem>>) offsets(%arg10 : memref<80xi32, #tpu.memory_space<vmem>>) semaphore(%arg30 : memref<!tpu.dma_semaphore, #tpu.memory_space<semaphore_mem>>)
      %dma_wait3A_88 = arith.constant 0 : i32
      %dma_wait3A_89 = tpu.memref_slice %arg2[%dma_wait3A_88] : memref<320000xi32, #tpu.memory_space<hbm>> -> memref<80xi32, #tpu.memory_space<hbm>>
      %dma_wait3A_90 = arith.constant 0 : i32
      %dma_wait3A_91 = tpu.memref_slice %arg2[%dma_wait3A_90] : memref<320000xi32, #tpu.memory_space<hbm>> -> memref<80xi32, #tpu.memory_space<hbm>>
      tpu.wait_dma2 semaphore(%arg23 : memref<!tpu.dma_semaphore, #tpu.memory_space<semaphore_mem>>) src(%dma_wait3A_91 : memref<80xi32, #tpu.memory_space<hbm>>) dst(%arg11 : memref<80xi32, #tpu.memory_space<vmem>>)
      %dma_wait3A_92 = arith.constant 0 : i32
      %dma_wait3A_93 = tpu.memref_slice %arg3[%dma_wait3A_92] : memref<320000xi32, #tpu.memory_space<hbm>> -> memref<80xi32, #tpu.memory_space<hbm>>
      %dma_wait3A_94 = arith.constant 0 : i32
      %dma_wait3A_95 = tpu.memref_slice %arg3[%dma_wait3A_94] : memref<320000xi32, #tpu.memory_space<hbm>> -> memref<80xi32, #tpu.memory_space<hbm>>
      tpu.wait_dma2 semaphore(%arg27 : memref<!tpu.dma_semaphore, #tpu.memory_space<semaphore_mem>>) src(%dma_wait3A_95 : memref<80xi32, #tpu.memory_space<hbm>>) dst(%arg15 : memref<80xi32, #tpu.memory_space<vmem>>)
      %dma_start3A_96 = arith.constant 0 : i32
      %dma_start3A_97 = arith.constant 0 : i32
      %dma_start3A_98 = tpu.memref_slice %arg4[%dma_start3A_96, %dma_start3A_97] : memref<10000x128xf32, #tpu.memory_space<hbm>> -> memref<10000x128xf32, #tpu.memory_space<hbm>>
      tpu.enqueue_indirect_dma source(%dma_start3A_98 : memref<10000x128xf32, #tpu.memory_space<hbm>>) target(%arg19 : memref<80x128xf32, #tpu.memory_space<vmem>>) offsets(%arg11 : memref<80xi32, #tpu.memory_space<vmem>>) semaphore(%arg31 : memref<!tpu.dma_semaphore, #tpu.memory_space<semaphore_mem>>)
      %dma_wait3A_99 = arith.constant 0 : i32
      %dma_wait3A_100 = arith.constant 0 : i32
      %dma_wait3A_101 = tpu.memref_slice %arg4[%dma_wait3A_99, %dma_wait3A_100] : memref<10000x128xf32, #tpu.memory_space<hbm>> -> memref<10000x128xf32, #tpu.memory_space<hbm>>
      tpu.wait_indirect_dma semaphore(%arg28 : memref<!tpu.dma_semaphore, #tpu.memory_space<semaphore_mem>>) src(%dma_wait3A_101 : memref<10000x128xf32, #tpu.memory_space<hbm>>) dst(%arg16 : memref<80x128xf32, #tpu.memory_space<vmem>>)
      "tpu.region"() ({
        %run_scoped3A = tpu.sem_alloc : memref<!tpu.dma_semaphore, #tpu.memory_space<semaphore_mem>>
        %dma_start3A_156 = arith.constant 0 : i32
        %dma_start3A_157 = arith.constant 0 : i32
        %dma_start3A_158 = tpu.memref_slice %arg7[%dma_start3A_156, %dma_start3A_157] : memref<10000x128xf32, #tpu.memory_space<vmem_shared>> -> memref<10000x128xf32, #tpu.memory_space<vmem_shared>>
        tpu.enqueue_indirect_dma source(%arg16 : memref<80x128xf32, #tpu.memory_space<vmem>>) target(%dma_start3A_158 : memref<10000x128xf32, #tpu.memory_space<vmem_shared>>) offsets(%arg12 : memref<80xi32, #tpu.memory_space<vmem>>) semaphore(%run_scoped3A : memref<!tpu.dma_semaphore, #tpu.memory_space<semaphore_mem>>) {add = true}
        %dma_wait3A_159 = arith.constant 0 : i32
        %dma_wait3A_160 = arith.constant 0 : i32
        %dma_wait3A_161 = tpu.memref_slice %arg7[%dma_wait3A_159, %dma_wait3A_160] : memref<10000x128xf32, #tpu.memory_space<vmem_shared>> -> memref<10000x128xf32, #tpu.memory_space<vmem_shared>>
        tpu.wait_indirect_dma semaphore(%run_scoped3A : memref<!tpu.dma_semaphore, #tpu.memory_space<semaphore_mem>>) src(%arg16 : memref<80x128xf32, #tpu.memory_space<vmem>>) dst(%dma_wait3A_161 : memref<10000x128xf32, #tpu.memory_space<vmem_shared>>)
        tpu.yield
      }) : () -> ()
      %add3A_102 = arith.constant 1 : i32
      %add3A_103 = arith.addi %scan3A_54, %add3A_102 : i32
      %mul3A_104 = arith.constant 4 : i32
      %mul3A_105 = arith.muli %add3A_103, %mul3A_104 : i32
      %add3A_106 = arith.constant 0 : i32
      %add3A_107 = arith.addi %mul3A_105, %add3A_106 : i32
      %mul3A_108 = arith.constant 80 : i32
      %mul3A_109 = arith.muli %add3A_107, %mul3A_108 : i32
      %add3A_110 = arith.addi %mul3A_6, %mul3A_109 : i32
      %dma_start3A_111 = tpu.memref_slice %arg2[%add3A_110] : memref<320000xi32, #tpu.memory_space<hbm>> -> memref<80xi32, #tpu.memory_space<hbm>>
      %dma_start3A_112 = tpu.memref_slice %arg2[%add3A_110] : memref<320000xi32, #tpu.memory_space<hbm>> -> memref<80xi32, #tpu.memory_space<hbm>>
      tpu.enqueue_dma source(%dma_start3A_112 : memref<80xi32, #tpu.memory_space<hbm>>) target(%arg8 : memref<80xi32, #tpu.memory_space<vmem>>) target_semaphore(%arg20 : memref<!tpu.dma_semaphore, #tpu.memory_space<semaphore_mem>>)
      %dma_start3A_113 = tpu.memref_slice %arg3[%add3A_110] : memref<320000xi32, #tpu.memory_space<hbm>> -> memref<80xi32, #tpu.memory_space<hbm>>
      %dma_start3A_114 = tpu.memref_slice %arg3[%add3A_110] : memref<320000xi32, #tpu.memory_space<hbm>> -> memref<80xi32, #tpu.memory_space<hbm>>
      tpu.enqueue_dma source(%dma_start3A_114 : memref<80xi32, #tpu.memory_space<hbm>>) target(%arg12 : memref<80xi32, #tpu.memory_space<vmem>>) target_semaphore(%arg24 : memref<!tpu.dma_semaphore, #tpu.memory_space<semaphore_mem>>)
      %dma_wait3A_115 = arith.constant 0 : i32
      %dma_wait3A_116 = arith.constant 0 : i32
      %dma_wait3A_117 = tpu.memref_slice %arg4[%dma_wait3A_115, %dma_wait3A_116] : memref<10000x128xf32, #tpu.memory_space<hbm>> -> memref<10000x128xf32, #tpu.memory_space<hbm>>
      tpu.wait_indirect_dma semaphore(%arg29 : memref<!tpu.dma_semaphore, #tpu.memory_space<semaphore_mem>>) src(%dma_wait3A_117 : memref<10000x128xf32, #tpu.memory_space<hbm>>) dst(%arg17 : memref<80x128xf32, #tpu.memory_space<vmem>>)
      "tpu.region"() ({
        %run_scoped3A = tpu.sem_alloc : memref<!tpu.dma_semaphore, #tpu.memory_space<semaphore_mem>>
        %dma_start3A_156 = arith.constant 0 : i32
        %dma_start3A_157 = arith.constant 0 : i32
        %dma_start3A_158 = tpu.memref_slice %arg7[%dma_start3A_156, %dma_start3A_157] : memref<10000x128xf32, #tpu.memory_space<vmem_shared>> -> memref<10000x128xf32, #tpu.memory_space<vmem_shared>>
        tpu.enqueue_indirect_dma source(%arg17 : memref<80x128xf32, #tpu.memory_space<vmem>>) target(%dma_start3A_158 : memref<10000x128xf32, #tpu.memory_space<vmem_shared>>) offsets(%arg13 : memref<80xi32, #tpu.memory_space<vmem>>) semaphore(%run_scoped3A : memref<!tpu.dma_semaphore, #tpu.memory_space<semaphore_mem>>) {add = true}
        %dma_wait3A_159 = arith.constant 0 : i32
        %dma_wait3A_160 = arith.constant 0 : i32
        %dma_wait3A_161 = tpu.memref_slice %arg7[%dma_wait3A_159, %dma_wait3A_160] : memref<10000x128xf32, #tpu.memory_space<vmem_shared>> -> memref<10000x128xf32, #tpu.memory_space<vmem_shared>>
        tpu.wait_indirect_dma semaphore(%run_scoped3A : memref<!tpu.dma_semaphore, #tpu.memory_space<semaphore_mem>>) src(%arg17 : memref<80x128xf32, #tpu.memory_space<vmem>>) dst(%dma_wait3A_161 : memref<10000x128xf32, #tpu.memory_space<vmem_shared>>)
        tpu.yield
      }) : () -> ()
      %add3A_118 = arith.constant 1 : i32
      %add3A_119 = arith.addi %scan3A_54, %add3A_118 : i32
      %mul3A_120 = arith.constant 4 : i32
      %mul3A_121 = arith.muli %add3A_119, %mul3A_120 : i32
      %add3A_122 = arith.constant 1 : i32
      %add3A_123 = arith.addi %mul3A_121, %add3A_122 : i32
      %lt3A = arith.constant 30 : i32
      %lt3A_124 = arith.cmpi slt, %scan3A_54, %lt3A : i32
      %convert_element_type3A_125 = arith.extui %lt3A_124 : i1 to i32
      %cond3A_126 = arith.constant 0 : i32
      %cond3A_127 = arith.cmpi ne, %convert_element_type3A_125, %cond3A_126 : i32
      scf.if %cond3A_127 {
        %mul3A_156 = arith.constant 80 : i32
        %mul3A_157 = arith.muli %add3A_123, %mul3A_156 : i32
        %add3A_158 = arith.addi %mul3A_6, %mul3A_157 : i32
        %dma_start3A_159 = tpu.memref_slice %arg2[%add3A_158] : memref<320000xi32, #tpu.memory_space<hbm>> -> memref<80xi32, #tpu.memory_space<hbm>>
        %dma_start3A_160 = tpu.memref_slice %arg2[%add3A_158] : memref<320000xi32, #tpu.memory_space<hbm>> -> memref<80xi32, #tpu.memory_space<hbm>>
        tpu.enqueue_dma source(%dma_start3A_160 : memref<80xi32, #tpu.memory_space<hbm>>) target(%arg9 : memref<80xi32, #tpu.memory_space<vmem>>) target_semaphore(%arg21 : memref<!tpu.dma_semaphore, #tpu.memory_space<semaphore_mem>>)
        %dma_start3A_161 = tpu.memref_slice %arg3[%add3A_158] : memref<320000xi32, #tpu.memory_space<hbm>> -> memref<80xi32, #tpu.memory_space<hbm>>
        %dma_start3A_162 = tpu.memref_slice %arg3[%add3A_158] : memref<320000xi32, #tpu.memory_space<hbm>> -> memref<80xi32, #tpu.memory_space<hbm>>
        tpu.enqueue_dma source(%dma_start3A_162 : memref<80xi32, #tpu.memory_space<hbm>>) target(%arg13 : memref<80xi32, #tpu.memory_space<vmem>>) target_semaphore(%arg25 : memref<!tpu.dma_semaphore, #tpu.memory_space<semaphore_mem>>)
      } else {
      }
      %dma_wait3A_128 = arith.constant 0 : i32
      %dma_wait3A_129 = arith.constant 0 : i32
      %dma_wait3A_130 = tpu.memref_slice %arg4[%dma_wait3A_128, %dma_wait3A_129] : memref<10000x128xf32, #tpu.memory_space<hbm>> -> memref<10000x128xf32, #tpu.memory_space<hbm>>
      tpu.wait_indirect_dma semaphore(%arg30 : memref<!tpu.dma_semaphore, #tpu.memory_space<semaphore_mem>>) src(%dma_wait3A_130 : memref<10000x128xf32, #tpu.memory_space<hbm>>) dst(%arg18 : memref<80x128xf32, #tpu.memory_space<vmem>>)
      "tpu.region"() ({
        %run_scoped3A = tpu.sem_alloc : memref<!tpu.dma_semaphore, #tpu.memory_space<semaphore_mem>>
        %dma_start3A_156 = arith.constant 0 : i32
        %dma_start3A_157 = arith.constant 0 : i32
        %dma_start3A_158 = tpu.memref_slice %arg7[%dma_start3A_156, %dma_start3A_157] : memref<10000x128xf32, #tpu.memory_space<vmem_shared>> -> memref<10000x128xf32, #tpu.memory_space<vmem_shared>>
        tpu.enqueue_indirect_dma source(%arg18 : memref<80x128xf32, #tpu.memory_space<vmem>>) target(%dma_start3A_158 : memref<10000x128xf32, #tpu.memory_space<vmem_shared>>) offsets(%arg14 : memref<80xi32, #tpu.memory_space<vmem>>) semaphore(%run_scoped3A : memref<!tpu.dma_semaphore, #tpu.memory_space<semaphore_mem>>) {add = true}
        %dma_wait3A_159 = arith.constant 0 : i32
        %dma_wait3A_160 = arith.constant 0 : i32
        %dma_wait3A_161 = tpu.memref_slice %arg7[%dma_wait3A_159, %dma_wait3A_160] : memref<10000x128xf32, #tpu.memory_space<vmem_shared>> -> memref<10000x128xf32, #tpu.memory_space<vmem_shared>>
        tpu.wait_indirect_dma semaphore(%run_scoped3A : memref<!tpu.dma_semaphore, #tpu.memory_space<semaphore_mem>>) src(%arg18 : memref<80x128xf32, #tpu.memory_space<vmem>>) dst(%dma_wait3A_161 : memref<10000x128xf32, #tpu.memory_space<vmem_shared>>)
        tpu.yield
      }) : () -> ()
      %add3A_131 = arith.constant 1 : i32
      %add3A_132 = arith.addi %scan3A_54, %add3A_131 : i32
      %mul3A_133 = arith.constant 4 : i32
      %mul3A_134 = arith.muli %add3A_132, %mul3A_133 : i32
      %add3A_135 = arith.constant 2 : i32
      %add3A_136 = arith.addi %mul3A_134, %add3A_135 : i32
      %lt3A_137 = arith.constant 30 : i32
      %lt3A_138 = arith.cmpi slt, %scan3A_54, %lt3A_137 : i32
      %convert_element_type3A_139 = arith.extui %lt3A_138 : i1 to i32
      %cond3A_140 = arith.constant 0 : i32
      %cond3A_141 = arith.cmpi ne, %convert_element_type3A_139, %cond3A_140 : i32
      scf.if %cond3A_141 {
        %mul3A_156 = arith.constant 80 : i32
        %mul3A_157 = arith.muli %add3A_136, %mul3A_156 : i32
        %add3A_158 = arith.addi %mul3A_6, %mul3A_157 : i32
        %dma_start3A_159 = tpu.memref_slice %arg2[%add3A_158] : memref<320000xi32, #tpu.memory_space<hbm>> -> memref<80xi32, #tpu.memory_space<hbm>>
        %dma_start3A_160 = tpu.memref_slice %arg2[%add3A_158] : memref<320000xi32, #tpu.memory_space<hbm>> -> memref<80xi32, #tpu.memory_space<hbm>>
        tpu.enqueue_dma source(%dma_start3A_160 : memref<80xi32, #tpu.memory_space<hbm>>) target(%arg10 : memref<80xi32, #tpu.memory_space<vmem>>) target_semaphore(%arg22 : memref<!tpu.dma_semaphore, #tpu.memory_space<semaphore_mem>>)
        %dma_start3A_161 = tpu.memref_slice %arg3[%add3A_158] : memref<320000xi32, #tpu.memory_space<hbm>> -> memref<80xi32, #tpu.memory_space<hbm>>
        %dma_start3A_162 = tpu.memref_slice %arg3[%add3A_158] : memref<320000xi32, #tpu.memory_space<hbm>> -> memref<80xi32, #tpu.memory_space<hbm>>
        tpu.enqueue_dma source(%dma_start3A_162 : memref<80xi32, #tpu.memory_space<hbm>>) target(%arg14 : memref<80xi32, #tpu.memory_space<vmem>>) target_semaphore(%arg26 : memref<!tpu.dma_semaphore, #tpu.memory_space<semaphore_mem>>)
      } else {
      }
      %dma_wait3A_142 = arith.constant 0 : i32
      %dma_wait3A_143 = arith.constant 0 : i32
      %dma_wait3A_144 = tpu.memref_slice %arg4[%dma_wait3A_142, %dma_wait3A_143] : memref<10000x128xf32, #tpu.memory_space<hbm>> -> memref<10000x128xf32, #tpu.memory_space<hbm>>
      tpu.wait_indirect_dma semaphore(%arg31 : memref<!tpu.dma_semaphore, #tpu.memory_space<semaphore_mem>>) src(%dma_wait3A_144 : memref<10000x128xf32, #tpu.memory_space<hbm>>) dst(%arg19 : memref<80x128xf32, #tpu.memory_space<vmem>>)
      "tpu.region"() ({
        %run_scoped3A = tpu.sem_alloc : memref<!tpu.dma_semaphore, #tpu.memory_space<semaphore_mem>>
        %dma_start3A_156 = arith.constant 0 : i32
        %dma_start3A_157 = arith.constant 0 : i32
        %dma_start3A_158 = tpu.memref_slice %arg7[%dma_start3A_156, %dma_start3A_157] : memref<10000x128xf32, #tpu.memory_space<vmem_shared>> -> memref<10000x128xf32, #tpu.memory_space<vmem_shared>>
        tpu.enqueue_indirect_dma source(%arg19 : memref<80x128xf32, #tpu.memory_space<vmem>>) target(%dma_start3A_158 : memref<10000x128xf32, #tpu.memory_space<vmem_shared>>) offsets(%arg15 : memref<80xi32, #tpu.memory_space<vmem>>) semaphore(%run_scoped3A : memref<!tpu.dma_semaphore, #tpu.memory_space<semaphore_mem>>) {add = true}
        %dma_wait3A_159 = arith.constant 0 : i32
        %dma_wait3A_160 = arith.constant 0 : i32
        %dma_wait3A_161 = tpu.memref_slice %arg7[%dma_wait3A_159, %dma_wait3A_160] : memref<10000x128xf32, #tpu.memory_space<vmem_shared>> -> memref<10000x128xf32, #tpu.memory_space<vmem_shared>>
        tpu.wait_indirect_dma semaphore(%run_scoped3A : memref<!tpu.dma_semaphore, #tpu.memory_space<semaphore_mem>>) src(%arg19 : memref<80x128xf32, #tpu.memory_space<vmem>>) dst(%dma_wait3A_161 : memref<10000x128xf32, #tpu.memory_space<vmem_shared>>)
        tpu.yield
      }) : () -> ()
      %add3A_145 = arith.constant 1 : i32
      %add3A_146 = arith.addi %scan3A_54, %add3A_145 : i32
      %mul3A_147 = arith.constant 4 : i32
      %mul3A_148 = arith.muli %add3A_146, %mul3A_147 : i32
      %add3A_149 = arith.constant 3 : i32
      %add3A_150 = arith.addi %mul3A_148, %add3A_149 : i32
      %lt3A_151 = arith.constant 30 : i32
      %lt3A_152 = arith.cmpi slt, %scan3A_54, %lt3A_151 : i32
      %convert_element_type3A_153 = arith.extui %lt3A_152 : i1 to i32
      %cond3A_154 = arith.constant 0 : i32
      %cond3A_155 = arith.cmpi ne, %convert_element_type3A_153, %cond3A_154 : i32
      scf.if %cond3A_155 {
        %mul3A_156 = arith.constant 80 : i32
        %mul3A_157 = arith.muli %add3A_150, %mul3A_156 : i32
        %add3A_158 = arith.addi %mul3A_6, %mul3A_157 : i32
        %dma_start3A_159 = tpu.memref_slice %arg2[%add3A_158] : memref<320000xi32, #tpu.memory_space<hbm>> -> memref<80xi32, #tpu.memory_space<hbm>>
        %dma_start3A_160 = tpu.memref_slice %arg2[%add3A_158] : memref<320000xi32, #tpu.memory_space<hbm>> -> memref<80xi32, #tpu.memory_space<hbm>>
        tpu.enqueue_dma source(%dma_start3A_160 : memref<80xi32, #tpu.memory_space<hbm>>) target(%arg11 : memref<80xi32, #tpu.memory_space<vmem>>) target_semaphore(%arg23 : memref<!tpu.dma_semaphore, #tpu.memory_space<semaphore_mem>>)
        %dma_start3A_161 = tpu.memref_slice %arg3[%add3A_158] : memref<320000xi32, #tpu.memory_space<hbm>> -> memref<80xi32, #tpu.memory_space<hbm>>
        %dma_start3A_162 = tpu.memref_slice %arg3[%add3A_158] : memref<320000xi32, #tpu.memory_space<hbm>> -> memref<80xi32, #tpu.memory_space<hbm>>
        tpu.enqueue_dma source(%dma_start3A_162 : memref<80xi32, #tpu.memory_space<hbm>>) target(%arg15 : memref<80xi32, #tpu.memory_space<vmem>>) target_semaphore(%arg27 : memref<!tpu.dma_semaphore, #tpu.memory_space<semaphore_mem>>)
      } else {
      }
    }
    %scan3A_34 = arith.constant 31 : i32
    %dma_wait3A = arith.constant 0 : i32
    %dma_wait3A_35 = tpu.memref_slice %arg2[%dma_wait3A] : memref<320000xi32, #tpu.memory_space<hbm>> -> memref<80xi32, #tpu.memory_space<hbm>>
    %dma_wait3A_36 = arith.constant 0 : i32
    %dma_wait3A_37 = tpu.memref_slice %arg2[%dma_wait3A_36] : memref<320000xi32, #tpu.memory_space<hbm>> -> memref<80xi32, #tpu.memory_space<hbm>>
    tpu.wait_dma2 semaphore(%arg20 : memref<!tpu.dma_semaphore, #tpu.memory_space<semaphore_mem>>) src(%dma_wait3A_37 : memref<80xi32, #tpu.memory_space<hbm>>) dst(%arg8 : memref<80xi32, #tpu.memory_space<vmem>>)
    %dma_wait3A_38 = arith.constant 0 : i32
    %dma_wait3A_39 = tpu.memref_slice %arg3[%dma_wait3A_38] : memref<320000xi32, #tpu.memory_space<hbm>> -> memref<80xi32, #tpu.memory_space<hbm>>
    %dma_wait3A_40 = arith.constant 0 : i32
    %dma_wait3A_41 = tpu.memref_slice %arg3[%dma_wait3A_40] : memref<320000xi32, #tpu.memory_space<hbm>> -> memref<80xi32, #tpu.memory_space<hbm>>
    tpu.wait_dma2 semaphore(%arg24 : memref<!tpu.dma_semaphore, #tpu.memory_space<semaphore_mem>>) src(%dma_wait3A_41 : memref<80xi32, #tpu.memory_space<hbm>>) dst(%arg12 : memref<80xi32, #tpu.memory_space<vmem>>)
    %dma_start3A_42 = arith.constant 0 : i32
    %dma_start3A_43 = arith.constant 0 : i32
    %dma_start3A_44 = tpu.memref_slice %arg4[%dma_start3A_42, %dma_start3A_43] : memref<10000x128xf32, #tpu.memory_space<hbm>> -> memref<10000x128xf32, #tpu.memory_space<hbm>>
    tpu.enqueue_indirect_dma source(%dma_start3A_44 : memref<10000x128xf32, #tpu.memory_space<hbm>>) target(%arg16 : memref<80x128xf32, #tpu.memory_space<vmem>>) offsets(%arg8 : memref<80xi32, #tpu.memory_space<vmem>>) semaphore(%arg28 : memref<!tpu.dma_semaphore, #tpu.memory_space<semaphore_mem>>)
    %dma_wait3A_45 = arith.constant 0 : i32
    %dma_wait3A_46 = arith.constant 0 : i32
    %dma_wait3A_47 = tpu.memref_slice %arg4[%dma_wait3A_45, %dma_wait3A_46] : memref<10000x128xf32, #tpu.memory_space<hbm>> -> memref<10000x128xf32, #tpu.memory_space<hbm>>
    tpu.wait_indirect_dma semaphore(%arg28 : memref<!tpu.dma_semaphore, #tpu.memory_space<semaphore_mem>>) src(%dma_wait3A_47 : memref<10000x128xf32, #tpu.memory_space<hbm>>) dst(%arg16 : memref<80x128xf32, #tpu.memory_space<vmem>>)
    "tpu.region"() ({
      %run_scoped3A = tpu.sem_alloc : memref<!tpu.dma_semaphore, #tpu.memory_space<semaphore_mem>>
      %dma_start3A_54 = arith.constant 0 : i32
      %dma_start3A_55 = arith.constant 0 : i32
      %dma_start3A_56 = tpu.memref_slice %arg7[%dma_start3A_54, %dma_start3A_55] : memref<10000x128xf32, #tpu.memory_space<vmem_shared>> -> memref<10000x128xf32, #tpu.memory_space<vmem_shared>>
      tpu.enqueue_indirect_dma source(%arg16 : memref<80x128xf32, #tpu.memory_space<vmem>>) target(%dma_start3A_56 : memref<10000x128xf32, #tpu.memory_space<vmem_shared>>) offsets(%arg12 : memref<80xi32, #tpu.memory_space<vmem>>) semaphore(%run_scoped3A : memref<!tpu.dma_semaphore, #tpu.memory_space<semaphore_mem>>) {add = true}
      %dma_wait3A_57 = arith.constant 0 : i32
      %dma_wait3A_58 = arith.constant 0 : i32
      %dma_wait3A_59 = tpu.memref_slice %arg7[%dma_wait3A_57, %dma_wait3A_58] : memref<10000x128xf32, #tpu.memory_space<vmem_shared>> -> memref<10000x128xf32, #tpu.memory_space<vmem_shared>>
      tpu.wait_indirect_dma semaphore(%run_scoped3A : memref<!tpu.dma_semaphore, #tpu.memory_space<semaphore_mem>>) src(%arg16 : memref<80x128xf32, #tpu.memory_space<vmem>>) dst(%dma_wait3A_59 : memref<10000x128xf32, #tpu.memory_space<vmem_shared>>)
      tpu.yield
    }) : () -> ()
    %barrier3A_48 = arith.constant 0 : index
    tpu.barrier barrier_id(%barrier3A_48)
    "tpu.region"() ({
      %run_scoped3A = tpu.sem_alloc : memref<!tpu.dma_semaphore, #tpu.memory_space<semaphore_mem>>
      %dma_start3A_54 = arith.constant 0 : i32
      %dma_start3A_55 = tpu.memref_slice %arg6[%arg0, %mul3A_2, %dma_start3A_54] : memref<2x10000x128xf32, #tpu.memory_space<hbm>> -> memref<1x624x128xf32, #tpu.memory_space<hbm>>
      %dma_start3A_56 = tpu.memref_squeeze %dma_start3A_55 : memref<1x624x128xf32, #tpu.memory_space<hbm>> -> memref<624x128xf32, #tpu.memory_space<hbm>>
      %dma_start3A_57 = arith.constant 0 : i32
      %dma_start3A_58 = tpu.memref_slice %arg7[%mul3A_2, %dma_start3A_57] : memref<10000x128xf32, #tpu.memory_space<vmem_shared>> -> memref<624x128xf32, #tpu.memory_space<vmem_shared>>
      tpu.enqueue_dma source(%dma_start3A_58 : memref<624x128xf32, #tpu.memory_space<vmem_shared>>) target(%dma_start3A_56 : memref<624x128xf32, #tpu.memory_space<hbm>>) target_semaphore(%run_scoped3A : memref<!tpu.dma_semaphore, #tpu.memory_space<semaphore_mem>>)
      %dma_wait3A_59 = arith.constant 0 : i32
      %dma_wait3A_60 = tpu.memref_slice %arg6[%arg0, %mul3A_2, %dma_wait3A_59] : memref<2x10000x128xf32, #tpu.memory_space<hbm>> -> memref<1x624x128xf32, #tpu.memory_space<hbm>>
      %dma_wait3A_61 = tpu.memref_squeeze %dma_wait3A_60 : memref<1x624x128xf32, #tpu.memory_space<hbm>> -> memref<624x128xf32, #tpu.memory_space<hbm>>
      %dma_wait3A_62 = arith.constant 0 : i32
      %dma_wait3A_63 = tpu.memref_slice %arg7[%mul3A_2, %dma_wait3A_62] : memref<10000x128xf32, #tpu.memory_space<vmem_shared>> -> memref<624x128xf32, #tpu.memory_space<vmem_shared>>
      tpu.wait_dma2 semaphore(%run_scoped3A : memref<!tpu.dma_semaphore, #tpu.memory_space<semaphore_mem>>) src(%dma_wait3A_63 : memref<624x128xf32, #tpu.memory_space<vmem_shared>>) dst(%dma_wait3A_61 : memref<624x128xf32, #tpu.memory_space<hbm>>)
      tpu.yield
    }) : () -> ()
    %eq3A_49 = arith.constant 15 : i32
    %eq3A_50 = arith.cmpi eq, %arg1, %eq3A_49 : i32
    %convert_element_type3A_51 = arith.extui %eq3A_50 : i1 to i32
    %cond3A_52 = arith.constant 0 : i32
    %cond3A_53 = arith.cmpi ne, %convert_element_type3A_51, %cond3A_52 : i32
    scf.if %cond3A_53 {
      "tpu.region"() ({
        %run_scoped3A = tpu.sem_alloc : memref<!tpu.dma_semaphore, #tpu.memory_space<semaphore_mem>>
        %dma_start3A_54 = arith.constant 9984 : i32
        %dma_start3A_55 = arith.constant 0 : i32
        %dma_start3A_56 = tpu.memref_slice %arg6[%arg0, %dma_start3A_54, %dma_start3A_55] : memref<2x10000x128xf32, #tpu.memory_space<hbm>> -> memref<1x16x128xf32, #tpu.memory_space<hbm>>
        %dma_start3A_57 = tpu.memref_squeeze %dma_start3A_56 : memref<1x16x128xf32, #tpu.memory_space<hbm>> -> memref<16x128xf32, #tpu.memory_space<hbm>>
        %dma_start3A_58 = arith.constant 9984 : i32
        %dma_start3A_59 = arith.constant 0 : i32
        %dma_start3A_60 = tpu.memref_slice %arg7[%dma_start3A_58, %dma_start3A_59] : memref<10000x128xf32, #tpu.memory_space<vmem_shared>> -> memref<16x128xf32, #tpu.memory_space<vmem_shared>>
        tpu.enqueue_dma source(%dma_start3A_60 : memref<16x128xf32, #tpu.memory_space<vmem_shared>>) target(%dma_start3A_57 : memref<16x128xf32, #tpu.memory_space<hbm>>) target_semaphore(%run_scoped3A : memref<!tpu.dma_semaphore, #tpu.memory_space<semaphore_mem>>)
        %dma_wait3A_61 = arith.constant 9984 : i32
        %dma_wait3A_62 = arith.constant 0 : i32
        %dma_wait3A_63 = tpu.memref_slice %arg6[%arg0, %dma_wait3A_61, %dma_wait3A_62] : memref<2x10000x128xf32, #tpu.memory_space<hbm>> -> memref<1x16x128xf32, #tpu.memory_space<hbm>>
        %dma_wait3A_64 = tpu.memref_squeeze %dma_wait3A_63 : memref<1x16x128xf32, #tpu.memory_space<hbm>> -> memref<16x128xf32, #tpu.memory_space<hbm>>
        %dma_wait3A_65 = arith.constant 9984 : i32
        %dma_wait3A_66 = arith.constant 0 : i32
        %dma_wait3A_67 = tpu.memref_slice %arg7[%dma_wait3A_65, %dma_wait3A_66] : memref<10000x128xf32, #tpu.memory_space<vmem_shared>> -> memref<16x128xf32, #tpu.memory_space<vmem_shared>>
        tpu.wait_dma2 semaphore(%run_scoped3A : memref<!tpu.dma_semaphore, #tpu.memory_space<semaphore_mem>>) src(%dma_wait3A_67 : memref<16x128xf32, #tpu.memory_space<vmem_shared>>) dst(%dma_wait3A_64 : memref<16x128xf32, #tpu.memory_space<hbm>>)
        tpu.yield
      }) : () -> ()
    } else {
    }
    return
  }
}

#map = affine_map<(d0, d1) -> (0)>
#map1 = affine_map<(d0, d1) -> (0, 0)>
#map2 = affine_map<(d0, d1) -> (0, 0, 0)>
module attributes {stable_mosaic.version = 14 : i64} {
  func.func @agg(%arg0: i32, %arg1: i32, %arg2: memref<320000xi32, #tpu.memory_space<hbm>>, %arg3: memref<320000xi32, #tpu.memory_space<hbm>>, %arg4: memref<10000x128xf32, #tpu.memory_space<hbm>>, %arg5: memref<10000x128xf32, #tpu.memory_space<hbm>>, %arg6: memref<2x10000x128xf32, #tpu.memory_space<hbm>>, %arg7: memref<10000x128xf32, #tpu.memory_space<vmem_shared>>, %arg8: memref<80xi32, #tpu.memory_space<vmem>>, %arg9: memref<80xi32, #tpu.memory_space<vmem>>, %arg10: memref<80xi32, #tpu.memory_space<vmem>>, %arg11: memref<80xi32, #tpu.memory_space<vmem>>, %arg12: memref<80xi32, #tpu.memory_space<vmem>>, %arg13: memref<80xi32, #tpu.memory_space<vmem>>, %arg14: memref<80xi32, #tpu.memory_space<vmem>>, %arg15: memref<80xi32, #tpu.memory_space<vmem>>, %arg16: memref<80x128xf32, #tpu.memory_space<vmem>>, %arg17: memref<80x128xf32, #tpu.memory_space<vmem>>, %arg18: memref<80x128xf32, #tpu.memory_space<vmem>>, %arg19: memref<80x128xf32, #tpu.memory_space<vmem>>, %arg20: memref<!tpu.dma_semaphore, #tpu.memory_space<semaphore_mem>>, %arg21: memref<!tpu.dma_semaphore, #tpu.memory_space<semaphore_mem>>, %arg22: memref<!tpu.dma_semaphore, #tpu.memory_space<semaphore_mem>>, %arg23: memref<!tpu.dma_semaphore, #tpu.memory_space<semaphore_mem>>, %arg24: memref<!tpu.dma_semaphore, #tpu.memory_space<semaphore_mem>>, %arg25: memref<!tpu.dma_semaphore, #tpu.memory_space<semaphore_mem>>, %arg26: memref<!tpu.dma_semaphore, #tpu.memory_space<semaphore_mem>>, %arg27: memref<!tpu.dma_semaphore, #tpu.memory_space<semaphore_mem>>, %arg28: memref<!tpu.dma_semaphore, #tpu.memory_space<semaphore_mem>>, %arg29: memref<!tpu.dma_semaphore, #tpu.memory_space<semaphore_mem>>, %arg30: memref<!tpu.dma_semaphore, #tpu.memory_space<semaphore_mem>>, %arg31: memref<!tpu.dma_semaphore, #tpu.memory_space<semaphore_mem>>) attributes {dimension_semantics = [#tpu.dimension_semantics<core_parallel>, #tpu.dimension_semantics<subcore_parallel>], iteration_bounds = array<i64: 2, 16>, scalar_prefetch = 0 : i64, scratch_operands = 25 : i64, tpu.core_type = #tpu.core_type<sc_vector_subcore>, window_params = [{transform_indices = #map}, {transform_indices = #map}, {transform_indices = #map1}, {transform_indices = #map1}, {transform_indices = #map2}]} {
    %mul3A = arith.constant 16 : i32
    %mul3A_0 = arith.muli %arg0, %mul3A : i32
    %add3A = arith.addi %mul3A_0, %arg1 : i32
    %mul3A_1 = arith.constant 624 : i32
    %mul3A_2 = arith.muli %arg1, %mul3A_1 : i32
    "tpu.region"() ({
      %run_scoped3A = tpu.sem_alloc : memref<!tpu.dma_semaphore, #tpu.memory_space<semaphore_mem>>
      %dma_start3A_54 = arith.constant 0 : i32
      %dma_start3A_55 = tpu.memref_slice %arg7[%mul3A_2, %dma_start3A_54] : memref<10000x128xf32, #tpu.memory_space<vmem_shared>> -> memref<624x128xf32, #tpu.memory_space<vmem_shared>>
      %dma_start3A_56 = arith.constant 0 : i32
      %dma_start3A_57 = tpu.memref_slice %arg5[%mul3A_2, %dma_start3A_56] : memref<10000x128xf32, #tpu.memory_space<hbm>> -> memref<624x128xf32, #tpu.memory_space<hbm>>
      tpu.enqueue_dma source(%dma_start3A_57 : memref<624x128xf32, #tpu.memory_space<hbm>>) target(%dma_start3A_55 : memref<624x128xf32, #tpu.memory_space<vmem_shared>>) target_semaphore(%run_scoped3A : memref<!tpu.dma_semaphore, #tpu.memory_space<semaphore_mem>>)
      %dma_wait3A_58 = arith.constant 0 : i32
      %dma_wait3A_59 = tpu.memref_slice %arg7[%mul3A_2, %dma_wait3A_58] : memref<10000x128xf32, #tpu.memory_space<vmem_shared>> -> memref<624x128xf32, #tpu.memory_space<vmem_shared>>
      %dma_wait3A_60 = arith.constant 0 : i32
      %dma_wait3A_61 = tpu.memref_slice %arg5[%mul3A_2, %dma_wait3A_60] : memref<10000x128xf32, #tpu.memory_space<hbm>> -> memref<624x128xf32, #tpu.memory_space<hbm>>
      tpu.wait_dma2 semaphore(%run_scoped3A : memref<!tpu.dma_semaphore, #tpu.memory_space<semaphore_mem>>) src(%dma_wait3A_61 : memref<624x128xf32, #tpu.memory_space<hbm>>) dst(%dma_wait3A_59 : memref<624x128xf32, #tpu.memory_space<vmem_shared>>)
      tpu.yield
    }) : () -> ()
    %eq3A = arith.constant 15 : i32
    %eq3A_3 = arith.cmpi eq, %arg1, %eq3A : i32
    %convert_element_type3A = arith.extui %eq3A_3 : i1 to i32
    %cond3A = arith.constant 0 : i32
    %cond3A_4 = arith.cmpi ne, %convert_element_type3A, %cond3A : i32
    scf.if %cond3A_4 {
      "tpu.region"() ({
        %run_scoped3A = tpu.sem_alloc : memref<!tpu.dma_semaphore, #tpu.memory_space<semaphore_mem>>
        %dma_start3A_54 = arith.constant 9984 : i32
        %dma_start3A_55 = arith.constant 0 : i32
        %dma_start3A_56 = tpu.memref_slice %arg7[%dma_start3A_54, %dma_start3A_55] : memref<10000x128xf32, #tpu.memory_space<vmem_shared>> -> memref<16x128xf32, #tpu.memory_space<vmem_shared>>
        %dma_start3A_57 = arith.constant 9984 : i32
        %dma_start3A_58 = arith.constant 0 : i32
        %dma_start3A_59 = tpu.memref_slice %arg5[%dma_start3A_57, %dma_start3A_58] : memref<10000x128xf32, #tpu.memory_space<hbm>> -> memref<16x128xf32, #tpu.memory_space<hbm>>
        tpu.enqueue_dma source(%dma_start3A_59 : memref<16x128xf32, #tpu.memory_space<hbm>>) target(%dma_start3A_56 : memref<16x128xf32, #tpu.memory_space<vmem_shared>>) target_semaphore(%run_scoped3A : memref<!tpu.dma_semaphore, #tpu.memory_space<semaphore_mem>>)
        %dma_wait3A_60 = arith.constant 9984 : i32
        %dma_wait3A_61 = arith.constant 0 : i32
        %dma_wait3A_62 = tpu.memref_slice %arg7[%dma_wait3A_60, %dma_wait3A_61] : memref<10000x128xf32, #tpu.memory_space<vmem_shared>> -> memref<16x128xf32, #tpu.memory_space<vmem_shared>>
        %dma_wait3A_63 = arith.constant 9984 : i32
        %dma_wait3A_64 = arith.constant 0 : i32
        %dma_wait3A_65 = tpu.memref_slice %arg5[%dma_wait3A_63, %dma_wait3A_64] : memref<10000x128xf32, #tpu.memory_space<hbm>> -> memref<16x128xf32, #tpu.memory_space<hbm>>
        tpu.wait_dma2 semaphore(%run_scoped3A : memref<!tpu.dma_semaphore, #tpu.memory_space<semaphore_mem>>) src(%dma_wait3A_65 : memref<16x128xf32, #tpu.memory_space<hbm>>) dst(%dma_wait3A_62 : memref<16x128xf32, #tpu.memory_space<vmem_shared>>)
        tpu.yield
      }) : () -> ()
    } else {
    }
    %mul3A_5 = arith.constant 10000 : i32
    %mul3A_6 = arith.muli %add3A, %mul3A_5 : i32
    %barrier3A = arith.constant 0 : index
    tpu.barrier barrier_id(%barrier3A)
    %add3A_7 = arith.constant 0 : i32
    %add3A_8 = arith.addi %mul3A_6, %add3A_7 : i32
    %dma_start3A = tpu.memref_slice %arg2[%add3A_8] : memref<320000xi32, #tpu.memory_space<hbm>> -> memref<80xi32, #tpu.memory_space<hbm>>
    %dma_start3A_9 = tpu.memref_slice %arg2[%add3A_8] : memref<320000xi32, #tpu.memory_space<hbm>> -> memref<80xi32, #tpu.memory_space<hbm>>
    tpu.enqueue_dma source(%dma_start3A_9 : memref<80xi32, #tpu.memory_space<hbm>>) target(%arg8 : memref<80xi32, #tpu.memory_space<vmem>>) target_semaphore(%arg20 : memref<!tpu.dma_semaphore, #tpu.memory_space<semaphore_mem>>)
    %dma_start3A_10 = tpu.memref_slice %arg3[%add3A_8] : memref<320000xi32, #tpu.memory_space<hbm>> -> memref<80xi32, #tpu.memory_space<hbm>>
    %dma_start3A_11 = tpu.memref_slice %arg3[%add3A_8] : memref<320000xi32, #tpu.memory_space<hbm>> -> memref<80xi32, #tpu.memory_space<hbm>>
    tpu.enqueue_dma source(%dma_start3A_11 : memref<80xi32, #tpu.memory_space<hbm>>) target(%arg12 : memref<80xi32, #tpu.memory_space<vmem>>) target_semaphore(%arg24 : memref<!tpu.dma_semaphore, #tpu.memory_space<semaphore_mem>>)
    %add3A_12 = arith.constant 80 : i32
    %add3A_13 = arith.addi %mul3A_6, %add3A_12 : i32
    %dma_start3A_14 = tpu.memref_slice %arg2[%add3A_13] : memref<320000xi32, #tpu.memory_space<hbm>> -> memref<80xi32, #tpu.memory_space<hbm>>
    %dma_start3A_15 = tpu.memref_slice %arg2[%add3A_13] : memref<320000xi32, #tpu.memory_space<hbm>> -> memref<80xi32, #tpu.memory_space<hbm>>
    tpu.enqueue_dma source(%dma_start3A_15 : memref<80xi32, #tpu.memory_space<hbm>>) target(%arg9 : memref<80xi32, #tpu.memory_space<vmem>>) target_semaphore(%arg21 : memref<!tpu.dma_semaphore, #tpu.memory_space<semaphore_mem>>)
    %dma_start3A_16 = tpu.memref_slice %arg3[%add3A_13] : memref<320000xi32, #tpu.memory_space<hbm>> -> memref<80xi32, #tpu.memory_space<hbm>>
    %dma_start3A_17 = tpu.memref_slice %arg3[%add3A_13] : memref<320000xi32, #tpu.memory_space<hbm>> -> memref<80xi32, #tpu.memory_space<hbm>>
    tpu.enqueue_dma source(%dma_start3A_17 : memref<80xi32, #tpu.memory_space<hbm>>) target(%arg13 : memref<80xi32, #tpu.memory_space<vmem>>) target_semaphore(%arg25 : memref<!tpu.dma_semaphore, #tpu.memory_space<semaphore_mem>>)
    %add3A_18 = arith.constant 160 : i32
    %add3A_19 = arith.addi %mul3A_6, %add3A_18 : i32
    %dma_start3A_20 = tpu.memref_slice %arg2[%add3A_19] : memref<320000xi32, #tpu.memory_space<hbm>> -> memref<80xi32, #tpu.memory_space<hbm>>
    %dma_start3A_21 = tpu.memref_slice %arg2[%add3A_19] : memref<320000xi32, #tpu.memory_space<hbm>> -> memref<80xi32, #tpu.memory_space<hbm>>
    tpu.enqueue_dma source(%dma_start3A_21 : memref<80xi32, #tpu.memory_space<hbm>>) target(%arg10 : memref<80xi32, #tpu.memory_space<vmem>>) target_semaphore(%arg22 : memref<!tpu.dma_semaphore, #tpu.memory_space<semaphore_mem>>)
    %dma_start3A_22 = tpu.memref_slice %arg3[%add3A_19] : memref<320000xi32, #tpu.memory_space<hbm>> -> memref<80xi32, #tpu.memory_space<hbm>>
    %dma_start3A_23 = tpu.memref_slice %arg3[%add3A_19] : memref<320000xi32, #tpu.memory_space<hbm>> -> memref<80xi32, #tpu.memory_space<hbm>>
    tpu.enqueue_dma source(%dma_start3A_23 : memref<80xi32, #tpu.memory_space<hbm>>) target(%arg14 : memref<80xi32, #tpu.memory_space<vmem>>) target_semaphore(%arg26 : memref<!tpu.dma_semaphore, #tpu.memory_space<semaphore_mem>>)
    %add3A_24 = arith.constant 240 : i32
    %add3A_25 = arith.addi %mul3A_6, %add3A_24 : i32
    %dma_start3A_26 = tpu.memref_slice %arg2[%add3A_25] : memref<320000xi32, #tpu.memory_space<hbm>> -> memref<80xi32, #tpu.memory_space<hbm>>
    %dma_start3A_27 = tpu.memref_slice %arg2[%add3A_25] : memref<320000xi32, #tpu.memory_space<hbm>> -> memref<80xi32, #tpu.memory_space<hbm>>
    tpu.enqueue_dma source(%dma_start3A_27 : memref<80xi32, #tpu.memory_space<hbm>>) target(%arg11 : memref<80xi32, #tpu.memory_space<vmem>>) target_semaphore(%arg23 : memref<!tpu.dma_semaphore, #tpu.memory_space<semaphore_mem>>)
    %dma_start3A_28 = tpu.memref_slice %arg3[%add3A_25] : memref<320000xi32, #tpu.memory_space<hbm>> -> memref<80xi32, #tpu.memory_space<hbm>>
    %dma_start3A_29 = tpu.memref_slice %arg3[%add3A_25] : memref<320000xi32, #tpu.memory_space<hbm>> -> memref<80xi32, #tpu.memory_space<hbm>>
    tpu.enqueue_dma source(%dma_start3A_29 : memref<80xi32, #tpu.memory_space<hbm>>) target(%arg15 : memref<80xi32, #tpu.memory_space<vmem>>) target_semaphore(%arg27 : memref<!tpu.dma_semaphore, #tpu.memory_space<semaphore_mem>>)
    %scan3A = arith.constant 0 : i32
    %scan3A_30 = arith.constant 0 : i32
    %scan3A_31 = arith.constant 31 : i32
    %scan3A_32 = arith.addi %scan3A_30, %scan3A_31 : i32
    %scan3A_33 = arith.constant 1 : i32
    scf.for %scan3A_54 = %scan3A_30 to %scan3A_32 step %scan3A_33  : i32 {
      %dma_wait3A_55 = arith.constant 0 : i32
      %dma_wait3A_56 = tpu.memref_slice %arg2[%dma_wait3A_55] : memref<320000xi32, #tpu.memory_space<hbm>> -> memref<80xi32, #tpu.memory_space<hbm>>
      %dma_wait3A_57 = arith.constant 0 : i32
      %dma_wait3A_58 = tpu.memref_slice %arg2[%dma_wait3A_57] : memref<320000xi32, #tpu.memory_space<hbm>> -> memref<80xi32, #tpu.memory_space<hbm>>
      tpu.wait_dma2 semaphore(%arg20 : memref<!tpu.dma_semaphore, #tpu.memory_space<semaphore_mem>>) src(%dma_wait3A_58 : memref<80xi32, #tpu.memory_space<hbm>>) dst(%arg8 : memref<80xi32, #tpu.memory_space<vmem>>)
      %dma_wait3A_59 = arith.constant 0 : i32
      %dma_wait3A_60 = tpu.memref_slice %arg3[%dma_wait3A_59] : memref<320000xi32, #tpu.memory_space<hbm>> -> memref<80xi32, #tpu.memory_space<hbm>>
      %dma_wait3A_61 = arith.constant 0 : i32
      %dma_wait3A_62 = tpu.memref_slice %arg3[%dma_wait3A_61] : memref<320000xi32, #tpu.memory_space<hbm>> -> memref<80xi32, #tpu.memory_space<hbm>>
      tpu.wait_dma2 semaphore(%arg24 : memref<!tpu.dma_semaphore, #tpu.memory_space<semaphore_mem>>) src(%dma_wait3A_62 : memref<80xi32, #tpu.memory_space<hbm>>) dst(%arg12 : memref<80xi32, #tpu.memory_space<vmem>>)
      %dma_start3A_63 = arith.constant 0 : i32
      %dma_start3A_64 = arith.constant 0 : i32
      %dma_start3A_65 = tpu.memref_slice %arg4[%dma_start3A_63, %dma_start3A_64] : memref<10000x128xf32, #tpu.memory_space<hbm>> -> memref<10000x128xf32, #tpu.memory_space<hbm>>
      tpu.enqueue_indirect_dma source(%dma_start3A_65 : memref<10000x128xf32, #tpu.memory_space<hbm>>) target(%arg16 : memref<80x128xf32, #tpu.memory_space<vmem>>) offsets(%arg8 : memref<80xi32, #tpu.memory_space<vmem>>) semaphore(%arg28 : memref<!tpu.dma_semaphore, #tpu.memory_space<semaphore_mem>>)
      %dma_wait3A_66 = arith.constant 0 : i32
      %dma_wait3A_67 = tpu.memref_slice %arg2[%dma_wait3A_66] : memref<320000xi32, #tpu.memory_space<hbm>> -> memref<80xi32, #tpu.memory_space<hbm>>
      %dma_wait3A_68 = arith.constant 0 : i32
      %dma_wait3A_69 = tpu.memref_slice %arg2[%dma_wait3A_68] : memref<320000xi32, #tpu.memory_space<hbm>> -> memref<80xi32, #tpu.memory_space<hbm>>
      tpu.wait_dma2 semaphore(%arg21 : memref<!tpu.dma_semaphore, #tpu.memory_space<semaphore_mem>>) src(%dma_wait3A_69 : memref<80xi32, #tpu.memory_space<hbm>>) dst(%arg9 : memref<80xi32, #tpu.memory_space<vmem>>)
      %dma_wait3A_70 = arith.constant 0 : i32
      %dma_wait3A_71 = tpu.memref_slice %arg3[%dma_wait3A_70] : memref<320000xi32, #tpu.memory_space<hbm>> -> memref<80xi32, #tpu.memory_space<hbm>>
      %dma_wait3A_72 = arith.constant 0 : i32
      %dma_wait3A_73 = tpu.memref_slice %arg3[%dma_wait3A_72] : memref<320000xi32, #tpu.memory_space<hbm>> -> memref<80xi32, #tpu.memory_space<hbm>>
      tpu.wait_dma2 semaphore(%arg25 : memref<!tpu.dma_semaphore, #tpu.memory_space<semaphore_mem>>) src(%dma_wait3A_73 : memref<80xi32, #tpu.memory_space<hbm>>) dst(%arg13 : memref<80xi32, #tpu.memory_space<vmem>>)
      %dma_start3A_74 = arith.constant 0 : i32
      %dma_start3A_75 = arith.constant 0 : i32
      %dma_start3A_76 = tpu.memref_slice %arg4[%dma_start3A_74, %dma_start3A_75] : memref<10000x128xf32, #tpu.memory_space<hbm>> -> memref<10000x128xf32, #tpu.memory_space<hbm>>
      tpu.enqueue_indirect_dma source(%dma_start3A_76 : memref<10000x128xf32, #tpu.memory_space<hbm>>) target(%arg17 : memref<80x128xf32, #tpu.memory_space<vmem>>) offsets(%arg9 : memref<80xi32, #tpu.memory_space<vmem>>) semaphore(%arg29 : memref<!tpu.dma_semaphore, #tpu.memory_space<semaphore_mem>>)
      %dma_wait3A_77 = arith.constant 0 : i32
      %dma_wait3A_78 = tpu.memref_slice %arg2[%dma_wait3A_77] : memref<320000xi32, #tpu.memory_space<hbm>> -> memref<80xi32, #tpu.memory_space<hbm>>
      %dma_wait3A_79 = arith.constant 0 : i32
      %dma_wait3A_80 = tpu.memref_slice %arg2[%dma_wait3A_79] : memref<320000xi32, #tpu.memory_space<hbm>> -> memref<80xi32, #tpu.memory_space<hbm>>
      tpu.wait_dma2 semaphore(%arg22 : memref<!tpu.dma_semaphore, #tpu.memory_space<semaphore_mem>>) src(%dma_wait3A_80 : memref<80xi32, #tpu.memory_space<hbm>>) dst(%arg10 : memref<80xi32, #tpu.memory_space<vmem>>)
      %dma_wait3A_81 = arith.constant 0 : i32
      %dma_wait3A_82 = tpu.memref_slice %arg3[%dma_wait3A_81] : memref<320000xi32, #tpu.memory_space<hbm>> -> memref<80xi32, #tpu.memory_space<hbm>>
      %dma_wait3A_83 = arith.constant 0 : i32
      %dma_wait3A_84 = tpu.memref_slice %arg3[%dma_wait3A_83] : memref<320000xi32, #tpu.memory_space<hbm>> -> memref<80xi32, #tpu.memory_space<hbm>>
      tpu.wait_dma2 semaphore(%arg26 : memref<!tpu.dma_semaphore, #tpu.memory_space<semaphore_mem>>) src(%dma_wait3A_84 : memref<80xi32, #tpu.memory_space<hbm>>) dst(%arg14 : memref<80xi32, #tpu.memory_space<vmem>>)
      %dma_start3A_85 = arith.constant 0 : i32
      %dma_start3A_86 = arith.constant 0 : i32
      %dma_start3A_87 = tpu.memref_slice %arg4[%dma_start3A_85, %dma_start3A_86] : memref<10000x128xf32, #tpu.memory_space<hbm>> -> memref<10000x128xf32, #tpu.memory_space<hbm>>
      tpu.enqueue_indirect_dma source(%dma_start3A_87 : memref<10000x128xf32, #tpu.memory_space<hbm>>) target(%arg18 : memref<80x128xf32, #tpu.memory_space<vmem>>) offsets(%arg10 : memref<80xi32, #tpu.memory_space<vmem>>) semaphore(%arg30 : memref<!tpu.dma_semaphore, #tpu.memory_space<semaphore_mem>>)
      %dma_wait3A_88 = arith.constant 0 : i32
      %dma_wait3A_89 = tpu.memref_slice %arg2[%dma_wait3A_88] : memref<320000xi32, #tpu.memory_space<hbm>> -> memref<80xi32, #tpu.memory_space<hbm>>
      %dma_wait3A_90 = arith.constant 0 : i32
      %dma_wait3A_91 = tpu.memref_slice %arg2[%dma_wait3A_90] : memref<320000xi32, #tpu.memory_space<hbm>> -> memref<80xi32, #tpu.memory_space<hbm>>
      tpu.wait_dma2 semaphore(%arg23 : memref<!tpu.dma_semaphore, #tpu.memory_space<semaphore_mem>>) src(%dma_wait3A_91 : memref<80xi32, #tpu.memory_space<hbm>>) dst(%arg11 : memref<80xi32, #tpu.memory_space<vmem>>)
      %dma_wait3A_92 = arith.constant 0 : i32
      %dma_wait3A_93 = tpu.memref_slice %arg3[%dma_wait3A_92] : memref<320000xi32, #tpu.memory_space<hbm>> -> memref<80xi32, #tpu.memory_space<hbm>>
      %dma_wait3A_94 = arith.constant 0 : i32
      %dma_wait3A_95 = tpu.memref_slice %arg3[%dma_wait3A_94] : memref<320000xi32, #tpu.memory_space<hbm>> -> memref<80xi32, #tpu.memory_space<hbm>>
      tpu.wait_dma2 semaphore(%arg27 : memref<!tpu.dma_semaphore, #tpu.memory_space<semaphore_mem>>) src(%dma_wait3A_95 : memref<80xi32, #tpu.memory_space<hbm>>) dst(%arg15 : memref<80xi32, #tpu.memory_space<vmem>>)
      %dma_start3A_96 = arith.constant 0 : i32
      %dma_start3A_97 = arith.constant 0 : i32
      %dma_start3A_98 = tpu.memref_slice %arg4[%dma_start3A_96, %dma_start3A_97] : memref<10000x128xf32, #tpu.memory_space<hbm>> -> memref<10000x128xf32, #tpu.memory_space<hbm>>
      tpu.enqueue_indirect_dma source(%dma_start3A_98 : memref<10000x128xf32, #tpu.memory_space<hbm>>) target(%arg19 : memref<80x128xf32, #tpu.memory_space<vmem>>) offsets(%arg11 : memref<80xi32, #tpu.memory_space<vmem>>) semaphore(%arg31 : memref<!tpu.dma_semaphore, #tpu.memory_space<semaphore_mem>>)
      %dma_wait3A_99 = arith.constant 0 : i32
      %dma_wait3A_100 = arith.constant 0 : i32
      %dma_wait3A_101 = tpu.memref_slice %arg4[%dma_wait3A_99, %dma_wait3A_100] : memref<10000x128xf32, #tpu.memory_space<hbm>> -> memref<10000x128xf32, #tpu.memory_space<hbm>>
      tpu.wait_indirect_dma semaphore(%arg28 : memref<!tpu.dma_semaphore, #tpu.memory_space<semaphore_mem>>) src(%dma_wait3A_101 : memref<10000x128xf32, #tpu.memory_space<hbm>>) dst(%arg16 : memref<80x128xf32, #tpu.memory_space<vmem>>)
      "tpu.region"() ({
        %run_scoped3A = tpu.sem_alloc : memref<!tpu.dma_semaphore, #tpu.memory_space<semaphore_mem>>
        %dma_start3A_156 = arith.constant 0 : i32
        %dma_start3A_157 = arith.constant 0 : i32
        %dma_start3A_158 = tpu.memref_slice %arg7[%dma_start3A_156, %dma_start3A_157] : memref<10000x128xf32, #tpu.memory_space<vmem_shared>> -> memref<10000x128xf32, #tpu.memory_space<vmem_shared>>
        tpu.enqueue_indirect_dma source(%arg16 : memref<80x128xf32, #tpu.memory_space<vmem>>) target(%dma_start3A_158 : memref<10000x128xf32, #tpu.memory_space<vmem_shared>>) offsets(%arg12 : memref<80xi32, #tpu.memory_space<vmem>>) semaphore(%run_scoped3A : memref<!tpu.dma_semaphore, #tpu.memory_space<semaphore_mem>>) {add = true}
        %dma_wait3A_159 = arith.constant 0 : i32
        %dma_wait3A_160 = arith.constant 0 : i32
        %dma_wait3A_161 = tpu.memref_slice %arg7[%dma_wait3A_159, %dma_wait3A_160] : memref<10000x128xf32, #tpu.memory_space<vmem_shared>> -> memref<10000x128xf32, #tpu.memory_space<vmem_shared>>
        tpu.wait_indirect_dma semaphore(%run_scoped3A : memref<!tpu.dma_semaphore, #tpu.memory_space<semaphore_mem>>) src(%arg16 : memref<80x128xf32, #tpu.memory_space<vmem>>) dst(%dma_wait3A_161 : memref<10000x128xf32, #tpu.memory_space<vmem_shared>>)
        tpu.yield
      }) : () -> ()
      %add3A_102 = arith.constant 1 : i32
      %add3A_103 = arith.addi %scan3A_54, %add3A_102 : i32
      %mul3A_104 = arith.constant 4 : i32
      %mul3A_105 = arith.muli %add3A_103, %mul3A_104 : i32
      %add3A_106 = arith.constant 0 : i32
      %add3A_107 = arith.addi %mul3A_105, %add3A_106 : i32
      %mul3A_108 = arith.constant 80 : i32
      %mul3A_109 = arith.muli %add3A_107, %mul3A_108 : i32
      %add3A_110 = arith.addi %mul3A_6, %mul3A_109 : i32
      %dma_start3A_111 = tpu.memref_slice %arg2[%add3A_110] : memref<320000xi32, #tpu.memory_space<hbm>> -> memref<80xi32, #tpu.memory_space<hbm>>
      %dma_start3A_112 = tpu.memref_slice %arg2[%add3A_110] : memref<320000xi32, #tpu.memory_space<hbm>> -> memref<80xi32, #tpu.memory_space<hbm>>
      tpu.enqueue_dma source(%dma_start3A_112 : memref<80xi32, #tpu.memory_space<hbm>>) target(%arg8 : memref<80xi32, #tpu.memory_space<vmem>>) target_semaphore(%arg20 : memref<!tpu.dma_semaphore, #tpu.memory_space<semaphore_mem>>)
      %dma_start3A_113 = tpu.memref_slice %arg3[%add3A_110] : memref<320000xi32, #tpu.memory_space<hbm>> -> memref<80xi32, #tpu.memory_space<hbm>>
      %dma_start3A_114 = tpu.memref_slice %arg3[%add3A_110] : memref<320000xi32, #tpu.memory_space<hbm>> -> memref<80xi32, #tpu.memory_space<hbm>>
      tpu.enqueue_dma source(%dma_start3A_114 : memref<80xi32, #tpu.memory_space<hbm>>) target(%arg12 : memref<80xi32, #tpu.memory_space<vmem>>) target_semaphore(%arg24 : memref<!tpu.dma_semaphore, #tpu.memory_space<semaphore_mem>>)
      %dma_wait3A_115 = arith.constant 0 : i32
      %dma_wait3A_116 = arith.constant 0 : i32
      %dma_wait3A_117 = tpu.memref_slice %arg4[%dma_wait3A_115, %dma_wait3A_116] : memref<10000x128xf32, #tpu.memory_space<hbm>> -> memref<10000x128xf32, #tpu.memory_space<hbm>>
      tpu.wait_indirect_dma semaphore(%arg29 : memref<!tpu.dma_semaphore, #tpu.memory_space<semaphore_mem>>) src(%dma_wait3A_117 : memref<10000x128xf32, #tpu.memory_space<hbm>>) dst(%arg17 : memref<80x128xf32, #tpu.memory_space<vmem>>)
      "tpu.region"() ({
        %run_scoped3A = tpu.sem_alloc : memref<!tpu.dma_semaphore, #tpu.memory_space<semaphore_mem>>
        %dma_start3A_156 = arith.constant 0 : i32
        %dma_start3A_157 = arith.constant 0 : i32
        %dma_start3A_158 = tpu.memref_slice %arg7[%dma_start3A_156, %dma_start3A_157] : memref<10000x128xf32, #tpu.memory_space<vmem_shared>> -> memref<10000x128xf32, #tpu.memory_space<vmem_shared>>
        tpu.enqueue_indirect_dma source(%arg17 : memref<80x128xf32, #tpu.memory_space<vmem>>) target(%dma_start3A_158 : memref<10000x128xf32, #tpu.memory_space<vmem_shared>>) offsets(%arg13 : memref<80xi32, #tpu.memory_space<vmem>>) semaphore(%run_scoped3A : memref<!tpu.dma_semaphore, #tpu.memory_space<semaphore_mem>>) {add = true}
        %dma_wait3A_159 = arith.constant 0 : i32
        %dma_wait3A_160 = arith.constant 0 : i32
        %dma_wait3A_161 = tpu.memref_slice %arg7[%dma_wait3A_159, %dma_wait3A_160] : memref<10000x128xf32, #tpu.memory_space<vmem_shared>> -> memref<10000x128xf32, #tpu.memory_space<vmem_shared>>
        tpu.wait_indirect_dma semaphore(%run_scoped3A : memref<!tpu.dma_semaphore, #tpu.memory_space<semaphore_mem>>) src(%arg17 : memref<80x128xf32, #tpu.memory_space<vmem>>) dst(%dma_wait3A_161 : memref<10000x128xf32, #tpu.memory_space<vmem_shared>>)
        tpu.yield
      }) : () -> ()
      %add3A_118 = arith.constant 1 : i32
      %add3A_119 = arith.addi %scan3A_54, %add3A_118 : i32
      %mul3A_120 = arith.constant 4 : i32
      %mul3A_121 = arith.muli %add3A_119, %mul3A_120 : i32
      %add3A_122 = arith.constant 1 : i32
      %add3A_123 = arith.addi %mul3A_121, %add3A_122 : i32
      %lt3A = arith.constant 30 : i32
      %lt3A_124 = arith.cmpi slt, %scan3A_54, %lt3A : i32
      %convert_element_type3A_125 = arith.extui %lt3A_124 : i1 to i32
      %cond3A_126 = arith.constant 0 : i32
      %cond3A_127 = arith.cmpi ne, %convert_element_type3A_125, %cond3A_126 : i32
      scf.if %cond3A_127 {
        %mul3A_156 = arith.constant 80 : i32
        %mul3A_157 = arith.muli %add3A_123, %mul3A_156 : i32
        %add3A_158 = arith.addi %mul3A_6, %mul3A_157 : i32
        %dma_start3A_159 = tpu.memref_slice %arg2[%add3A_158] : memref<320000xi32, #tpu.memory_space<hbm>> -> memref<80xi32, #tpu.memory_space<hbm>>
        %dma_start3A_160 = tpu.memref_slice %arg2[%add3A_158] : memref<320000xi32, #tpu.memory_space<hbm>> -> memref<80xi32, #tpu.memory_space<hbm>>
        tpu.enqueue_dma source(%dma_start3A_160 : memref<80xi32, #tpu.memory_space<hbm>>) target(%arg9 : memref<80xi32, #tpu.memory_space<vmem>>) target_semaphore(%arg21 : memref<!tpu.dma_semaphore, #tpu.memory_space<semaphore_mem>>)
        %dma_start3A_161 = tpu.memref_slice %arg3[%add3A_158] : memref<320000xi32, #tpu.memory_space<hbm>> -> memref<80xi32, #tpu.memory_space<hbm>>
        %dma_start3A_162 = tpu.memref_slice %arg3[%add3A_158] : memref<320000xi32, #tpu.memory_space<hbm>> -> memref<80xi32, #tpu.memory_space<hbm>>
        tpu.enqueue_dma source(%dma_start3A_162 : memref<80xi32, #tpu.memory_space<hbm>>) target(%arg13 : memref<80xi32, #tpu.memory_space<vmem>>) target_semaphore(%arg25 : memref<!tpu.dma_semaphore, #tpu.memory_space<semaphore_mem>>)
      } else {
      }
      %dma_wait3A_128 = arith.constant 0 : i32
      %dma_wait3A_129 = arith.constant 0 : i32
      %dma_wait3A_130 = tpu.memref_slice %arg4[%dma_wait3A_128, %dma_wait3A_129] : memref<10000x128xf32, #tpu.memory_space<hbm>> -> memref<10000x128xf32, #tpu.memory_space<hbm>>
      tpu.wait_indirect_dma semaphore(%arg30 : memref<!tpu.dma_semaphore, #tpu.memory_space<semaphore_mem>>) src(%dma_wait3A_130 : memref<10000x128xf32, #tpu.memory_space<hbm>>) dst(%arg18 : memref<80x128xf32, #tpu.memory_space<vmem>>)
      "tpu.region"() ({
        %run_scoped3A = tpu.sem_alloc : memref<!tpu.dma_semaphore, #tpu.memory_space<semaphore_mem>>
        %dma_start3A_156 = arith.constant 0 : i32
        %dma_start3A_157 = arith.constant 0 : i32
        %dma_start3A_158 = tpu.memref_slice %arg7[%dma_start3A_156, %dma_start3A_157] : memref<10000x128xf32, #tpu.memory_space<vmem_shared>> -> memref<10000x128xf32, #tpu.memory_space<vmem_shared>>
        tpu.enqueue_indirect_dma source(%arg18 : memref<80x128xf32, #tpu.memory_space<vmem>>) target(%dma_start3A_158 : memref<10000x128xf32, #tpu.memory_space<vmem_shared>>) offsets(%arg14 : memref<80xi32, #tpu.memory_space<vmem>>) semaphore(%run_scoped3A : memref<!tpu.dma_semaphore, #tpu.memory_space<semaphore_mem>>) {add = true}
        %dma_wait3A_159 = arith.constant 0 : i32
        %dma_wait3A_160 = arith.constant 0 : i32
        %dma_wait3A_161 = tpu.memref_slice %arg7[%dma_wait3A_159, %dma_wait3A_160] : memref<10000x128xf32, #tpu.memory_space<vmem_shared>> -> memref<10000x128xf32, #tpu.memory_space<vmem_shared>>
        tpu.wait_indirect_dma semaphore(%run_scoped3A : memref<!tpu.dma_semaphore, #tpu.memory_space<semaphore_mem>>) src(%arg18 : memref<80x128xf32, #tpu.memory_space<vmem>>) dst(%dma_wait3A_161 : memref<10000x128xf32, #tpu.memory_space<vmem_shared>>)
        tpu.yield
      }) : () -> ()
      %add3A_131 = arith.constant 1 : i32
      %add3A_132 = arith.addi %scan3A_54, %add3A_131 : i32
      %mul3A_133 = arith.constant 4 : i32
      %mul3A_134 = arith.muli %add3A_132, %mul3A_133 : i32
      %add3A_135 = arith.constant 2 : i32
      %add3A_136 = arith.addi %mul3A_134, %add3A_135 : i32
      %lt3A_137 = arith.constant 30 : i32
      %lt3A_138 = arith.cmpi slt, %scan3A_54, %lt3A_137 : i32
      %convert_element_type3A_139 = arith.extui %lt3A_138 : i1 to i32
      %cond3A_140 = arith.constant 0 : i32
      %cond3A_141 = arith.cmpi ne, %convert_element_type3A_139, %cond3A_140 : i32
      scf.if %cond3A_141 {
        %mul3A_156 = arith.constant 80 : i32
        %mul3A_157 = arith.muli %add3A_136, %mul3A_156 : i32
        %add3A_158 = arith.addi %mul3A_6, %mul3A_157 : i32
        %dma_start3A_159 = tpu.memref_slice %arg2[%add3A_158] : memref<320000xi32, #tpu.memory_space<hbm>> -> memref<80xi32, #tpu.memory_space<hbm>>
        %dma_start3A_160 = tpu.memref_slice %arg2[%add3A_158] : memref<320000xi32, #tpu.memory_space<hbm>> -> memref<80xi32, #tpu.memory_space<hbm>>
        tpu.enqueue_dma source(%dma_start3A_160 : memref<80xi32, #tpu.memory_space<hbm>>) target(%arg10 : memref<80xi32, #tpu.memory_space<vmem>>) target_semaphore(%arg22 : memref<!tpu.dma_semaphore, #tpu.memory_space<semaphore_mem>>)
        %dma_start3A_161 = tpu.memref_slice %arg3[%add3A_158] : memref<320000xi32, #tpu.memory_space<hbm>> -> memref<80xi32, #tpu.memory_space<hbm>>
        %dma_start3A_162 = tpu.memref_slice %arg3[%add3A_158] : memref<320000xi32, #tpu.memory_space<hbm>> -> memref<80xi32, #tpu.memory_space<hbm>>
        tpu.enqueue_dma source(%dma_start3A_162 : memref<80xi32, #tpu.memory_space<hbm>>) target(%arg14 : memref<80xi32, #tpu.memory_space<vmem>>) target_semaphore(%arg26 : memref<!tpu.dma_semaphore, #tpu.memory_space<semaphore_mem>>)
      } else {
      }
      %dma_wait3A_142 = arith.constant 0 : i32
      %dma_wait3A_143 = arith.constant 0 : i32
      %dma_wait3A_144 = tpu.memref_slice %arg4[%dma_wait3A_142, %dma_wait3A_143] : memref<10000x128xf32, #tpu.memory_space<hbm>> -> memref<10000x128xf32, #tpu.memory_space<hbm>>
      tpu.wait_indirect_dma semaphore(%arg31 : memref<!tpu.dma_semaphore, #tpu.memory_space<semaphore_mem>>) src(%dma_wait3A_144 : memref<10000x128xf32, #tpu.memory_space<hbm>>) dst(%arg19 : memref<80x128xf32, #tpu.memory_space<vmem>>)
      "tpu.region"() ({
        %run_scoped3A = tpu.sem_alloc : memref<!tpu.dma_semaphore, #tpu.memory_space<semaphore_mem>>
        %dma_start3A_156 = arith.constant 0 : i32
        %dma_start3A_157 = arith.constant 0 : i32
        %dma_start3A_158 = tpu.memref_slice %arg7[%dma_start3A_156, %dma_start3A_157] : memref<10000x128xf32, #tpu.memory_space<vmem_shared>> -> memref<10000x128xf32, #tpu.memory_space<vmem_shared>>
        tpu.enqueue_indirect_dma source(%arg19 : memref<80x128xf32, #tpu.memory_space<vmem>>) target(%dma_start3A_158 : memref<10000x128xf32, #tpu.memory_space<vmem_shared>>) offsets(%arg15 : memref<80xi32, #tpu.memory_space<vmem>>) semaphore(%run_scoped3A : memref<!tpu.dma_semaphore, #tpu.memory_space<semaphore_mem>>) {add = true}
        %dma_wait3A_159 = arith.constant 0 : i32
        %dma_wait3A_160 = arith.constant 0 : i32
        %dma_wait3A_161 = tpu.memref_slice %arg7[%dma_wait3A_159, %dma_wait3A_160] : memref<10000x128xf32, #tpu.memory_space<vmem_shared>> -> memref<10000x128xf32, #tpu.memory_space<vmem_shared>>
        tpu.wait_indirect_dma semaphore(%run_scoped3A : memref<!tpu.dma_semaphore, #tpu.memory_space<semaphore_mem>>) src(%arg19 : memref<80x128xf32, #tpu.memory_space<vmem>>) dst(%dma_wait3A_161 : memref<10000x128xf32, #tpu.memory_space<vmem_shared>>)
        tpu.yield
      }) : () -> ()
      %add3A_145 = arith.constant 1 : i32
      %add3A_146 = arith.addi %scan3A_54, %add3A_145 : i32
      %mul3A_147 = arith.constant 4 : i32
      %mul3A_148 = arith.muli %add3A_146, %mul3A_147 : i32
      %add3A_149 = arith.constant 3 : i32
      %add3A_150 = arith.addi %mul3A_148, %add3A_149 : i32
      %lt3A_151 = arith.constant 30 : i32
      %lt3A_152 = arith.cmpi slt, %scan3A_54, %lt3A_151 : i32
      %convert_element_type3A_153 = arith.extui %lt3A_152 : i1 to i32
      %cond3A_154 = arith.constant 0 : i32
      %cond3A_155 = arith.cmpi ne, %convert_element_type3A_153, %cond3A_154 : i32
      scf.if %cond3A_155 {
        %mul3A_156 = arith.constant 80 : i32
        %mul3A_157 = arith.muli %add3A_150, %mul3A_156 : i32
        %add3A_158 = arith.addi %mul3A_6, %mul3A_157 : i32
        %dma_start3A_159 = tpu.memref_slice %arg2[%add3A_158] : memref<320000xi32, #tpu.memory_space<hbm>> -> memref<80xi32, #tpu.memory_space<hbm>>
        %dma_start3A_160 = tpu.memref_slice %arg2[%add3A_158] : memref<320000xi32, #tpu.memory_space<hbm>> -> memref<80xi32, #tpu.memory_space<hbm>>
        tpu.enqueue_dma source(%dma_start3A_160 : memref<80xi32, #tpu.memory_space<hbm>>) target(%arg11 : memref<80xi32, #tpu.memory_space<vmem>>) target_semaphore(%arg23 : memref<!tpu.dma_semaphore, #tpu.memory_space<semaphore_mem>>)
        %dma_start3A_161 = tpu.memref_slice %arg3[%add3A_158] : memref<320000xi32, #tpu.memory_space<hbm>> -> memref<80xi32, #tpu.memory_space<hbm>>
        %dma_start3A_162 = tpu.memref_slice %arg3[%add3A_158] : memref<320000xi32, #tpu.memory_space<hbm>> -> memref<80xi32, #tpu.memory_space<hbm>>
        tpu.enqueue_dma source(%dma_start3A_162 : memref<80xi32, #tpu.memory_space<hbm>>) target(%arg15 : memref<80xi32, #tpu.memory_space<vmem>>) target_semaphore(%arg27 : memref<!tpu.dma_semaphore, #tpu.memory_space<semaphore_mem>>)
      } else {
      }
    }
    %scan3A_34 = arith.constant 31 : i32
    %dma_wait3A = arith.constant 0 : i32
    %dma_wait3A_35 = tpu.memref_slice %arg2[%dma_wait3A] : memref<320000xi32, #tpu.memory_space<hbm>> -> memref<80xi32, #tpu.memory_space<hbm>>
    %dma_wait3A_36 = arith.constant 0 : i32
    %dma_wait3A_37 = tpu.memref_slice %arg2[%dma_wait3A_36] : memref<320000xi32, #tpu.memory_space<hbm>> -> memref<80xi32, #tpu.memory_space<hbm>>
    tpu.wait_dma2 semaphore(%arg20 : memref<!tpu.dma_semaphore, #tpu.memory_space<semaphore_mem>>) src(%dma_wait3A_37 : memref<80xi32, #tpu.memory_space<hbm>>) dst(%arg8 : memref<80xi32, #tpu.memory_space<vmem>>)
    %dma_wait3A_38 = arith.constant 0 : i32
    %dma_wait3A_39 = tpu.memref_slice %arg3[%dma_wait3A_38] : memref<320000xi32, #tpu.memory_space<hbm>> -> memref<80xi32, #tpu.memory_space<hbm>>
    %dma_wait3A_40 = arith.constant 0 : i32
    %dma_wait3A_41 = tpu.memref_slice %arg3[%dma_wait3A_40] : memref<320000xi32, #tpu.memory_space<hbm>> -> memref<80xi32, #tpu.memory_space<hbm>>
    tpu.wait_dma2 semaphore(%arg24 : memref<!tpu.dma_semaphore, #tpu.memory_space<semaphore_mem>>) src(%dma_wait3A_41 : memref<80xi32, #tpu.memory_space<hbm>>) dst(%arg12 : memref<80xi32, #tpu.memory_space<vmem>>)
    %dma_start3A_42 = arith.constant 0 : i32
    %dma_start3A_43 = arith.constant 0 : i32
    %dma_start3A_44 = tpu.memref_slice %arg4[%dma_start3A_42, %dma_start3A_43] : memref<10000x128xf32, #tpu.memory_space<hbm>> -> memref<10000x128xf32, #tpu.memory_space<hbm>>
    tpu.enqueue_indirect_dma source(%dma_start3A_44 : memref<10000x128xf32, #tpu.memory_space<hbm>>) target(%arg16 : memref<80x128xf32, #tpu.memory_space<vmem>>) offsets(%arg8 : memref<80xi32, #tpu.memory_space<vmem>>) semaphore(%arg28 : memref<!tpu.dma_semaphore, #tpu.memory_space<semaphore_mem>>)
    %dma_wait3A_45 = arith.constant 0 : i32
    %dma_wait3A_46 = arith.constant 0 : i32
    %dma_wait3A_47 = tpu.memref_slice %arg4[%dma_wait3A_45, %dma_wait3A_46] : memref<10000x128xf32, #tpu.memory_space<hbm>> -> memref<10000x128xf32, #tpu.memory_space<hbm>>
    tpu.wait_indirect_dma semaphore(%arg28 : memref<!tpu.dma_semaphore, #tpu.memory_space<semaphore_mem>>) src(%dma_wait3A_47 : memref<10000x128xf32, #tpu.memory_space<hbm>>) dst(%arg16 : memref<80x128xf32, #tpu.memory_space<vmem>>)
    "tpu.region"() ({
      %run_scoped3A = tpu.sem_alloc : memref<!tpu.dma_semaphore, #tpu.memory_space<semaphore_mem>>
      %dma_start3A_54 = arith.constant 0 : i32
      %dma_start3A_55 = arith.constant 0 : i32
      %dma_start3A_56 = tpu.memref_slice %arg7[%dma_start3A_54, %dma_start3A_55] : memref<10000x128xf32, #tpu.memory_space<vmem_shared>> -> memref<10000x128xf32, #tpu.memory_space<vmem_shared>>
      tpu.enqueue_indirect_dma source(%arg16 : memref<80x128xf32, #tpu.memory_space<vmem>>) target(%dma_start3A_56 : memref<10000x128xf32, #tpu.memory_space<vmem_shared>>) offsets(%arg12 : memref<80xi32, #tpu.memory_space<vmem>>) semaphore(%run_scoped3A : memref<!tpu.dma_semaphore, #tpu.memory_space<semaphore_mem>>) {add = true}
      %dma_wait3A_57 = arith.constant 0 : i32
      %dma_wait3A_58 = arith.constant 0 : i32
      %dma_wait3A_59 = tpu.memref_slice %arg7[%dma_wait3A_57, %dma_wait3A_58] : memref<10000x128xf32, #tpu.memory_space<vmem_shared>> -> memref<10000x128xf32, #tpu.memory_space<vmem_shared>>
      tpu.wait_indirect_dma semaphore(%run_scoped3A : memref<!tpu.dma_semaphore, #tpu.memory_space<semaphore_mem>>) src(%arg16 : memref<80x128xf32, #tpu.memory_space<vmem>>) dst(%dma_wait3A_59 : memref<10000x128xf32, #tpu.memory_space<vmem_shared>>)
      tpu.yield
    }) : () -> ()
    %barrier3A_48 = arith.constant 0 : index
    tpu.barrier barrier_id(%barrier3A_48)
    "tpu.region"() ({
      %run_scoped3A = tpu.sem_alloc : memref<!tpu.dma_semaphore, #tpu.memory_space<semaphore_mem>>
      %dma_start3A_54 = arith.constant 0 : i32
      %dma_start3A_55 = tpu.memref_slice %arg6[%arg0, %mul3A_2, %dma_start3A_54] : memref<2x10000x128xf32, #tpu.memory_space<hbm>> -> memref<1x624x128xf32, #tpu.memory_space<hbm>>
      %dma_start3A_56 = tpu.memref_squeeze %dma_start3A_55 : memref<1x624x128xf32, #tpu.memory_space<hbm>> -> memref<624x128xf32, #tpu.memory_space<hbm>>
      %dma_start3A_57 = arith.constant 0 : i32
      %dma_start3A_58 = tpu.memref_slice %arg7[%mul3A_2, %dma_start3A_57] : memref<10000x128xf32, #tpu.memory_space<vmem_shared>> -> memref<624x128xf32, #tpu.memory_space<vmem_shared>>
      tpu.enqueue_dma source(%dma_start3A_58 : memref<624x128xf32, #tpu.memory_space<vmem_shared>>) target(%dma_start3A_56 : memref<624x128xf32, #tpu.memory_space<hbm>>) target_semaphore(%run_scoped3A : memref<!tpu.dma_semaphore, #tpu.memory_space<semaphore_mem>>)
      %dma_wait3A_59 = arith.constant 0 : i32
      %dma_wait3A_60 = tpu.memref_slice %arg6[%arg0, %mul3A_2, %dma_wait3A_59] : memref<2x10000x128xf32, #tpu.memory_space<hbm>> -> memref<1x624x128xf32, #tpu.memory_space<hbm>>
      %dma_wait3A_61 = tpu.memref_squeeze %dma_wait3A_60 : memref<1x624x128xf32, #tpu.memory_space<hbm>> -> memref<624x128xf32, #tpu.memory_space<hbm>>
      %dma_wait3A_62 = arith.constant 0 : i32
      %dma_wait3A_63 = tpu.memref_slice %arg7[%mul3A_2, %dma_wait3A_62] : memref<10000x128xf32, #tpu.memory_space<vmem_shared>> -> memref<624x128xf32, #tpu.memory_space<vmem_shared>>
      tpu.wait_dma2 semaphore(%run_scoped3A : memref<!tpu.dma_semaphore, #tpu.memory_space<semaphore_mem>>) src(%dma_wait3A_63 : memref<624x128xf32, #tpu.memory_space<vmem_shared>>) dst(%dma_wait3A_61 : memref<624x128xf32, #tpu.memory_space<hbm>>)
      tpu.yield
    }) : () -> ()
    %eq3A_49 = arith.constant 15 : i32
    %eq3A_50 = arith.cmpi eq, %arg1, %eq3A_49 : i32
    %convert_element_type3A_51 = arith.extui %eq3A_50 : i1 to i32
    %cond3A_52 = arith.constant 0 : i32
    %cond3A_53 = arith.cmpi ne, %convert_element_type3A_51, %cond3A_52 : i32
    scf.if %cond3A_53 {
      "tpu.region"() ({
        %run_scoped3A = tpu.sem_alloc : memref<!tpu.dma_semaphore, #tpu.memory_space<semaphore_mem>>
        %dma_start3A_54 = arith.constant 9984 : i32
        %dma_start3A_55 = arith.constant 0 : i32
        %dma_start3A_56 = tpu.memref_slice %arg6[%arg0, %dma_start3A_54, %dma_start3A_55] : memref<2x10000x128xf32, #tpu.memory_space<hbm>> -> memref<1x16x128xf32, #tpu.memory_space<hbm>>
        %dma_start3A_57 = tpu.memref_squeeze %dma_start3A_56 : memref<1x16x128xf32, #tpu.memory_space<hbm>> -> memref<16x128xf32, #tpu.memory_space<hbm>>
        %dma_start3A_58 = arith.constant 9984 : i32
        %dma_start3A_59 = arith.constant 0 : i32
        %dma_start3A_60 = tpu.memref_slice %arg7[%dma_start3A_58, %dma_start3A_59] : memref<10000x128xf32, #tpu.memory_space<vmem_shared>> -> memref<16x128xf32, #tpu.memory_space<vmem_shared>>
        tpu.enqueue_dma source(%dma_start3A_60 : memref<16x128xf32, #tpu.memory_space<vmem_shared>>) target(%dma_start3A_57 : memref<16x128xf32, #tpu.memory_space<hbm>>) target_semaphore(%run_scoped3A : memref<!tpu.dma_semaphore, #tpu.memory_space<semaphore_mem>>)
        %dma_wait3A_61 = arith.constant 9984 : i32
        %dma_wait3A_62 = arith.constant 0 : i32
        %dma_wait3A_63 = tpu.memref_slice %arg6[%arg0, %dma_wait3A_61, %dma_wait3A_62] : memref<2x10000x128xf32, #tpu.memory_space<hbm>> -> memref<1x16x128xf32, #tpu.memory_space<hbm>>
        %dma_wait3A_64 = tpu.memref_squeeze %dma_wait3A_63 : memref<1x16x128xf32, #tpu.memory_space<hbm>> -> memref<16x128xf32, #tpu.memory_space<hbm>>
        %dma_wait3A_65 = arith.constant 9984 : i32
        %dma_wait3A_66 = arith.constant 0 : i32
        %dma_wait3A_67 = tpu.memref_slice %arg7[%dma_wait3A_65, %dma_wait3A_66] : memref<10000x128xf32, #tpu.memory_space<vmem_shared>> -> memref<16x128xf32, #tpu.memory_space<vmem_shared>>
        tpu.wait_dma2 semaphore(%run_scoped3A : memref<!tpu.dma_semaphore, #tpu.memory_space<semaphore_mem>>) src(%dma_wait3A_67 : memref<16x128xf32, #tpu.memory_space<vmem_shared>>) dst(%dma_wait3A_64 : memref<16x128xf32, #tpu.memory_space<hbm>>)
        tpu.yield
      }) : () -> ()
    } else {
    }
    return
  }
}

module attributes {stable_mosaic.version = 14 : i64} {
  func.func @_tc_first_body(%arg0: i32, %arg1: memref<1000x128xf32, #tpu.memory_space<vmem>>, %arg2: memref<128x128xf32, #tpu.memory_space<vmem>>, %arg3: memref<1000x128xf32, #tpu.memory_space<vmem>>, %arg4: memref<1000x128xf32, #tpu.memory_space<vmem>>, %arg5: memref<1000x128xf32, #tpu.memory_space<vmem>>, %arg6: memref<1000x1xf32, #tpu.memory_space<vmem>>) attributes {dimension_semantics = [#tpu.dimension_semantics<arbitrary>], iteration_bounds = array<i64: 10>, scalar_prefetch = 0 : i64, scratch_operands = 0 : i64, tpu.core_type = #tpu.core_type<tc>, window_params = [{transform_indices = @transform_0, window_bounds = array<i64: 1000, 128>}, {pipeline_mode = #tpu.pipeline_mode<synchronous>, transform_indices = @transform_1, window_bounds = array<i64: 128, 128>}, {transform_indices = @transform_2, window_bounds = array<i64: 1000, 128>}, {transform_indices = @transform_3, window_bounds = array<i64: 1000, 128>}, {transform_indices = @transform_4, window_bounds = array<i64: 1000, 128>}, {transform_indices = @transform_5, window_bounds = array<i64: 1000, 1>}]} {
    %get3A = arith.constant 0 : index
    %get3A_0 = arith.constant 0 : index
    %get3A_1 = vector.load %arg3[%get3A, %get3A_0] : memref<1000x128xf32, #tpu.memory_space<vmem>>, vector<1000x1xf32>
    %get3A_2 = arith.constant 0 : index
    %get3A_3 = arith.constant 0 : index
    %get3A_4 = vector.load %arg4[%get3A_2, %get3A_3] : memref<1000x128xf32, #tpu.memory_space<vmem>>, vector<1000x1xf32>
    %add3A = arith.addf %get3A_1, %get3A_4 : vector<1000x1xf32>
    %add3A_5 = arith.constant 1.000000e+00 : f32
    %add3A_6 = vector.broadcast %add3A_5 : f32 to vector<1000x1xf32>
    %add3A_7 = arith.addf %add3A, %add3A_6 : vector<1000x1xf32>
    %rsqrt3A = math.rsqrt %add3A_7 : vector<1000x1xf32>
    %get3A_8 = arith.constant 0 : index
    %get3A_9 = arith.constant 0 : index
    %get3A_10 = vector.load %arg1[%get3A_8, %get3A_9] : memref<1000x128xf32, #tpu.memory_space<vmem>>, vector<1000x128xf32>
    %get3A_11 = arith.constant 0 : index
    %get3A_12 = arith.constant 0 : index
    %get3A_13 = vector.load %arg2[%get3A_11, %get3A_12] : memref<128x128xf32, #tpu.memory_space<vmem>>, vector<128x128xf32>
    %dot_general3A = arith.constant dense<0.000000e+00> : vector<1000x128xf32>
    %dot_general3A_14 = tpu.matmul %get3A_10, %get3A_13, %dot_general3A {dimension_numbers = #tpu.dot_dimension_numbers<[1], [0], [0], [1], [0, 0, 1, 1], [], []>, transpose_lhs_hint = false} : vector<1000x128xf32>, vector<128x128xf32>, vector<1000x128xf32> -> vector<1000x128xf32>
    %mul3A = vector.broadcast %rsqrt3A : vector<1000x1xf32> to vector<1000x128xf32>
    %mul3A_15 = arith.mulf %mul3A, %dot_general3A_14 : vector<1000x128xf32>
    %swap3A = arith.constant 0 : index
    %swap3A_16 = arith.constant 0 : index
    %swap3A_17 = vector.load %arg5[%swap3A, %swap3A_16] : memref<1000x128xf32, #tpu.memory_space<vmem>>, vector<1000x128xf32>
    tpu.vector_store %arg5[%swap3A, %swap3A_16], %mul3A_15 {strides = array<i32>} : memref<1000x128xf32, #tpu.memory_space<vmem>>, vector<1000x128xf32>,
    %swap3A_18 = arith.constant 0 : index
    %swap3A_19 = arith.constant 0 : index
    %swap3A_20 = vector.load %arg6[%swap3A_18, %swap3A_19] : memref<1000x1xf32, #tpu.memory_space<vmem>>, vector<1000x1xf32>
    tpu.vector_store %arg6[%swap3A_18, %swap3A_19], %rsqrt3A {strides = array<i32>} : memref<1000x1xf32, #tpu.memory_space<vmem>>, vector<1000x1xf32>,
    return
  }
  func.func @transform_0(%arg0: i32) -> (i32, i32) {
    %c0_i32 = arith.constant 0 : i32
    %c0_i32_0 = arith.constant 0 : i32
    return %arg0, %c0_i32 : i32, i32
  }
  func.func @transform_1(%arg0: i32) -> (i32, i32) {
    %c0_i32 = arith.constant 0 : i32
    %c0_i32_0 = arith.constant 0 : i32
    %c0_i32_1 = arith.constant 0 : i32
    return %c0_i32, %c0_i32_0 : i32, i32
  }
  func.func @transform_2(%arg0: i32) -> (i32, i32) {
    %c0_i32 = arith.constant 0 : i32
    %c0_i32_0 = arith.constant 0 : i32
    return %arg0, %c0_i32 : i32, i32
  }
  func.func @transform_3(%arg0: i32) -> (i32, i32) {
    %c0_i32 = arith.constant 0 : i32
    %c0_i32_0 = arith.constant 0 : i32
    return %arg0, %c0_i32 : i32, i32
  }
  func.func @transform_4(%arg0: i32) -> (i32, i32) {
    %c0_i32 = arith.constant 0 : i32
    %c0_i32_0 = arith.constant 0 : i32
    return %arg0, %c0_i32 : i32, i32
  }
  func.func @transform_5(%arg0: i32) -> (i32, i32) {
    %c0_i32 = arith.constant 0 : i32
    %c0_i32_0 = arith.constant 0 : i32
    return %arg0, %c0_i32 : i32, i32
  }
}

module attributes {stable_mosaic.version = 14 : i64} {
  func.func @_tc_mid_body(%arg0: i32, %arg1: memref<1000x128xf32, #tpu.memory_space<vmem>>, %arg2: memref<1000x128xf32, #tpu.memory_space<vmem>>, %arg3: memref<1000x128xf32, #tpu.memory_space<vmem>>, %arg4: memref<1000x1xf32, #tpu.memory_space<vmem>>, %arg5: memref<1x128xf32, #tpu.memory_space<vmem>>, %arg6: memref<128x128xf32, #tpu.memory_space<vmem>>, %arg7: memref<1000x128xf32, #tpu.memory_space<vmem>>) attributes {dimension_semantics = [#tpu.dimension_semantics<arbitrary>], iteration_bounds = array<i64: 10>, scalar_prefetch = 0 : i64, scratch_operands = 0 : i64, tpu.core_type = #tpu.core_type<tc>, window_params = [{transform_indices = @transform_0, window_bounds = array<i64: 1000, 128>}, {transform_indices = @transform_1, window_bounds = array<i64: 1000, 128>}, {transform_indices = @transform_2, window_bounds = array<i64: 1000, 128>}, {transform_indices = @transform_3, window_bounds = array<i64: 1000, 1>}, {pipeline_mode = #tpu.pipeline_mode<synchronous>, transform_indices = @transform_4, window_bounds = array<i64: 1, 128>}, {pipeline_mode = #tpu.pipeline_mode<synchronous>, transform_indices = @transform_5, window_bounds = array<i64: 128, 128>}, {transform_indices = @transform_6, window_bounds = array<i64: 1000, 128>}]} {
    %get3A = arith.constant 0 : index
    %get3A_0 = arith.constant 0 : index
    %get3A_1 = vector.load %arg4[%get3A, %get3A_0] : memref<1000x1xf32, #tpu.memory_space<vmem>>, vector<1000x1xf32>
    %get3A_2 = arith.constant 0 : index
    %get3A_3 = arith.constant 0 : index
    %get3A_4 = vector.load %arg1[%get3A_2, %get3A_3] : memref<1000x128xf32, #tpu.memory_space<vmem>>, vector<1000x128xf32>
    %get3A_5 = arith.constant 0 : index
    %get3A_6 = arith.constant 0 : index
    %get3A_7 = vector.load %arg2[%get3A_5, %get3A_6] : memref<1000x128xf32, #tpu.memory_space<vmem>>, vector<1000x128xf32>
    %add3A = arith.addf %get3A_4, %get3A_7 : vector<1000x128xf32>
    %get3A_8 = arith.constant 0 : index
    %get3A_9 = arith.constant 0 : index
    %get3A_10 = vector.load %arg3[%get3A_8, %get3A_9] : memref<1000x128xf32, #tpu.memory_space<vmem>>, vector<1000x128xf32>
    %add3A_11 = arith.addf %add3A, %get3A_10 : vector<1000x128xf32>
    %mul3A = vector.broadcast %get3A_1 : vector<1000x1xf32> to vector<1000x128xf32>
    %mul3A_12 = arith.mulf %mul3A, %add3A_11 : vector<1000x128xf32>
    %get3A_13 = arith.constant 0 : index
    %get3A_14 = arith.constant 0 : index
    %get3A_15 = vector.load %arg5[%get3A_13, %get3A_14] : memref<1x128xf32, #tpu.memory_space<vmem>>, vector<1x128xf32>
    %add3A_16 = vector.broadcast %get3A_15 : vector<1x128xf32> to vector<1000x128xf32>
    %add3A_17 = arith.addf %mul3A_12, %add3A_16 : vector<1000x128xf32>
    %max3A = arith.constant 0.000000e+00 : f32
    %max3A_18 = vector.broadcast %max3A : f32 to vector<1000x128xf32>
    %max3A_19 = arith.maximumf %add3A_17, %max3A_18 : vector<1000x128xf32>
    %get3A_20 = arith.constant 0 : index
    %get3A_21 = arith.constant 0 : index
    %get3A_22 = vector.load %arg6[%get3A_20, %get3A_21] : memref<128x128xf32, #tpu.memory_space<vmem>>, vector<128x128xf32>
    %dot_general3A = arith.constant dense<0.000000e+00> : vector<1000x128xf32>
    %dot_general3A_23 = tpu.matmul %max3A_19, %get3A_22, %dot_general3A {dimension_numbers = #tpu.dot_dimension_numbers<[1], [0], [0], [1], [0, 0, 1, 1], [], []>, transpose_lhs_hint = false} : vector<1000x128xf32>, vector<128x128xf32>, vector<1000x128xf32> -> vector<1000x128xf32>
    %mul3A_24 = vector.broadcast %get3A_1 : vector<1000x1xf32> to vector<1000x128xf32>
    %mul3A_25 = arith.mulf %mul3A_24, %dot_general3A_23 : vector<1000x128xf32>
    %swap3A = arith.constant 0 : index
    %swap3A_26 = arith.constant 0 : index
    %swap3A_27 = vector.load %arg7[%swap3A, %swap3A_26] : memref<1000x128xf32, #tpu.memory_space<vmem>>, vector<1000x128xf32>
    tpu.vector_store %arg7[%swap3A, %swap3A_26], %mul3A_25 {strides = array<i32>} : memref<1000x128xf32, #tpu.memory_space<vmem>>, vector<1000x128xf32>,
    return
  }
  func.func @transform_0(%arg0: i32) -> (i32, i32) {
    %c0_i32 = arith.constant 0 : i32
    %c0_i32_0 = arith.constant 0 : i32
    return %arg0, %c0_i32 : i32, i32
  }
  func.func @transform_1(%arg0: i32) -> (i32, i32) {
    %c0_i32 = arith.constant 0 : i32
    %c0_i32_0 = arith.constant 0 : i32
    return %arg0, %c0_i32 : i32, i32
  }
  func.func @transform_2(%arg0: i32) -> (i32, i32) {
    %c0_i32 = arith.constant 0 : i32
    %c0_i32_0 = arith.constant 0 : i32
    return %arg0, %c0_i32 : i32, i32
  }
  func.func @transform_3(%arg0: i32) -> (i32, i32) {
    %c0_i32 = arith.constant 0 : i32
    %c0_i32_0 = arith.constant 0 : i32
    return %arg0, %c0_i32 : i32, i32
  }
  func.func @transform_4(%arg0: i32) -> (i32, i32) {
    %c0_i32 = arith.constant 0 : i32
    %c0_i32_0 = arith.constant 0 : i32
    %c0_i32_1 = arith.constant 0 : i32
    return %c0_i32, %c0_i32_0 : i32, i32
  }
  func.func @transform_5(%arg0: i32) -> (i32, i32) {
    %c0_i32 = arith.constant 0 : i32
    %c0_i32_0 = arith.constant 0 : i32
    %c0_i32_1 = arith.constant 0 : i32
    return %c0_i32, %c0_i32_0 : i32, i32
  }
  func.func @transform_6(%arg0: i32) -> (i32, i32) {
    %c0_i32 = arith.constant 0 : i32
    %c0_i32_0 = arith.constant 0 : i32
    return %arg0, %c0_i32 : i32, i32
  }
}

module attributes {stable_mosaic.version = 14 : i64} {
  func.func @_tc_final_body(%arg0: i32, %arg1: memref<1000x128xf32, #tpu.memory_space<vmem>>, %arg2: memref<1000x128xf32, #tpu.memory_space<vmem>>, %arg3: memref<1000x128xf32, #tpu.memory_space<vmem>>, %arg4: memref<1000x1xf32, #tpu.memory_space<vmem>>, %arg5: memref<1x128xf32, #tpu.memory_space<vmem>>, %arg6: memref<1000x128xf32, #tpu.memory_space<vmem>>) attributes {dimension_semantics = [#tpu.dimension_semantics<arbitrary>], iteration_bounds = array<i64: 10>, scalar_prefetch = 0 : i64, scratch_operands = 0 : i64, tpu.core_type = #tpu.core_type<tc>, window_params = [{transform_indices = @transform_0, window_bounds = array<i64: 1000, 128>}, {transform_indices = @transform_1, window_bounds = array<i64: 1000, 128>}, {transform_indices = @transform_2, window_bounds = array<i64: 1000, 128>}, {transform_indices = @transform_3, window_bounds = array<i64: 1000, 1>}, {pipeline_mode = #tpu.pipeline_mode<synchronous>, transform_indices = @transform_4, window_bounds = array<i64: 1, 128>}, {transform_indices = @transform_5, window_bounds = array<i64: 1000, 128>}]} {
    %get3A = arith.constant 0 : index
    %get3A_0 = arith.constant 0 : index
    %get3A_1 = vector.load %arg4[%get3A, %get3A_0] : memref<1000x1xf32, #tpu.memory_space<vmem>>, vector<1000x1xf32>
    %get3A_2 = arith.constant 0 : index
    %get3A_3 = arith.constant 0 : index
    %get3A_4 = vector.load %arg1[%get3A_2, %get3A_3] : memref<1000x128xf32, #tpu.memory_space<vmem>>, vector<1000x128xf32>
    %get3A_5 = arith.constant 0 : index
    %get3A_6 = arith.constant 0 : index
    %get3A_7 = vector.load %arg2[%get3A_5, %get3A_6] : memref<1000x128xf32, #tpu.memory_space<vmem>>, vector<1000x128xf32>
    %add3A = arith.addf %get3A_4, %get3A_7 : vector<1000x128xf32>
    %get3A_8 = arith.constant 0 : index
    %get3A_9 = arith.constant 0 : index
    %get3A_10 = vector.load %arg3[%get3A_8, %get3A_9] : memref<1000x128xf32, #tpu.memory_space<vmem>>, vector<1000x128xf32>
    %add3A_11 = arith.addf %add3A, %get3A_10 : vector<1000x128xf32>
    %mul3A = vector.broadcast %get3A_1 : vector<1000x1xf32> to vector<1000x128xf32>
    %mul3A_12 = arith.mulf %mul3A, %add3A_11 : vector<1000x128xf32>
    %get3A_13 = arith.constant 0 : index
    %get3A_14 = arith.constant 0 : index
    %get3A_15 = vector.load %arg5[%get3A_13, %get3A_14] : memref<1x128xf32, #tpu.memory_space<vmem>>, vector<1x128xf32>
    %add3A_16 = vector.broadcast %get3A_15 : vector<1x128xf32> to vector<1000x128xf32>
    %add3A_17 = arith.addf %mul3A_12, %add3A_16 : vector<1000x128xf32>
    %swap3A = arith.constant 0 : index
    %swap3A_18 = arith.constant 0 : index
    %swap3A_19 = vector.load %arg6[%swap3A, %swap3A_18] : memref<1000x128xf32, #tpu.memory_space<vmem>>, vector<1000x128xf32>
    tpu.vector_store %arg6[%swap3A, %swap3A_18], %add3A_17 {strides = array<i32>} : memref<1000x128xf32, #tpu.memory_space<vmem>>, vector<1000x128xf32>,
    return
  }
  func.func @transform_0(%arg0: i32) -> (i32, i32) {
    %c0_i32 = arith.constant 0 : i32
    %c0_i32_0 = arith.constant 0 : i32
    return %arg0, %c0_i32 : i32, i32
  }
  func.func @transform_1(%arg0: i32) -> (i32, i32) {
    %c0_i32 = arith.constant 0 : i32
    %c0_i32_0 = arith.constant 0 : i32
    return %arg0, %c0_i32 : i32, i32
  }
  func.func @transform_2(%arg0: i32) -> (i32, i32) {
    %c0_i32 = arith.constant 0 : i32
    %c0_i32_0 = arith.constant 0 : i32
    return %arg0, %c0_i32 : i32, i32
  }
  func.func @transform_3(%arg0: i32) -> (i32, i32) {
    %c0_i32 = arith.constant 0 : i32
    %c0_i32_0 = arith.constant 0 : i32
    return %arg0, %c0_i32 : i32, i32
  }
  func.func @transform_4(%arg0: i32) -> (i32, i32) {
    %c0_i32 = arith.constant 0 : i32
    %c0_i32_0 = arith.constant 0 : i32
    %c0_i32_1 = arith.constant 0 : i32
    return %c0_i32, %c0_i32_0 : i32, i32
  }
  func.func @transform_5(%arg0: i32) -> (i32, i32) {
    %c0_i32 = arith.constant 0 : i32
    %c0_i32_0 = arith.constant 0 : i32
    return %arg0, %c0_i32 : i32, i32
  }
}

</mosaic_0001>

<sc_bundles>
// kernel: kernel.10.cloned.1.call-start
scs
__scs_entry_jumppad:
0x0: {  	(pc) =	sbr.rel $0x88, $3  }
0x1: {  	(tag) =	ssettag $0x0;
	lr =	simm.s32 $0x1  }
0x2: {  	[smem:$0x3F99] =	sst lr;
	_ =	strace $0xD0000000  }
0x3: {  	_ = 	snop  }
0x4: {  	_ = 	snop  }
0x5: {  	_ = 	snop  }
0x6: {  	_ = 	snop  }
0x7: {  	_ = 	snop  }
__scs_overlays_trampoline_lowered:
0x8: {  	[smem:$0x3FA8] =	sst s0  }
0x9: {  	[smem:$0x3FA9] =	sst s1  }
0xa: {  	[smem:$0x3FAA] =	sst s2  }
0xb: {  	[smem:$0x3FAB] =	sst s3  }
0xc: {  	[smem:$0x3FAC] =	sst s4  }
0xd: {  	[smem:$0x3FAD] =	sst s5  }
0xe: {  	[smem:$0x3FAE] =	sst s6  }
0xf: {  	[smem:$0x3FAF] =	sst s7  }
0x10: {  	[smem:$0x3FB0] =	sst s8  }
0x11: {  	[smem:$0x3FB1] =	sst s9;
	s0 =	simm.s32 @!p0 $0x0  }
0x12: {  	s1 =	sld [smem:$0x3F97];
	s0 =	simm.s32 @p0 $0x1  }
0x13: {  	[smem:$0x3FB2] =	sst s0;
	s0 =	simm.s32 @!p1 $0x0  }
0x14: {  	s2 =	sld [smem:$0x3F96];
	s0 =	simm.s32 @p1 $0x1  }
0x15: {  	[smem:$0x3FB3] =	sst s0;
	s0 =	simm.s32 @!p2 $0x0  }
0x16: {  	s3 =	sld [smem:$0x3FDB];
	s0 =	simm.s32 @p2 $0x1  }
0x17: {  	s4 =	simm.s32 $0x1BF5;
	[smem:$0x3FB5] =	sst s0  }
0x18: {  	s0 =	sld [smem:$0x3F98];
	_ =	swait.ge [sflag:s4], $0x0  }
0x19: {  	s7 =	sld [smem:$0x3F99]  }
0x1a: {  	s8 =	sadd.s32 $0xFFFFE003, lr  }
0x1b: {  	s9 =	sadd.s32 $0xFFFFFEF7, lr;
	s5 =	simm.s32 $0xFFFFFFFF;
	p2 =	slt.u32 s8, $0xFFFFF086  }
0x1c: {  	p1 =	slt.u32 s9, $0xF7A;
	s5 =	simm.s32 @!p2 $0x0  }
0x1d: {  	s5 =	simm.s32 @p1 $0x1;
	p0 =	seq.s32 s7, s2  }
0x1e: {  	s7 =	smul.u32 @!p0 $0xF7A, s2;
	p2 =	seq.s32 @!p0 s5, $0x0  }
0x1f: {  	s9 =	smul.u32 $0xF7A, s1;
	s8 =	simm.s32 @!p0 $0x1BF5;
	p2 =	por !p2, p0  }
0x20: {  	[sflag:s8] =	ssyncset.s32 @!p0 $0xFFFFF086;
	s6 =	sadd.s32 @!p0 s3, s7;
	s7 =	simm.s32 @!p0 $0x108  }
0x21: {  	s3 =	sadd.s32 s3, s9;
	s6 =	sadd.s32 @!p0 $0x88, s6;
	s7 =	simm.s32 @p2 $0x1082  }
0x22: {  	[simem:s7], [sflag:s8] =	dma.local @!p0 [hbm:s6], $0xF7A  }
0x23: {  	s9 =	sor.u32 $0xD0000000, s2;
	s6 =	simm.s32 $0x108;
	_ =	swait.ge @!p0 [sflag:s8], $0x0  }
0x24: {  	s3 =	sadd.s32 $0x88, s3;
	s6 =	simm.s32 @!p1 $0x1082;
	[sflag:s4] =	ssyncset.s32 $0xFFFFF086  }
0x25: {  	[simem:s6], [sflag:s4] =	dma.local [hbm:s3], $0xF7A  }
0x26: {  	[smem:$0x3F99] =	sst s1;
	(tag) =	ssettag s2;
	_ =	strace s9  }
0x27: {  	s1 =	sld [smem:$0x3FA9]  }
0x28: {  	s2 =	sld [smem:$0x3FAA]  }
0x29: {  	s4 =	sld [smem:$0x3FAC]  }
0x2a: {  	p0 =	seq.s32 s5, $0x0;
	s5 =	sld [smem:$0x3FAD]  }
0x2b: {  	s6 =	sld [smem:$0x3FAE]  }
0x2c: {  	s7 =	sld [smem:$0x3FAF]  }
0x2d: {  	s3 =	simm.s32 $0x108;
	s8 =	sld [smem:$0x3FB0]  }
0x2e: {  	s3 =	simm.s32 @!p0 $0x1082;
	s9 =	sld [smem:$0x3FB1]  }
0x2f: {  	lr =	sadd.s32 s0, s3;
	s0 =	sld [smem:$0x3FA8]  }
0x30: {  	s3 =	sld [smem:$0x3FAB]  }
0x31: {  	[smem:$0x3FB4] =	sst s10  }
0x32: {  	s10 =	sld [smem:$0x3FB2];
	_ =	sdelay $0x3  }
0x33: {  	p0 =	seq.s32 s10, $0x1;
	s10 =	sld [smem:$0x3FB4];
	_ =	sdelay $0x3  }
0x34: {  	[smem:$0x3FB4] =	sst s10  }
0x35: {  	s10 =	sld [smem:$0x3FB3];
	_ =	sdelay $0x3  }
0x36: {  	p1 =	seq.s32 s10, $0x1;
	s10 =	sld [smem:$0x3FB4];
	_ =	sdelay $0x3  }
0x37: {  	[smem:$0x3FB4] =	sst s10  }
0x38: {  	s10 =	sld [smem:$0x3FB5]  }
0x39: {  	_ = 	snop;
	(pc) =	sbr.ind lr, $3  }
0x3a: {  	_ = 	snop  }
0x3b: {  	_ = 	snop  }
0x3c: {  	p2 =	seq.s32 s10, $0x1;
	s10 =	sld [smem:$0x3FB4]  }
0x3d: {  	_ =	shalt  }
0x3e: {  	_ =	shalt  }
0x3f: {  	_ =	shalt  }
0x40: {  	_ =	shalt  }
0x41: {  	_ =	shalt  }
0x42: {  	_ =	shalt  }
0x43: {  	_ =	shalt  }
0x44: {  	_ =	shalt  }
0x45: {  	_ =	shalt  }
0x46: {  	_ =	shalt  }
0x47: {  	_ =	shalt  }
0x48: {  	_ =	shalt  }
0x49: {  	_ =	shalt  }
0x4a: {  	_ =	shalt  }
0x4b: {  	_ =	shalt  }
0x4c: {  	_ =	shalt  }
0x4d: {  	_ =	shalt  }
0x4e: {  	_ =	shalt  }
0x4f: {  	_ =	shalt  }
0x50: {  	_ =	shalt  }
0x51: {  	_ =	shalt  }
0x52: {  	_ =	shalt  }
0x53: {  	_ =	shalt  }
0x54: {  	_ =	shalt  }
0x55: {  	_ =	shalt  }
0x56: {  	_ =	shalt  }
0x57: {  	_ =	shalt  }
0x58: {  	_ =	shalt  }
0x59: {  	_ =	shalt  }
0x5a: {  	_ =	shalt  }
0x5b: {  	_ =	shalt  }
0x5c: {  	_ =	shalt  }
0x5d: {  	_ =	shalt  }
0x5e: {  	_ =	shalt  }
0x5f: {  	_ =	shalt  }
0x60: {  	_ =	shalt  }
0x61: {  	_ =	shalt  }
0x62: {  	_ =	shalt  }
0x63: {  	_ =	shalt  }
0x64: {  	_ =	shalt  }
0x65: {  	_ =	shalt  }
0x66: {  	_ =	shalt  }
0x67: {  	_ =	shalt  }
0x68: {  	_ =	shalt  }
0x69: {  	_ =	shalt  }
0x6a: {  	_ =	shalt  }
0x6b: {  	_ =	shalt  }
0x6c: {  	_ =	shalt  }
0x6d: {  	_ =	shalt  }
0x6e: {  	_ =	shalt  }
0x6f: {  	_ =	shalt  }
0x70: {  	_ =	shalt  }
0x71: {  	_ =	shalt  }
0x72: {  	_ =	shalt  }
0x73: {  	_ =	shalt  }
0x74: {  	_ =	shalt  }
0x75: {  	_ =	shalt  }
0x76: {  	_ =	shalt  }
0x77: {  	_ =	shalt  }
0x78: {  	_ =	shalt  }
0x79: {  	_ =	shalt  }
0x7a: {  	_ =	shalt  }
0x7b: {  	_ =	shalt  }
0x7c: {  	_ =	shalt  }
0x7d: {  	_ =	shalt  }
0x7e: {  	_ =	shalt  }
0x7f: {  	_ =	shalt  }
0x80: {  	_ =	shalt  }
0x81: {  	_ =	shalt  }
0x82: {  	_ =	shalt  }
0x83: {  	_ =	shalt  }
0x84: {  	_ =	shalt  }
0x85: {  	_ =	shalt  }
0x86: {  	_ =	shalt  }
0x87: {  	_ =	shalt  }
.Lfunc_end0:
.L_simem_size_0:
called_computation_lowered:
.L_overlay_start_0:
0x88: {  	s2 =	sld [smem:$0x3FD9]  }
0x89: {  	s3 =	sld [smem:$0x3FFE];
	_ =	sdelay $0x1  }
0x8a: {  	s1 =	srdreg.scid  }
0x8b: {  	s0 =	sand.u32 $0x1, s1  }
0x8c: {  	s17 =	sshll.u32 s0, $0xA;
	s2 =	sadd.s32 s3, s2  }
0x8d: {  	s2 =	sadd.s32 s2, s17  }
0x8e: {  	[smem:$0x3FC0] =	sst s2  }
0x8f: {  	_ = 	snop  }
0x90: {  	s2 =	sld [smem:$0x3FD0];
	(tm) =	ssettm $0x1  }
0x91: {  	s18 =	sld [smem:$0x3FFB];
	_ =	sdelay $0x3  }
0x92: {  	_ =	strace s18  }
0x93: {  	s3 =	sld [smem:$0x3FFC];
	_ =	sdelay $0x3  }
0x94: {  	_ =	strace s3  }
0x95: {  	s3 =	sld [smem:$0x3FFD];
	_ =	sdelay $0x3  }
0x96: {  	_ =	strace s3  }
0x97: {  	_ =	strace $0x8FFFFFFF  }
0x98: {  	s19 =	sld [smem:$0x3FDB];
	_ =	sdelay $0x1  }
0x99: {  	s4 =	simm.s32 $_scs_section_size  }
0x9a: {  	s5 =	simm.s32 $_size__tile_overlayer_lowered;
	s6 =	simm.s32 $_tile_overlayer_lowered  }
0x9b: {  	s22 =	simm.s32 $0x1BFF;
	s21 =	sshll.u32 s6, $0x1;
	s3 =	sadd.s32 s4, s19  }
0x9c: {  	s7 =	simm.s32 $0x0;
	s20 =	sshll.u32 s5, $0x1;
	s5 =	sadd.s32 s21, s3  }
0x9d: {  	[timem:s7], [sflag:s22] =	dma.local [hbm:s5], s20  }
0x9e: {  	_ =	swait.ge [sflag:s22], s20  }
0x9f: {  	s4 =	ssub.s32 $0x0, s20;
	[sflag:s22] =	ssyncset.done $0x0  }
0xa0: {  	[sflag:s22] =	ssyncadd.s32 s4;
	_ =	sdelay $0x1  }
0xa1: {  	s23 =	simm.s32 $0x1B8B  }
0xa2: {  	_ =	swait.ge [sflag:s23], $0x1  }
0xa3: {  	[sflag:s23] =	ssyncset.done $0x0  }
0xa4: {  	s25 =	simm.s32 $0x1B8E;
	s24 =	sld [smem:$0x3FFE];
	[sflag:s23] =	ssyncadd.s32 $0xFFFFFFFF  }
0xa5: {  	s26 =	simm.s32 $execute0_lowered;
	[smem:$0x3FD2] =	sst s25  }
0xa6: {  	s5 =	sshll.u32 s26, $0x1;
	_ =	strace $0x80000046;
	[dreg:$0x1] =	wrdreg $0xFFFFFFFF  }
0xa7: {  	s28 =	simm.s32 $_size_execute0_lowered;
	s3 =	sadd.s32 s3, s5;
	[dreg:$0x0] =	wrdreg $0x0  }
0xa8: {  	s5 =	sshll.u32 s28, $0x1;
	[dreg:$0x2] =	wrdreg s3  }
0xa9: {  	[dreg:$0x3] =	wrdreg s5  }
0xaa: {  	[dreg:$0x4] =	wrdreg $0xC0  }
0xab: {  	_ =	task [dreg:s7], $0x5FFFF  }
0xac: {  	[dreg:$0x1] =	wrdreg $0xFFFFFFFF  }
0xad: {  	[dreg:$0x0] =	wrdreg $0x60  }
0xae: {  	[dreg:$0x2] =	wrdreg s24  }
0xaf: {  	[dreg:$0x3] =	wrdreg s2  }
0xb0: {  	[dreg:$0x4] =	wrdreg $0x0  }
0xb1: {  	[dreg:$0x5] =	wrdreg $0x9  }
0xb2: {  	_ =	task.clear_ibuf [dreg:s7], $0x6FFFF;
	_ =	strace $0x90000046  }
0xb3: {  	s29 =	simm.s32 $0x9;
	_ =	strace $0x80000048  }
0xb4: {  	_ =	swait.ge [sflag:s29], $0x1  }
0xb5: {  	[sflag:s29] =	ssyncadd.s32 $0xFFFFFFFF  }
0xb6: {  	_ =	strace $0x90000048  }
0xb7: {  	_ =	sfence  }
0xb8: {  	s30 =	sld [smem:$0x0];
	_ =	sdelay $0x2  }
0xb9: {  	s31 =	sshll.u32 s1, $0xD;
	s1 =	sshrl.u32 s1, $0x2  }
0xba: {  	s3 =	sand.u32 $0x4000, s31;
	s1 =	sadd.s32 s1, s30  }
0xbb: {  	s0 =	sor.u32 s3, s0;
	s1 =	sshll.u32 s1, $0x11  }
0xbc: {  	s0 =	sor.u32 s1, s0  }
0xbd: {  	s0 =	sadd.s32 $0x8F2B, s0  }
0xbe: {  	[sflag:s0] =	ssyncadd.remote.s32 $0x1  }
0xbf: {  	_ =	sfence.sel $0xFFFF  }
0xc0: {  	[dreg:$0x0] =	wrdreg $0xFFFFFFFF;
	(pc) =	sbr.abs _section_cstart, $3  }
0xc1: {  	[dreg:$0x1] =	wrdreg $0xFFFFFFFF  }
0xc2: {  	_ =	task.clear_ibuf [dreg:s7], $0x2FFFF;
	_ =	strace $0x9FFFFFFF  }
0xc3: {  	(tm) =	ssettm $0x7FFFFFFF  }
tec
execute0_lowered:
.L_overlay_start_1:
0x0: {  	(tag) =	ssettag $0x1  }
0x1: {  	s0 =	rddreg [dreg:$0x0]  }
0x2: {  	s2 =	rddreg [dreg:$0x1]  }
0x3: {  	s3 =	rddreg [dreg:$0x2];
	s13 =	stileid.u32  }
0x4: {  	s4 =	simm.s32 $0x0;
	s7 =	srdreg.scid;
	s30 =	simm.s32 $0x13900  }
0x5: {  	s31 =	simm.s32 $0x13B00;
	s29 =	simm.s32 $0x50;
	s14 =	simm.s32 $0x16480  }
0x6: {  	s1 =	smul.u32 $0x13800, s13;
	[smem:$0x7FF] =	sst s4;
	s5 =	sadd.s32 $0x4800, s0  }
0x7: {  	s7 =	sand.u32 $0x1, s7;
	s10 =	smul.u32 $0x4E000, s13;
	s11 =	sadd.s32 $0x3F600, s0  }
0x8: {  	s15 =	sshll.u32 s13, $0x6;
	s16 =	sadd.s32 $0x138000, s3;
	s21 =	smul.u32 $0x2710, s13  }
0x9: {  	p0 =	sne.s32 s13, $0xF;
	_ =	strace $0x80000047;
	s8 =	ssub.s32 $0x2, s7  }
0xa: {  	s9 =	sshll.u32 s7, $0x4;
	[dreg:$0x6] =	wrdreg s16;
	s18 =	smul.u32 $0x138800, s7  }
0xb: {  	s25 =	sor.u32 $0x1C0D, s15;
	s20 =	smul.u32 $0x27100, s7;
	[dreg:$0x11] =	wrdreg s5  }
0xc: {  	s15 =	simm.s32 $0x3;
	s16 =	simm.s32 $0x7;
	s6 =	sshrl.u32 s1, $0x3  }
0xd: {  	s12 =	sshrl.u32 s8, $0x1;
	s9 =	sor.u32 s13, s9;
	s10 =	sshrl.u32 s10, $0x2  }
0xe: {  	s13 =	simm.s32 $0x1B480;
	[dreg:$0x5] =	wrdreg s25;
	s6 =	sadd.s32 s6, s0  }
0xf: {  	s8 =	ssub.s32 s8, s12;
	s9 =	smul.u32 $0x2710, s9;
	s10 =	sadd.s32 s10, s3  }
0x10: {  	s0 =	sadd.s32 $0x3F400, s0;
	s1 =	sadd.s32 s1, s18;
	s22 =	sadd.s32 s21, s20  }
0x11: {  	s12 =	simm.s32 $0x8;
	s21 =	simm.s32 $0xA;
	s20 =	simm.s32 $0x0  }
0x12: {  	s6 =	sadd.s32 $0x18400, s6;
	[dreg:$0x7] =	wrdreg s0;
	s0 =	sshrl.u32 s18, $0x3  }
0x13: {  	s1 =	sshrl.u32 s1, $0x3;
	s23 =	smax.u32 s8, $0x1;
	s24 =	sadd.s32 $0x230, s22  }
0x14: {  	s7 =	sadd.s32 $0x190, s22;
	s28 =	sshrl.u32 s10, $0x3;
	[dreg:$0x12] =	wrdreg s20  }
0x15: {  	s8 =	simm.s32 $0x2;
	s10 =	simm.s32 $0x9;
	[dreg:$0x4] =	wrdreg s6  }
0x16: {  	s17 =	sshrl.u32 s9, $0x3;
	s0 =	sadd.s32 s11, s0;
	s1 =	sadd.s32 s11, s1  }
0x17: {  	[dreg:$0xe] =	wrdreg s23;
	s26 =	sshrl.u32 s7, $0x3;
	s23 =	simm.s32 $0x13880  }
0x18: {  	s11 =	simm.s32 $0x4;
	s7 =	simm.s32 $0xC;
	[dreg:$0x10] =	wrdreg s28  }
0x19: {  	s9 =	sadd.s32 s5, s17;
	[dreg:$0xc] =	wrdreg s1;
	s0 =	sadd.s32 $0x27000, s0  }
0x1a: {  	s1 =	sshrl.u32 s24, $0x3;
	s24 =	simm.s32 $0x13A80;
	[dreg:$0x8] =	wrdreg s9  }
0x1b: {  	s6 =	sadd.s32 $0xA, s9;
	s19 =	sadd.s32 $0x14, s9;
	[dreg:$0xd] =	wrdreg s0  }
0x1c: {  	s9 =	sadd.s32 $0x1E, s9;
	s17 =	sadd.s32 s1, s5;
	[dreg:$0x9] =	wrdreg s6  }
0x1d: {  	s0 =	sadd.s32 $0x140, s22;
	s1 =	simm.s32 $0x5;
	[dreg:$0xa] =	wrdreg s19  }
0x1e: {  	[dreg:$0xb] =	wrdreg s9;
	s6 =	sadd.s32 $0x1E0, s22;
	s19 =	sadd.s32 s26, s5  }
0x1f: {  	[dreg:$0xf] =	wrdreg s0;
	s22 =	simm.s32 $0xD;
	s26 =	simm.s32 $0x13A00  }
0x20: {  	s0 =	simm.s32 $0x1;
	s9 =	simm.s32 $0x6;
	s6 =	sshrl.u32 s6, $0x3  }
0x21: {  	s18 =	sadd.s32 s6, s5;
	s5 =	simm.s32 $0x13980;
	s6 =	simm.s32 $0x13C80  }
.LBB2_1:
0x22: {  	s20 =	rddreg [dreg:$0x4]  }
0x23: {  	[spmem:s28], [sflag:s25] =	dma.local [hbm:s20], $0x2700  }
0x24: {  	_ =	swait.ge [sflag:s22], $0x2700  }
0x25: {  	s20 =	rddreg [dreg:$0x6]  }
0x26: {  	[sflag:s22] =	ssyncset.done $0x0;
	s28 =	sshrl.u32 @!p0 s20, $0x3;
	s20 =	rddreg [dreg:$0x7]  }
0x27: {  	[sflag:s22] =	ssyncadd.s32 $0xFFFFD900;
	[dreg:$0x13] =	wrdreg s28  }
0x28: {  	[spmem:s28], [sflag:s25] =	dma.local @!p0 [hbm:s20], $0x100  }
0x29: {  	s25 =	simm.s32 @!p0 $0xD  }
0x2a: {  	_ =	swait.ge @!p0 [sflag:s25], $0x100  }
0x2b: {  	[sflag:s25] =	ssyncset.done @!p0 $0x0  }
0x2c: {  	[sflag:s25] =	ssyncadd.s32 @!p0 $0xFFFFFF00  }
0x2d: {  	[bflag:$0x0] =	sbarrier.arrive $0xFFFF  }
0x2e: {  	s25 =	rddreg [dreg:$0x8]  }
0x2f: {  	[tilespmem:s23], [sflag:$0x1] =	stream.linear.gather [hbm4b:s25+s4], $0x50, $0x38;
	[tilespmem:$0x1DC80] =	vst v63  }
0x30: {  	_ = 	snop  }
0x31: {  	[tilespmem:s24], [sflag:$0x5] =	stream.linear.gather [hbm4b:s25+s4], $0x50, $0x38;
	[tilespmem:$0x1DC80] =	vst v63  }
0x32: {  	s28 =	rddreg [dreg:$0x9]  }
0x33: {  	[tilespmem:s30], [sflag:$0x2] =	stream.linear.gather [hbm4b:s28+s4], $0x50, $0x38;
	[tilespmem:$0x1DC80] =	vst v63  }
0x34: {  	_ = 	snop  }
0x35: {  	[tilespmem:s31], [sflag:$0x6] =	stream.linear.gather [hbm4b:s28+s4], $0x50, $0x38;
	[tilespmem:$0x1DC80] =	vst v63  }
0x36: {  	s25 =	rddreg [dreg:$0xa]  }
0x37: {  	[tilespmem:s5], [sflag:$0x3] =	stream.linear.gather [hbm4b:s25+s4], $0x50, $0x38;
	[tilespmem:$0x1DC80] =	vst v63  }
0x38: {  	s28 =	simm.s32 $0x13B80  }
0x39: {  	[tilespmem:s28], [sflag:$0x7] =	stream.linear.gather [hbm4b:s25+s4], $0x50, $0x38;
	[tilespmem:$0x1DC80] =	vst v63  }
0x3a: {  	s25 =	rddreg [dreg:$0xb]  }
0x3b: {  	[tilespmem:s26], [sflag:$0x4] =	stream.linear.gather [hbm4b:s25+s4], $0x50, $0x38;
	[tilespmem:$0x1DC80] =	vst v63  }
0x3c: {  	s5 =	rddreg [dreg:$0x11];
	s28 =	simm.s32 $0x13C00  }
0x3d: {  	[tilespmem:s28], [sflag:$0x8] =	stream.linear.gather [hbm4b:s25+s4], $0x50, $0x38;
	[tilespmem:$0x1DC80] =	vst v63  }
0x3e: {  	s26 =	simm.s32 $0x0;
	s25 =	rddreg [dreg:$0xf]  }
.LBB2_2:
0x3f: {  	_ =	swait.ge [sflag:s0], $0x50  }
0x40: {  	[sflag:s0] =	ssyncset.done $0x0  }
0x41: {  	[sflag:s0] =	ssyncadd.s32 $0xFFFFFFB0  }
0x42: {  	_ =	swait.ge [sflag:s1], $0x50  }
0x43: {  	[sflag:s1] =	ssyncset.done $0x0  }
0x44: {  	[sflag:s1] =	ssyncadd.s32 $0xFFFFFFB0  }
0x45: {  	[tilespmem:s6], [sflag:$0x9] =	stream.indirect.gather [hbm4b:s2+s29], $0x80, s23, s29, $0xb8;
	[tilespmem:$0x1DC80] =	vst v63  }
0x46: {  	_ =	swait.ge [sflag:s8], $0x50  }
0x47: {  	[sflag:s8] =	ssyncset.done $0x0  }
0x48: {  	[sflag:s8] =	ssyncadd.s32 $0xFFFFFFB0  }
0x49: {  	_ =	swait.ge [sflag:s9], $0x50  }
0x4a: {  	[sflag:s9] =	ssyncset.done $0x0  }
0x4b: {  	[sflag:s9] =	ssyncadd.s32 $0xFFFFFFB0  }
0x4c: {  	[tilespmem:s14], [sflag:$0xA] =	stream.indirect.gather [hbm4b:s2+s29], $0x80, s30, s29, $0xb8;
	[tilespmem:$0x1DC80] =	vst v63  }
0x4d: {  	_ =	swait.ge [sflag:s15], $0x50  }
0x4e: {  	[sflag:s15] =	ssyncset.done $0x0  }
0x4f: {  	[sflag:s15] =	ssyncadd.s32 $0xFFFFFFB0  }
0x50: {  	_ =	swait.ge [sflag:s16], $0x50  }
0x51: {  	[sflag:s16] =	ssyncset.done $0x0  }
0x52: {  	s20 =	simm.s32 $0x13980;
	s28 =	simm.s32 $0x18C80;
	[sflag:s16] =	ssyncadd.s32 $0xFFFFFFB0  }
0x53: {  	[tilespmem:s28], [sflag:$0xB] =	stream.indirect.gather [hbm4b:s2+s29], $0x80, s20, s29, $0xb8;
	[tilespmem:$0x1DC80] =	vst v63  }
0x54: {  	_ =	swait.ge [sflag:s11], $0x50  }
0x55: {  	[sflag:s11] =	ssyncset.done $0x0  }
0x56: {  	[sflag:s11] =	ssyncadd.s32 $0xFFFFFFB0  }
0x57: {  	_ =	swait.ge [sflag:s12], $0x50  }
0x58: {  	[sflag:s12] =	ssyncset.done $0x0  }
0x59: {  	s28 =	simm.s32 $0x13A00;
	[sflag:s12] =	ssyncadd.s32 $0xFFFFFFB0  }
0x5a: {  	[tilespmem:s13], [sflag:$0xC] =	stream.indirect.gather [hbm4b:s2+s29], $0x80, s28, s29, $0xb8;
	[tilespmem:$0x1DC80] =	vst v63  }
0x5b: {  	_ =	swait.ge [sflag:s10], $0x2800  }
0x5c: {  	[sflag:s10] =	ssyncset.done $0x0  }
0x5d: {  	[sflag:s10] =	ssyncadd.s32 $0xFFFFD800  }
0x5e: {  	[spmem:s3] =	stream.indirect.scatter.add.f32 [tilespmem:s6], [sflag:$0xD], $0x80, s24, s29, $0xb8;
	[tilespmem:$0x1DC80] =	vst v63  }
0x5f: {  	_ =	swait.ge [sflag:s22], $0x2800  }
0x60: {  	s20 =	sshrl.u32 s25, $0x3;
	[sflag:s22] =	ssyncset.done $0x0  }
0x61: {  	s28 =	sadd.s32 s5, s20;
	[sflag:s22] =	ssyncadd.s32 $0xFFFFD800  }
0x62: {  	[tilespmem:s23], [sflag:$0x1] =	stream.linear.gather [hbm4b:s28+s4], $0x50, $0x38;
	[tilespmem:$0x1DC80] =	vst v63  }
0x63: {  	_ = 	snop  }
0x64: {  	[tilespmem:s24], [sflag:$0x5] =	stream.linear.gather [hbm4b:s28+s4], $0x50, $0x38;
	[tilespmem:$0x1DC80] =	vst v63  }
0x65: {  	_ =	swait.ge [sflag:s21], $0x2800  }
0x66: {  	[sflag:s21] =	ssyncset.done $0x0  }
0x67: {  	[sflag:s21] =	ssyncadd.s32 $0xFFFFD800  }
0x68: {  	[spmem:s3] =	stream.indirect.scatter.add.f32 [tilespmem:s14], [sflag:$0xD], $0x80, s31, s29, $0xb8;
	[tilespmem:$0x1DC80] =	vst v63  }
0x69: {  	_ =	swait.ge [sflag:s22], $0x2800  }
0x6a: {  	p1 =	seq.s32 s26, $0x4B0;
	[sflag:s22] =	ssyncset.done $0x0  }
0x6b: {  	s28 =	simm.s32 @p1 $0xB;
	[sflag:s22] =	ssyncadd.s32 $0xFFFFD800  }
0x6c: {  	_ =	swait.ge @p1 [sflag:s28], $0x2800  }
0x6d: {  	s30 =	simm.s32 @p1 $0x13B80;
	[sflag:s28] =	ssyncset.done @p1 $0x0  }
0x6e: {  	s31 =	simm.s32 @p1 $0x18C80;
	[sflag:s28] =	ssyncadd.s32 @p1 $0xFFFFD800;
	s28 =	simm.s32 @p1 $0x50  }
0x6f: {  	[spmem:s3] =	stream.indirect.scatter.add.f32 @p1 [tilespmem:s31], [sflag:$0xD], $0x80, s30, s28, $0xb8;
	[tilespmem:$0x1DC80] =	vst v63  }
0x70: {  	s28 =	simm.s32 @p1 $0xD  }
0x71: {  	_ =	swait.ge @p1 [sflag:s28], $0x2800  }
0x72: {  	s30 =	simm.s32 @!p1 $0x0;
	[sflag:s28] =	ssyncset.done @p1 $0x0  }
0x73: {  	s31 =	simm.s32 @!p1 $0x13900;
	[sflag:s28] =	ssyncadd.s32 @p1 $0xFFFFD800;
	s28 =	sadd.s32 @!p1 s26, s19  }
0x74: {  	[tilespmem:s31], [sflag:$0x2] =	stream.linear.gather @!p1 [hbm4b:s28+s30], $0x50, $0x38;
	[tilespmem:$0x1DC80] =	vst v63  }
0x75: {  	s31 =	simm.s32 @!p1 $0x13B00  }
0x76: {  	[tilespmem:s31], [sflag:$0x6] =	stream.linear.gather @!p1 [hbm4b:s28+s30], $0x50, $0x38;
	[tilespmem:$0x1DC80] =	vst v63  }
0x77: {  	s28 =	simm.s32 @!p1 $0xB  }
0x78: {  	_ =	swait.ge @!p1 [sflag:s28], $0x2800  }
0x79: {  	s20 =	simm.s32 @!p1 $0x18C80;
	[sflag:s28] =	ssyncset.done @!p1 $0x0  }
0x7a: {  	s31 =	simm.s32 @!p1 $0x13B80;
	[sflag:s28] =	ssyncadd.s32 @!p1 $0xFFFFD800;
	s28 =	simm.s32 @!p1 $0x50  }
0x7b: {  	[spmem:s3] =	stream.indirect.scatter.add.f32 @!p1 [tilespmem:s20], [sflag:$0xD], $0x80, s31, s28, $0xb8;
	[tilespmem:$0x1DC80] =	vst v63  }
0x7c: {  	s20 =	simm.s32 @!p1 $0xD  }
0x7d: {  	_ =	swait.ge @!p1 [sflag:s20], $0x2800  }
0x7e: {  	[sflag:s20] =	ssyncset.done @!p1 $0x0  }
0x7f: {  	s28 =	simm.s32 @!p1 $0x13980;
	[sflag:s20] =	ssyncadd.s32 @!p1 $0xFFFFD800;
	s20 =	sadd.s32 @!p1 s26, s18  }
0x80: {  	[tilespmem:s28], [sflag:$0x3] =	stream.linear.gather @!p1 [hbm4b:s20+s30], $0x50, $0x38;
	[tilespmem:$0x1DC80] =	vst v63  }
0x81: {  	_ = 	snop  }
0x82: {  	[tilespmem:s31], [sflag:$0x7] =	stream.linear.gather @!p1 [hbm4b:s20+s30], $0x50, $0x38;
	[tilespmem:$0x1DC80] =	vst v63  }
0x83: {  	_ =	swait.ge [sflag:s7], $0x2800  }
0x84: {  	s28 =	simm.s32 $0x13C00;
	[sflag:s7] =	ssyncset.done $0x0  }
0x85: {  	s20 =	sadd.s32 @!p1 s26, s17;
	s26 =	sadd.s32 @!p1 $0x28, s26;
	[sflag:s7] =	ssyncadd.s32 $0xFFFFD800  }
0x86: {  	[spmem:s3] =	stream.indirect.scatter.add.f32 [tilespmem:s13], [sflag:$0xD], $0x80, s28, s29, $0xb8;
	[tilespmem:$0x1DC80] =	vst v63  }
0x87: {  	p2 =	sne.s32 @!p1 s26, $0x4D8;
	_ =	swait.ge [sflag:s22], $0x2800  }
0x88: {  	p2 =	por p1, !p2;
	[sflag:s22] =	ssyncset.done $0x0  }
.Ltmp0:
0x89: {  	s28 =	simm.s32 @!p1 $0x13A00;
	[sflag:s22] =	ssyncadd.s32 $0xFFFFD800;
	(pc) =	sbr.rel @!p2 .LBB2_2-.Ltmp0, $4  }
0x8a: {  	[tilespmem:s28], [sflag:$0x4] =	stream.linear.gather @!p1 [hbm4b:s20+s30], $0x50, $0x38;
	[tilespmem:$0x1DC80] =	vst v63  }
0x8b: {  	s28 =	simm.s32 @!p1 $0x13C00  }
0x8c: {  	[tilespmem:s28], [sflag:$0x8] =	stream.linear.gather @!p1 [hbm4b:s20+s30], $0x50, $0x38;
	[tilespmem:$0x1DC80] =	vst v63  }
0x8d: {  	s25 =	sadd.s32 @!p1 $0x140, s25;
	s31 =	simm.s32 $0x13B00;
	s30 =	simm.s32 $0x13900  }
0x8e: {  	_ =	swait.ge [sflag:s0], $0x50  }
0x8f: {  	[sflag:s0] =	ssyncset.done $0x0  }
0x90: {  	[sflag:s0] =	ssyncadd.s32 $0xFFFFFFB0  }
0x91: {  	_ =	swait.ge [sflag:s1], $0x50  }
0x92: {  	[sflag:s1] =	ssyncset.done $0x0  }
0x93: {  	[sflag:s1] =	ssyncadd.s32 $0xFFFFFFB0  }
0x94: {  	[tilespmem:s6], [sflag:$0x9] =	stream.indirect.gather [hbm4b:s2+s29], $0x80, s23, s29, $0xb8;
	[tilespmem:$0x1DC80] =	vst v63  }
0x95: {  	_ =	swait.ge [sflag:s10], $0x2800  }
0x96: {  	[sflag:s10] =	ssyncset.done $0x0  }
0x97: {  	[sflag:s10] =	ssyncadd.s32 $0xFFFFD800  }
0x98: {  	[spmem:s3] =	stream.indirect.scatter.add.f32 [tilespmem:s6], [sflag:$0xD], $0x80, s24, s29, $0xb8;
	[tilespmem:$0x1DC80] =	vst v63  }
0x99: {  	_ =	swait.ge [sflag:s22], $0x2800  }
0x9a: {  	[sflag:s22] =	ssyncset.done $0x0  }
0x9b: {  	[sflag:s22] =	ssyncadd.s32 $0xFFFFD800  }
0x9c: {  	[bflag:$0x0] =	sbarrier.arrive $0xFFFF  }
0x9d: {  	s25 =	rddreg [dreg:$0x5]  }
0x9e: {  	s20 =	rddreg [dreg:$0xc]  }
0x9f: {  	s28 =	rddreg [dreg:$0x10]  }
0xa0: {  	[hbm:s20], [sflag:s25] =	dma.local [spmem:s28], $0x2700  }
0xa1: {  	_ =	swait.ge [sflag:s22], $0x2700  }
0xa2: {  	[sflag:s22] =	ssyncset.done $0x0;
	s20 =	rddreg [dreg:$0xd]  }
0xa3: {  	s5 =	rddreg [dreg:$0x13];
	[sflag:s22] =	ssyncadd.s32 $0xFFFFD900  }
0xa4: {  	[hbm:s20], [sflag:s25] =	dma.local @!p0 [spmem:s5], $0x100  }
0xa5: {  	s20 =	simm.s32 @!p0 $0xD  }
0xa6: {  	_ =	swait.ge @!p0 [sflag:s20], $0x100  }
0xa7: {  	s26 =	rddreg [dreg:$0x12]  }
0xa8: {  	s5 =	sadd.s32 $0x1, s26;
	s26 =	rddreg [dreg:$0xe]  }
0xa9: {  	p1 =	sne.s32 s5, s26  }
.Ltmp1:
0xaa: {  	_ = 	snop;
	(pc) =	sbr.rel @p1 .LBB2_1-.Ltmp1, $4  }
0xab: {  	_ = 	snop  }
0xac: {  	[sflag:s20] =	ssyncset.done @!p0 $0x0  }
0xad: {  	[sflag:s20] =	ssyncadd.s32 @!p0 $0xFFFFFF00  }
0xae: {  	[dreg:$0x12] =	wrdreg s5;
	s5 =	simm.s32 $0x13980;
	s26 =	simm.s32 $0x13A00  }
0xaf: {  	_ =	sfence.sel $0x180000  }
0xb0: {  	[bflag:$0x0] =	sbarrier.arrive $0xFFFF  }
0xb1: {  	_ =	strace $0x90000047  }
0xb2: {  	s0 =	stileid.u32;
	[bflag:$0x2] =	sbarrier.arrive $0xFFFF  }
0xb3: {  	p0 =	sne.s32 s0, $0x0;
	s0 =	rddreg [dreg:$0x3]  }
0xb4: {  	s0 =	sadd.s32 @!p0 $0x100000, s0  }
0xb5: {  	[sflag:s0] =	ssyncadd.tile.s32 @!p0 $0x1;
	_ =	shalt  }
.Lfunc_end2:
_tile_overlayer_lowered:
.L_overlay_start_2:
0xb6: {  	(tag) =	ssettag $0x2  }
0xb7: {  	s0 =	rddreg [dreg:$0x0];
	s2 =	stileid.u32  }
0xb8: {  	s1 =	rddreg [dreg:$0x1];
	p0 =	sne.s32 s2, $0x0  }
0xb9: {  	s3 =	rddreg [dreg:$0x2];
	[bflag:$0x3] =	sbarrier.arrive $0xFFFF;
	s2 =	simm.s32 @!p0 $0x1C0D  }
0xba: {  	[timem:s3], [sflag:s2] =	dma.local @!p0 [hbm:s0], s1  }
0xbb: {  	s0 =	simm.s32 @!p0 $0xD  }
0xbc: {  	_ =	swait.ge @!p0 [sflag:s0], s1  }
0xbd: {  	s1 =	ssub.s32 @!p0 $0x0, s1;
	[sflag:s0] =	ssyncset.done @!p0 $0x0  }
0xbe: {  	[sflag:s0] =	ssyncadd.s32 @!p0 s1  }
0xbf: {  	[bflag:$0x3] =	sbarrier.arrive $0xFFFF  }
0xc0: {  	_ =	shalt  }

// kernel: kernel.13.cloned.1.call-start
scs
__scs_entry_jumppad:
0x0: {  	(pc) =	sbr.rel $0x88, $3  }
0x1: {  	(tag) =	ssettag $0x0;
	lr =	simm.s32 $0x1  }
0x2: {  	[smem:$0x3F99] =	sst lr;
	_ =	strace $0xD0000000  }
0x3: {  	_ = 	snop  }
0x4: {  	_ = 	snop  }
0x5: {  	_ = 	snop  }
0x6: {  	_ = 	snop  }
0x7: {  	_ = 	snop  }
__scs_overlays_trampoline_lowered:
0x8: {  	[smem:$0x3FA8] =	sst s0  }
0x9: {  	[smem:$0x3FA9] =	sst s1  }
0xa: {  	[smem:$0x3FAA] =	sst s2  }
0xb: {  	[smem:$0x3FAB] =	sst s3  }
0xc: {  	[smem:$0x3FAC] =	sst s4  }
0xd: {  	[smem:$0x3FAD] =	sst s5  }
0xe: {  	[smem:$0x3FAE] =	sst s6  }
0xf: {  	[smem:$0x3FAF] =	sst s7  }
0x10: {  	[smem:$0x3FB0] =	sst s8  }
0x11: {  	[smem:$0x3FB1] =	sst s9;
	s0 =	simm.s32 @!p0 $0x0  }
0x12: {  	s1 =	sld [smem:$0x3F97];
	s0 =	simm.s32 @p0 $0x1  }
0x13: {  	[smem:$0x3FB2] =	sst s0;
	s0 =	simm.s32 @!p1 $0x0  }
0x14: {  	s2 =	sld [smem:$0x3F96];
	s0 =	simm.s32 @p1 $0x1  }
0x15: {  	[smem:$0x3FB3] =	sst s0;
	s0 =	simm.s32 @!p2 $0x0  }
0x16: {  	s3 =	sld [smem:$0x3FDB];
	s0 =	simm.s32 @p2 $0x1  }
0x17: {  	s4 =	simm.s32 $0x1BF5;
	[smem:$0x3FB5] =	sst s0  }
0x18: {  	s0 =	sld [smem:$0x3F98];
	_ =	swait.ge [sflag:s4], $0x0  }
0x19: {  	s7 =	sld [smem:$0x3F99]  }
0x1a: {  	s8 =	sadd.s32 $0xFFFFE003, lr  }
0x1b: {  	s9 =	sadd.s32 $0xFFFFFEF7, lr;
	s5 =	simm.s32 $0xFFFFFFFF;
	p2 =	slt.u32 s8, $0xFFFFF086  }
0x1c: {  	p1 =	slt.u32 s9, $0xF7A;
	s5 =	simm.s32 @!p2 $0x0  }
0x1d: {  	s5 =	simm.s32 @p1 $0x1;
	p0 =	seq.s32 s7, s2  }
0x1e: {  	s7 =	smul.u32 @!p0 $0xF7A, s2;
	p2 =	seq.s32 @!p0 s5, $0x0  }
0x1f: {  	s9 =	smul.u32 $0xF7A, s1;
	s8 =	simm.s32 @!p0 $0x1BF5;
	p2 =	por !p2, p0  }
0x20: {  	[sflag:s8] =	ssyncset.s32 @!p0 $0xFFFFF086;
	s6 =	sadd.s32 @!p0 s3, s7;
	s7 =	simm.s32 @!p0 $0x108  }
0x21: {  	s3 =	sadd.s32 s3, s9;
	s6 =	sadd.s32 @!p0 $0x88, s6;
	s7 =	simm.s32 @p2 $0x1082  }
0x22: {  	[simem:s7], [sflag:s8] =	dma.local @!p0 [hbm:s6], $0xF7A  }
0x23: {  	s9 =	sor.u32 $0xD0000000, s2;
	s6 =	simm.s32 $0x108;
	_ =	swait.ge @!p0 [sflag:s8], $0x0  }
0x24: {  	s3 =	sadd.s32 $0x88, s3;
	s6 =	simm.s32 @!p1 $0x1082;
	[sflag:s4] =	ssyncset.s32 $0xFFFFF086  }
0x25: {  	[simem:s6], [sflag:s4] =	dma.local [hbm:s3], $0xF7A  }
0x26: {  	[smem:$0x3F99] =	sst s1;
	(tag) =	ssettag s2;
	_ =	strace s9  }
0x27: {  	s1 =	sld [smem:$0x3FA9]  }
0x28: {  	s2 =	sld [smem:$0x3FAA]  }
0x29: {  	s4 =	sld [smem:$0x3FAC]  }
0x2a: {  	p0 =	seq.s32 s5, $0x0;
	s5 =	sld [smem:$0x3FAD]  }
0x2b: {  	s6 =	sld [smem:$0x3FAE]  }
0x2c: {  	s7 =	sld [smem:$0x3FAF]  }
0x2d: {  	s3 =	simm.s32 $0x108;
	s8 =	sld [smem:$0x3FB0]  }
0x2e: {  	s3 =	simm.s32 @!p0 $0x1082;
	s9 =	sld [smem:$0x3FB1]  }
0x2f: {  	lr =	sadd.s32 s0, s3;
	s0 =	sld [smem:$0x3FA8]  }
0x30: {  	s3 =	sld [smem:$0x3FAB]  }
0x31: {  	[smem:$0x3FB4] =	sst s10  }
0x32: {  	s10 =	sld [smem:$0x3FB2];
	_ =	sdelay $0x3  }
0x33: {  	p0 =	seq.s32 s10, $0x1;
	s10 =	sld [smem:$0x3FB4];
	_ =	sdelay $0x3  }
0x34: {  	[smem:$0x3FB4] =	sst s10  }
0x35: {  	s10 =	sld [smem:$0x3FB3];
	_ =	sdelay $0x3  }
0x36: {  	p1 =	seq.s32 s10, $0x1;
	s10 =	sld [smem:$0x3FB4];
	_ =	sdelay $0x3  }
0x37: {  	[smem:$0x3FB4] =	sst s10  }
0x38: {  	s10 =	sld [smem:$0x3FB5]  }
0x39: {  	_ = 	snop;
	(pc) =	sbr.ind lr, $3  }
0x3a: {  	_ = 	snop  }
0x3b: {  	_ = 	snop  }
0x3c: {  	p2 =	seq.s32 s10, $0x1;
	s10 =	sld [smem:$0x3FB4]  }
0x3d: {  	_ =	shalt  }
0x3e: {  	_ =	shalt  }
0x3f: {  	_ =	shalt  }
0x40: {  	_ =	shalt  }
0x41: {  	_ =	shalt  }
0x42: {  	_ =	shalt  }
0x43: {  	_ =	shalt  }
0x44: {  	_ =	shalt  }
0x45: {  	_ =	shalt  }
0x46: {  	_ =	shalt  }
0x47: {  	_ =	shalt  }
0x48: {  	_ =	shalt  }
0x49: {  	_ =	shalt  }
0x4a: {  	_ =	shalt  }
0x4b: {  	_ =	shalt  }
0x4c: {  	_ =	shalt  }
0x4d: {  	_ =	shalt  }
0x4e: {  	_ =	shalt  }
0x4f: {  	_ =	shalt  }
0x50: {  	_ =	shalt  }
0x51: {  	_ =	shalt  }
0x52: {  	_ =	shalt  }
0x53: {  	_ =	shalt  }
0x54: {  	_ =	shalt  }
0x55: {  	_ =	shalt  }
0x56: {  	_ =	shalt  }
0x57: {  	_ =	shalt  }
0x58: {  	_ =	shalt  }
0x59: {  	_ =	shalt  }
0x5a: {  	_ =	shalt  }
0x5b: {  	_ =	shalt  }
0x5c: {  	_ =	shalt  }
0x5d: {  	_ =	shalt  }
0x5e: {  	_ =	shalt  }
0x5f: {  	_ =	shalt  }
0x60: {  	_ =	shalt  }
0x61: {  	_ =	shalt  }
0x62: {  	_ =	shalt  }
0x63: {  	_ =	shalt  }
0x64: {  	_ =	shalt  }
0x65: {  	_ =	shalt  }
0x66: {  	_ =	shalt  }
0x67: {  	_ =	shalt  }
0x68: {  	_ =	shalt  }
0x69: {  	_ =	shalt  }
0x6a: {  	_ =	shalt  }
0x6b: {  	_ =	shalt  }
0x6c: {  	_ =	shalt  }
0x6d: {  	_ =	shalt  }
0x6e: {  	_ =	shalt  }
0x6f: {  	_ =	shalt  }
0x70: {  	_ =	shalt  }
0x71: {  	_ =	shalt  }
0x72: {  	_ =	shalt  }
0x73: {  	_ =	shalt  }
0x74: {  	_ =	shalt  }
0x75: {  	_ =	shalt  }
0x76: {  	_ =	shalt  }
0x77: {  	_ =	shalt  }
0x78: {  	_ =	shalt  }
0x79: {  	_ =	shalt  }
0x7a: {  	_ =	shalt  }
0x7b: {  	_ =	shalt  }
0x7c: {  	_ =	shalt  }
0x7d: {  	_ =	shalt  }
0x7e: {  	_ =	shalt  }
0x7f: {  	_ =	shalt  }
0x80: {  	_ =	shalt  }
0x81: {  	_ =	shalt  }
0x82: {  	_ =	shalt  }
0x83: {  	_ =	shalt  }
0x84: {  	_ =	shalt  }
0x85: {  	_ =	shalt  }
0x86: {  	_ =	shalt  }
0x87: {  	_ =	shalt  }
.Lfunc_end0:
.L_simem_size_0:
called_computation.1_lowered:
.L_overlay_start_0:
0x88: {  	s2 =	sld [smem:$0x3FD9]  }
0x89: {  	s3 =	sld [smem:$0x3FFE];
	_ =	sdelay $0x1  }
0x8a: {  	s1 =	srdreg.scid  }
0x8b: {  	s0 =	sand.u32 $0x1, s1  }
0x8c: {  	s17 =	sshll.u32 s0, $0xA;
	s2 =	sadd.s32 s3, s2  }
0x8d: {  	s2 =	sadd.s32 s2, s17  }
0x8e: {  	[smem:$0x3FC0] =	sst s2  }
0x8f: {  	_ = 	snop  }
0x90: {  	s2 =	sld [smem:$0x3FD0];
	(tm) =	ssettm $0x1  }
0x91: {  	s18 =	sld [smem:$0x3FFB];
	_ =	sdelay $0x3  }
0x92: {  	_ =	strace s18  }
0x93: {  	s3 =	sld [smem:$0x3FFC];
	_ =	sdelay $0x3  }
0x94: {  	_ =	strace s3  }
0x95: {  	s3 =	sld [smem:$0x3FFD];
	_ =	sdelay $0x3  }
0x96: {  	_ =	strace s3  }
0x97: {  	_ =	strace $0x8FFFFFFF  }
0x98: {  	s19 =	sld [smem:$0x3FDB];
	_ =	sdelay $0x1  }
0x99: {  	s4 =	simm.s32 $_scs_section_size  }
0x9a: {  	s5 =	simm.s32 $_size__tile_overlayer_lowered;
	s6 =	simm.s32 $_tile_overlayer_lowered  }
0x9b: {  	s22 =	simm.s32 $0x1BFF;
	s21 =	sshll.u32 s6, $0x1;
	s3 =	sadd.s32 s4, s19  }
0x9c: {  	s7 =	simm.s32 $0x0;
	s20 =	sshll.u32 s5, $0x1;
	s5 =	sadd.s32 s21, s3  }
0x9d: {  	[timem:s7], [sflag:s22] =	dma.local [hbm:s5], s20  }
0x9e: {  	_ =	swait.ge [sflag:s22], s20  }
0x9f: {  	s4 =	ssub.s32 $0x0, s20;
	[sflag:s22] =	ssyncset.done $0x0  }
0xa0: {  	[sflag:s22] =	ssyncadd.s32 s4;
	_ =	sdelay $0x1  }
0xa1: {  	s23 =	simm.s32 $0x1B8B  }
0xa2: {  	_ =	swait.ge [sflag:s23], $0x1  }
0xa3: {  	[sflag:s23] =	ssyncset.done $0x0  }
0xa4: {  	s25 =	simm.s32 $0x1B8E;
	s24 =	sld [smem:$0x3FFE];
	[sflag:s23] =	ssyncadd.s32 $0xFFFFFFFF  }
0xa5: {  	s26 =	simm.s32 $execute0_lowered;
	[smem:$0x3FD2] =	sst s25  }
0xa6: {  	s5 =	sshll.u32 s26, $0x1;
	_ =	strace $0x80000049;
	[dreg:$0x1] =	wrdreg $0xFFFFFFFF  }
0xa7: {  	s28 =	simm.s32 $_size_execute0_lowered;
	s3 =	sadd.s32 s3, s5;
	[dreg:$0x0] =	wrdreg $0x0  }
0xa8: {  	s5 =	sshll.u32 s28, $0x1;
	[dreg:$0x2] =	wrdreg s3  }
0xa9: {  	[dreg:$0x3] =	wrdreg s5  }
0xaa: {  	[dreg:$0x4] =	wrdreg $0xC0  }
0xab: {  	_ =	task [dreg:s7], $0x5FFFF  }
0xac: {  	[dreg:$0x1] =	wrdreg $0xFFFFFFFF  }
0xad: {  	[dreg:$0x0] =	wrdreg $0x60  }
0xae: {  	[dreg:$0x2] =	wrdreg s24  }
0xaf: {  	[dreg:$0x3] =	wrdreg s2  }
0xb0: {  	[dreg:$0x4] =	wrdreg $0x0  }
0xb1: {  	[dreg:$0x5] =	wrdreg $0x9  }
0xb2: {  	_ =	task.clear_ibuf [dreg:s7], $0x6FFFF;
	_ =	strace $0x90000049  }
0xb3: {  	s29 =	simm.s32 $0x9;
	_ =	strace $0x8000004B  }
0xb4: {  	_ =	swait.ge [sflag:s29], $0x1  }
0xb5: {  	[sflag:s29] =	ssyncadd.s32 $0xFFFFFFFF  }
0xb6: {  	_ =	strace $0x9000004B  }
0xb7: {  	_ =	sfence  }
0xb8: {  	s30 =	sld [smem:$0x0];
	_ =	sdelay $0x2  }
0xb9: {  	s31 =	sshll.u32 s1, $0xD;
	s1 =	sshrl.u32 s1, $0x2  }
0xba: {  	s3 =	sand.u32 $0x4000, s31;
	s1 =	sadd.s32 s1, s30  }
0xbb: {  	s0 =	sor.u32 s3, s0;
	s1 =	sshll.u32 s1, $0x11  }
0xbc: {  	s0 =	sor.u32 s1, s0  }
0xbd: {  	s0 =	sadd.s32 $0x8F2B, s0  }
0xbe: {  	[sflag:s0] =	ssyncadd.remote.s32 $0x1  }
0xbf: {  	_ =	sfence.sel $0xFFFF  }
0xc0: {  	[dreg:$0x0] =	wrdreg $0xFFFFFFFF;
	(pc) =	sbr.abs _section_cstart, $3  }
0xc1: {  	[dreg:$0x1] =	wrdreg $0xFFFFFFFF  }
0xc2: {  	_ =	task.clear_ibuf [dreg:s7], $0x2FFFF;
	_ =	strace $0x9FFFFFFF  }
0xc3: {  	(tm) =	ssettm $0x7FFFFFFF  }
tec
execute0_lowered:
.L_overlay_start_1:
0x0: {  	(tag) =	ssettag $0x1  }
0x1: {  	s0 =	rddreg [dreg:$0x0]  }
0x2: {  	s2 =	rddreg [dreg:$0x1]  }
0x3: {  	s3 =	rddreg [dreg:$0x2];
	s22 =	simm.s32 $0x0  }
0x4: {  	s4 =	stileid.u32;
	s8 =	srdreg.scid;
	s31 =	simm.s32 $0xD  }
0x5: {  	s29 =	simm.s32 $0x16480;
	[smem:$0x7FF] =	sst s22;
	s1 =	smul.u32 $0x13800, s4  }
0x6: {  	s6 =	sadd.s32 $0xE600, s0;
	s5 =	sadd.s32 $0x4800, s0;
	s8 =	sand.u32 $0x1, s8  }
0x7: {  	s11 =	smul.u32 $0x4E000, s4;
	s12 =	sadd.s32 $0x66800, s0;
	s14 =	sshll.u32 s4, $0x6  }
0x8: {  	s28 =	smul.u32 $0x2710, s4;
	p0 =	sne.s32 s4, $0xF;
	_ =	strace $0x8000004A  }
0x9: {  	s9 =	ssub.s32 $0x2, s8;
	s10 =	sshll.u32 s8, $0x4;
	s21 =	smul.u32 $0x138800, s8  }
0xa: {  	s23 =	sor.u32 $0x1C0D, s14;
	s25 =	smul.u32 $0x27100, s8;
	[dreg:$0x4] =	wrdreg s5  }
0xb: {  	s7 =	sshrl.u32 s1, $0x3;
	s13 =	sshrl.u32 s9, $0x1;
	s10 =	sor.u32 s4, s10  }
0xc: {  	s11 =	sshrl.u32 s11, $0x2;
	[dreg:$0x7] =	wrdreg s23;
	s7 =	sadd.s32 s7, s0  }
0xd: {  	s9 =	ssub.s32 s9, s13;
	s10 =	smul.u32 $0x2710, s10;
	s11 =	sadd.s32 s11, s3  }
0xe: {  	s0 =	sadd.s32 $0x3F400, s0;
	s13 =	sadd.s32 s1, s21;
	[dreg:$0x5] =	wrdreg s11  }
0xf: {  	s7 =	sadd.s32 $0x18400, s7;
	[dreg:$0x8] =	wrdreg s0;
	s15 =	sshrl.u32 s10, $0x3  }
0x10: {  	s14 =	sshrl.u32 s21, $0x3;
	[dreg:$0x6] =	wrdreg s7;
	s16 =	sadd.s32 s6, s15  }
0x11: {  	s17 =	sadd.s32 s5, s15;
	s18 =	sadd.s32 $0xA, s15;
	[dreg:$0x9] =	wrdreg s16  }
0x12: {  	s11 =	simm.s32 $0xC;
	[dreg:$0xa] =	wrdreg s17;
	s19 =	sadd.s32 s6, s18  }
0x13: {  	s20 =	sadd.s32 $0x14, s15;
	s7 =	sadd.s32 s5, s18;
	[dreg:$0xb] =	wrdreg s19  }
0x14: {  	s10 =	simm.s32 $0xA;
	s24 =	sadd.s32 s6, s20;
	[dreg:$0xc] =	wrdreg s7  }
0x15: {  	s0 =	sadd.s32 $0x1E, s15;
	s26 =	sadd.s32 s5, s20;
	[dreg:$0xd] =	wrdreg s24  }
0x16: {  	s15 =	sadd.s32 s12, s14;
	s30 =	sadd.s32 s6, s0;
	[dreg:$0xe] =	wrdreg s26  }
0x17: {  	s14 =	simm.s32 $0x1;
	s0 =	sadd.s32 s5, s0;
	[dreg:$0xf] =	wrdreg s30  }
0x18: {  	s17 =	smax.u32 s9, $0x1;
	s9 =	simm.s32 $0x7;
	[dreg:$0x10] =	wrdreg s0  }
0x19: {  	s0 =	sshrl.u32 s13, $0x3;
	s7 =	sadd.s32 s28, s25;
	[dreg:$0x13] =	wrdreg s17  }
0x1a: {  	s30 =	sadd.s32 $0x138000, s3;
	s17 =	simm.s32 $0x13900;
	s13 =	simm.s32 $0x6  }
0x1b: {  	s0 =	sadd.s32 s12, s0;
	s16 =	sadd.s32 $0x230, s7;
	s19 =	sadd.s32 $0x1E0, s7  }
0x1c: {  	s8 =	sadd.s32 $0x190, s7;
	s28 =	sadd.s32 $0x140, s7;
	[dreg:$0x1b] =	wrdreg s30  }
0x1d: {  	s7 =	simm.s32 $0x13A80;
	[dreg:$0x11] =	wrdreg s0;
	s0 =	sadd.s32 $0x27000, s15  }
0x1e: {  	s18 =	sshrl.u32 s16, $0x3;
	s20 =	sshrl.u32 s19, $0x3;
	s21 =	sshrl.u32 s8, $0x3  }
0x1f: {  	[dreg:$0x1a] =	wrdreg s28;
	s16 =	simm.s32 $0x13880;
	s19 =	simm.s32 $0x13A00  }
0x20: {  	s15 =	simm.s32 $0x50;
	[dreg:$0x12] =	wrdreg s0;
	s1 =	sadd.s32 s18, s5  }
0x21: {  	s8 =	simm.s32 $0x9;
	s0 =	sadd.s32 s18, s6;
	[dreg:$0x14] =	wrdreg s1  }
0x22: {  	s24 =	sadd.s32 s20, s5;
	s25 =	sadd.s32 s21, s5;
	[dreg:$0x15] =	wrdreg s0  }
0x23: {  	s26 =	sadd.s32 s21, s6;
	s5 =	simm.s32 $0x13980;
	[dreg:$0x16] =	wrdreg s24  }
0x24: {  	s18 =	simm.s32 $0x2;
	s21 =	simm.s32 $0x3;
	[dreg:$0x18] =	wrdreg s25  }
0x25: {  	s0 =	sadd.s32 s20, s6;
	[dreg:$0x19] =	wrdreg s26;
	s1 =	simm.s32 $0x13B00  }
0x26: {  	s24 =	simm.s32 $0x13C00;
	s20 =	simm.s32 $0x5;
	s25 =	simm.s32 $0x8  }
0x27: {  	s26 =	simm.s32 $0x1B480;
	[dreg:$0x17] =	wrdreg s0;
	s0 =	simm.s32 $0x0  }
.LBB2_1:
0x28: {  	[dreg:$0x1c] =	wrdreg s0  }
0x29: {  	s4 =	rddreg [dreg:$0x5]  }
0x2a: {  	s12 =	rddreg [dreg:$0x6];
	s4 =	sshrl.u32 s4, $0x3  }
0x2b: {  	[dreg:$0x1d] =	wrdreg s4  }
0x2c: {  	[spmem:s4], [sflag:s23] =	dma.local [hbm:s12], $0x2700  }
0x2d: {  	_ =	swait.ge [sflag:s31], $0x2700  }
0x2e: {  	s0 =	rddreg [dreg:$0x1b]  }
0x2f: {  	[sflag:s31] =	ssyncset.done $0x0;
	s4 =	rddreg [dreg:$0x8];
	s0 =	sshrl.u32 @!p0 s0, $0x3  }
0x30: {  	s12 =	simm.s32 @!p0 $0xD;
	[sflag:s31] =	ssyncadd.s32 $0xFFFFD900;
	[dreg:$0x1e] =	wrdreg s0  }
0x31: {  	[spmem:s0], [sflag:s23] =	dma.local @!p0 [hbm:s4], $0x100  }
0x32: {  	_ =	swait.ge @!p0 [sflag:s12], $0x100  }
0x33: {  	[sflag:s12] =	ssyncset.done @!p0 $0x0  }
0x34: {  	[sflag:s12] =	ssyncadd.s32 @!p0 $0xFFFFFF00  }
0x35: {  	[bflag:$0x0] =	sbarrier.arrive $0xFFFF  }
0x36: {  	s12 =	rddreg [dreg:$0x9]  }
0x37: {  	s23 =	rddreg [dreg:$0xb]  }
0x38: {  	s0 =	rddreg [dreg:$0xc]  }
0x39: {  	s28 =	rddreg [dreg:$0x16]  }
0x3a: {  	[tilespmem:s16], [sflag:$0x1] =	stream.linear.gather [hbm4b:s12+s22], $0x50, $0x38;
	[tilespmem:$0x1DC80] =	vst v63  }
0x3b: {  	s16 =	rddreg [dreg:$0xa]  }
0x3c: {  	[tilespmem:s7], [sflag:$0x5] =	stream.linear.gather [hbm4b:s16+s22], $0x50, $0x38;
	[tilespmem:$0x1DC80] =	vst v63  }
0x3d: {  	s7 =	rddreg [dreg:$0xe]  }
0x3e: {  	s16 =	rddreg [dreg:$0xf]  }
0x3f: {  	[tilespmem:s17], [sflag:$0x2] =	stream.linear.gather [hbm4b:s23+s22], $0x50, $0x38;
	[tilespmem:$0x1DC80] =	vst v63  }
0x40: {  	s23 =	rddreg [dreg:$0x10]  }
0x41: {  	[tilespmem:s1], [sflag:$0x6] =	stream.linear.gather [hbm4b:s0+s22], $0x50, $0x38;
	[tilespmem:$0x1DC80] =	vst v63  }
0x42: {  	s1 =	rddreg [dreg:$0xd]  }
0x43: {  	[tilespmem:s5], [sflag:$0x3] =	stream.linear.gather [hbm4b:s1+s22], $0x50, $0x38;
	[tilespmem:$0x1DC80] =	vst v63  }
0x44: {  	s12 =	simm.s32 $0x13B80;
	s0 =	rddreg [dreg:$0x17]  }
0x45: {  	[tilespmem:s12], [sflag:$0x7] =	stream.linear.gather [hbm4b:s7+s22], $0x50, $0x38;
	[tilespmem:$0x1DC80] =	vst v63  }
0x46: {  	s1 =	rddreg [dreg:$0x18]  }
0x47: {  	[tilespmem:s19], [sflag:$0x4] =	stream.linear.gather [hbm4b:s16+s22], $0x50, $0x38;
	[tilespmem:$0x1DC80] =	vst v63  }
0x48: {  	s12 =	rddreg [dreg:$0x1a]  }
0x49: {  	[tilespmem:s24], [sflag:$0x8] =	stream.linear.gather [hbm4b:s23+s22], $0x50, $0x38;
	[tilespmem:$0x1DC80] =	vst v63  }
0x4a: {  	s30 =	simm.s32 $0x0;
	s19 =	rddreg [dreg:$0x19];
	s24 =	simm.s32 $0x4  }
.LBB2_2:
0x4b: {  	_ =	swait.ge [sflag:s14], $0x50  }
0x4c: {  	[sflag:s14] =	ssyncset.done $0x0  }
0x4d: {  	[sflag:s14] =	ssyncadd.s32 $0xFFFFFFB0  }
0x4e: {  	_ =	swait.ge [sflag:s20], $0x50  }
0x4f: {  	[sflag:s20] =	ssyncset.done $0x0  }
0x50: {  	s4 =	simm.s32 $0x13880;
	s5 =	simm.s32 $0x13C80;
	[sflag:s20] =	ssyncadd.s32 $0xFFFFFFB0  }
0x51: {  	[tilespmem:s5], [sflag:$0x9] =	stream.indirect.gather [hbm4b:s2+s15], $0x80, s4, s15, $0xb8;
	[tilespmem:$0x1DC80] =	vst v63  }
0x52: {  	_ =	swait.ge [sflag:s18], $0x50  }
0x53: {  	[sflag:s18] =	ssyncset.done $0x0  }
0x54: {  	[sflag:s18] =	ssyncadd.s32 $0xFFFFFFB0  }
0x55: {  	_ =	swait.ge [sflag:s13], $0x50  }
0x56: {  	[sflag:s13] =	ssyncset.done $0x0  }
0x57: {  	[sflag:s13] =	ssyncadd.s32 $0xFFFFFFB0  }
0x58: {  	[tilespmem:s29], [sflag:$0xA] =	stream.indirect.gather [hbm4b:s2+s15], $0x80, s17, s15, $0xb8;
	[tilespmem:$0x1DC80] =	vst v63  }
0x59: {  	_ =	swait.ge [sflag:s21], $0x50  }
0x5a: {  	[sflag:s21] =	ssyncset.done $0x0  }
0x5b: {  	[sflag:s21] =	ssyncadd.s32 $0xFFFFFFB0  }
0x5c: {  	_ =	swait.ge [sflag:s9], $0x50  }
0x5d: {  	[sflag:s9] =	ssyncset.done $0x0  }
0x5e: {  	s7 =	simm.s32 $0x13980;
	s16 =	simm.s32 $0x18C80;
	[sflag:s9] =	ssyncadd.s32 $0xFFFFFFB0  }
0x5f: {  	[tilespmem:s16], [sflag:$0xB] =	stream.indirect.gather [hbm4b:s2+s15], $0x80, s7, s15, $0xb8;
	[tilespmem:$0x1DC80] =	vst v63  }
0x60: {  	_ =	swait.ge [sflag:s24], $0x50  }
0x61: {  	[sflag:s24] =	ssyncset.done $0x0  }
0x62: {  	[sflag:s24] =	ssyncadd.s32 $0xFFFFFFB0  }
0x63: {  	_ =	swait.ge [sflag:s25], $0x50  }
0x64: {  	[sflag:s25] =	ssyncset.done $0x0  }
0x65: {  	s23 =	simm.s32 $0x13A00;
	[sflag:s25] =	ssyncadd.s32 $0xFFFFFFB0  }
0x66: {  	[tilespmem:s26], [sflag:$0xC] =	stream.indirect.gather [hbm4b:s2+s15], $0x80, s23, s15, $0xb8;
	[tilespmem:$0x1DC80] =	vst v63  }
0x67: {  	_ =	swait.ge [sflag:s8], $0x2800  }
0x68: {  	[sflag:s8] =	ssyncset.done $0x0  }
0x69: {  	s17 =	simm.s32 $0x13A80;
	[sflag:s8] =	ssyncadd.s32 $0xFFFFD800  }
0x6a: {  	[spmem:s3] =	stream.indirect.scatter.add.f32 [tilespmem:s5], [sflag:$0xD], $0x80, s17, s15, $0xb8;
	[tilespmem:$0x1DC80] =	vst v63  }
0x6b: {  	_ =	swait.ge [sflag:s31], $0x2800  }
0x6c: {  	s5 =	sshrl.u32 s12, $0x3;
	[sflag:s31] =	ssyncset.done $0x0  }
0x6d: {  	s7 =	sadd.s32 s6, s5;
	[sflag:s31] =	ssyncadd.s32 $0xFFFFD800  }
0x6e: {  	[tilespmem:s4], [sflag:$0x1] =	stream.linear.gather [hbm4b:s7+s22], $0x50, $0x38;
	[tilespmem:$0x1DC80] =	vst v63  }
0x6f: {  	s7 =	rddreg [dreg:$0x4]  }
0x70: {  	s5 =	sadd.s32 s7, s5  }
0x71: {  	[tilespmem:s17], [sflag:$0x5] =	stream.linear.gather [hbm4b:s5+s22], $0x50, $0x38;
	[tilespmem:$0x1DC80] =	vst v63  }
0x72: {  	_ =	swait.ge [sflag:s10], $0x2800  }
0x73: {  	[sflag:s10] =	ssyncset.done $0x0  }
0x74: {  	s5 =	simm.s32 $0x13B00;
	[sflag:s10] =	ssyncadd.s32 $0xFFFFD800  }
0x75: {  	[spmem:s3] =	stream.indirect.scatter.add.f32 [tilespmem:s29], [sflag:$0xD], $0x80, s5, s15, $0xb8;
	[tilespmem:$0x1DC80] =	vst v63  }
0x76: {  	_ =	swait.ge [sflag:s31], $0x2800  }
0x77: {  	p1 =	seq.s32 s30, $0x4B0;
	[sflag:s31] =	ssyncset.done $0x0  }
0x78: {  	s5 =	simm.s32 @p1 $0xB;
	[sflag:s31] =	ssyncadd.s32 $0xFFFFD800  }
0x79: {  	_ =	swait.ge @p1 [sflag:s5], $0x2800  }
0x7a: {  	s23 =	smov.u32 s6;
	s6 =	simm.s32 @p1 $0x13B80;
	[sflag:s5] =	ssyncset.done @p1 $0x0  }
0x7b: {  	s4 =	simm.s32 @p1 $0x18C80;
	[sflag:s5] =	ssyncadd.s32 @p1 $0xFFFFD800;
	s5 =	simm.s32 @p1 $0x50  }
0x7c: {  	[spmem:s3] =	stream.indirect.scatter.add.f32 @p1 [tilespmem:s4], [sflag:$0xD], $0x80, s6, s5, $0xb8;
	[tilespmem:$0x1DC80] =	vst v63  }
0x7d: {  	s4 =	simm.s32 @p1 $0xD  }
0x7e: {  	_ =	swait.ge @p1 [sflag:s4], $0x2800  }
0x7f: {  	s5 =	simm.s32 @!p1 $0x0;
	[sflag:s4] =	ssyncset.done @p1 $0x0  }
0x80: {  	s6 =	simm.s32 @!p1 $0x13900;
	[sflag:s4] =	ssyncadd.s32 @p1 $0xFFFFD800;
	s4 =	sadd.s32 @!p1 s30, s19  }
0x81: {  	[tilespmem:s6], [sflag:$0x2] =	stream.linear.gather @!p1 [hbm4b:s4+s5], $0x50, $0x38;
	[tilespmem:$0x1DC80] =	vst v63  }
0x82: {  	s4 =	sadd.s32 @!p1 s30, s1;
	s6 =	simm.s32 @!p1 $0x13B00  }
0x83: {  	[tilespmem:s6], [sflag:$0x6] =	stream.linear.gather @!p1 [hbm4b:s4+s5], $0x50, $0x38;
	[tilespmem:$0x1DC80] =	vst v63  }
0x84: {  	s4 =	simm.s32 @!p1 $0xB  }
0x85: {  	_ =	swait.ge @!p1 [sflag:s4], $0x2800  }
0x86: {  	s22 =	simm.s32 @!p1 $0x18C80;
	[sflag:s4] =	ssyncset.done @!p1 $0x0  }
0x87: {  	s6 =	simm.s32 @!p1 $0x13B80;
	[sflag:s4] =	ssyncadd.s32 @!p1 $0xFFFFD800;
	s4 =	simm.s32 @!p1 $0x50  }
0x88: {  	[spmem:s3] =	stream.indirect.scatter.add.f32 @!p1 [tilespmem:s22], [sflag:$0xD], $0x80, s6, s4, $0xb8;
	[tilespmem:$0x1DC80] =	vst v63  }
0x89: {  	s4 =	simm.s32 @!p1 $0xD  }
0x8a: {  	_ =	swait.ge @!p1 [sflag:s4], $0x2800  }
0x8b: {  	[sflag:s4] =	ssyncset.done @!p1 $0x0  }
0x8c: {  	s22 =	simm.s32 @!p1 $0x13980;
	[sflag:s4] =	ssyncadd.s32 @!p1 $0xFFFFD800;
	s4 =	sadd.s32 @!p1 s30, s0  }
0x8d: {  	[tilespmem:s22], [sflag:$0x3] =	stream.linear.gather @!p1 [hbm4b:s4+s5], $0x50, $0x38;
	[tilespmem:$0x1DC80] =	vst v63  }
0x8e: {  	s4 =	sadd.s32 @!p1 s30, s28  }
0x8f: {  	[tilespmem:s6], [sflag:$0x7] =	stream.linear.gather @!p1 [hbm4b:s4+s5], $0x50, $0x38;
	[tilespmem:$0x1DC80] =	vst v63  }
0x90: {  	_ =	swait.ge [sflag:s11], $0x2800  }
0x91: {  	[sflag:s11] =	ssyncset.done $0x0  }
0x92: {  	s6 =	simm.s32 $0x13C00;
	[sflag:s11] =	ssyncadd.s32 $0xFFFFD800  }
0x93: {  	[spmem:s3] =	stream.indirect.scatter.add.f32 [tilespmem:s26], [sflag:$0xD], $0x80, s6, s15, $0xb8;
	[tilespmem:$0x1DC80] =	vst v63  }
0x94: {  	_ =	swait.ge [sflag:s31], $0x2800  }
0x95: {  	[sflag:s31] =	ssyncset.done $0x0;
	s4 =	rddreg [dreg:$0x15]  }
0x96: {  	s6 =	simm.s32 @!p1 $0x13A00;
	[sflag:s31] =	ssyncadd.s32 $0xFFFFD800;
	s4 =	sadd.s32 @!p1 s30, s4  }
0x97: {  	[tilespmem:s6], [sflag:$0x4] =	stream.linear.gather @!p1 [hbm4b:s4+s5], $0x50, $0x38;
	[tilespmem:$0x1DC80] =	vst v63  }
0x98: {  	s4 =	rddreg [dreg:$0x14]  }
0x99: {  	s4 =	sadd.s32 @!p1 s30, s4;
	s30 =	sadd.s32 @!p1 $0x28, s30  }
0x9a: {  	p2 =	sne.s32 @!p1 s30, $0x4D8  }
0x9b: {  	p2 =	por p1, !p2  }
.Ltmp0:
0x9c: {  	_ = 	snop;
	(pc) =	sbr.rel @!p2 .LBB2_2-.Ltmp0, $4  }
0x9d: {  	s16 =	simm.s32 $0x13880  }
0x9e: {  	s12 =	sadd.s32 @!p1 $0x140, s12;
	s7 =	simm.s32 $0x13A80;
	s6 =	simm.s32 @!p1 $0x13C00  }
0x9f: {  	[tilespmem:s6], [sflag:$0x8] =	stream.linear.gather @!p1 [hbm4b:s4+s5], $0x50, $0x38;
	[tilespmem:$0x1DC80] =	vst v63  }
0xa0: {  	s17 =	simm.s32 $0x13900;
	s22 =	simm.s32 $0x0;
	s6 =	smov.u32 s23  }
0xa1: {  	_ =	swait.ge [sflag:s14], $0x50  }
0xa2: {  	[sflag:s14] =	ssyncset.done $0x0  }
0xa3: {  	[sflag:s14] =	ssyncadd.s32 $0xFFFFFFB0  }
0xa4: {  	_ =	swait.ge [sflag:s20], $0x50  }
0xa5: {  	[sflag:s20] =	ssyncset.done $0x0  }
0xa6: {  	s0 =	simm.s32 $0x13C80;
	[sflag:s20] =	ssyncadd.s32 $0xFFFFFFB0  }
0xa7: {  	[tilespmem:s0], [sflag:$0x9] =	stream.indirect.gather [hbm4b:s2+s15], $0x80, s16, s15, $0xb8;
	[tilespmem:$0x1DC80] =	vst v63  }
0xa8: {  	_ =	swait.ge [sflag:s8], $0x2800  }
0xa9: {  	[sflag:s8] =	ssyncset.done $0x0  }
0xaa: {  	[sflag:s8] =	ssyncadd.s32 $0xFFFFD800  }
0xab: {  	[spmem:s3] =	stream.indirect.scatter.add.f32 [tilespmem:s0], [sflag:$0xD], $0x80, s7, s15, $0xb8;
	[tilespmem:$0x1DC80] =	vst v63  }
0xac: {  	_ =	swait.ge [sflag:s31], $0x2800  }
0xad: {  	[sflag:s31] =	ssyncset.done $0x0  }
0xae: {  	[sflag:s31] =	ssyncadd.s32 $0xFFFFD800  }
0xaf: {  	[bflag:$0x0] =	sbarrier.arrive $0xFFFF  }
0xb0: {  	s23 =	rddreg [dreg:$0x7]  }
0xb1: {  	s4 =	rddreg [dreg:$0x11]  }
0xb2: {  	s28 =	rddreg [dreg:$0x1d]  }
0xb3: {  	[hbm:s4], [sflag:s23] =	dma.local [spmem:s28], $0x2700  }
0xb4: {  	_ =	swait.ge [sflag:s31], $0x2700  }
0xb5: {  	[sflag:s31] =	ssyncset.done $0x0;
	s4 =	rddreg [dreg:$0x12]  }
0xb6: {  	s0 =	rddreg [dreg:$0x1e];
	[sflag:s31] =	ssyncadd.s32 $0xFFFFD900  }
0xb7: {  	[hbm:s4], [sflag:s23] =	dma.local @!p0 [spmem:s0], $0x100  }
0xb8: {  	s4 =	simm.s32 @!p0 $0xD  }
0xb9: {  	_ =	swait.ge @!p0 [sflag:s4], $0x100  }
0xba: {  	s30 =	rddreg [dreg:$0x1c]  }
0xbb: {  	s5 =	rddreg [dreg:$0x13];
	s0 =	sadd.s32 $0x1, s30  }
0xbc: {  	p1 =	sne.s32 s0, s5  }
.Ltmp1:
0xbd: {  	_ = 	snop;
	(pc) =	sbr.rel @p1 .LBB2_1-.Ltmp1, $3  }
0xbe: {  	_ =	sdelay $0x1  }
0xbf: {  	s1 =	simm.s32 $0x13B00;
	s19 =	simm.s32 $0x13A00;
	[sflag:s4] =	ssyncset.done @!p0 $0x0  }
0xc0: {  	s24 =	simm.s32 $0x13C00;
	[sflag:s4] =	ssyncadd.s32 @!p0 $0xFFFFFF00;
	s5 =	simm.s32 $0x13980  }
0xc1: {  	_ =	sfence.sel $0x180000  }
0xc2: {  	[bflag:$0x0] =	sbarrier.arrive $0xFFFF  }
0xc3: {  	_ =	strace $0x9000004A  }
0xc4: {  	s0 =	stileid.u32;
	[bflag:$0x2] =	sbarrier.arrive $0xFFFF  }
0xc5: {  	p0 =	sne.s32 s0, $0x0;
	s0 =	rddreg [dreg:$0x3]  }
0xc6: {  	s0 =	sadd.s32 @!p0 $0x100000, s0  }
0xc7: {  	[sflag:s0] =	ssyncadd.tile.s32 @!p0 $0x1;
	_ =	shalt  }
.Lfunc_end2:
_tile_overlayer_lowered:
.L_overlay_start_2:
0xc8: {  	(tag) =	ssettag $0x2  }
0xc9: {  	s0 =	rddreg [dreg:$0x0];
	s2 =	stileid.u32  }
0xca: {  	s1 =	rddreg [dreg:$0x1];
	p0 =	sne.s32 s2, $0x0  }
0xcb: {  	s3 =	rddreg [dreg:$0x2];
	[bflag:$0x3] =	sbarrier.arrive $0xFFFF;
	s2 =	simm.s32 @!p0 $0x1C0D  }
0xcc: {  	[timem:s3], [sflag:s2] =	dma.local @!p0 [hbm:s0], s1  }
0xcd: {  	s0 =	simm.s32 @!p0 $0xD  }
0xce: {  	_ =	swait.ge @!p0 [sflag:s0], s1  }
0xcf: {  	s1 =	ssub.s32 @!p0 $0x0, s1;
	[sflag:s0] =	ssyncset.done @!p0 $0x0  }
0xd0: {  	[sflag:s0] =	ssyncadd.s32 @!p0 s1  }
0xd1: {  	[bflag:$0x3] =	sbarrier.arrive $0xFFFF  }
0xd2: {  	_ =	shalt  }

// kernel: kernel.16.cloned.1.call-start
scs
__scs_entry_jumppad:
0x0: {  	(pc) =	sbr.rel $0x88, $3  }
0x1: {  	(tag) =	ssettag $0x0;
	lr =	simm.s32 $0x1  }
0x2: {  	[smem:$0x3F99] =	sst lr;
	_ =	strace $0xD0000000  }
0x3: {  	_ = 	snop  }
0x4: {  	_ = 	snop  }
0x5: {  	_ = 	snop  }
0x6: {  	_ = 	snop  }
0x7: {  	_ = 	snop  }
__scs_overlays_trampoline_lowered:
0x8: {  	[smem:$0x3FA8] =	sst s0  }
0x9: {  	[smem:$0x3FA9] =	sst s1  }
0xa: {  	[smem:$0x3FAA] =	sst s2  }
0xb: {  	[smem:$0x3FAB] =	sst s3  }
0xc: {  	[smem:$0x3FAC] =	sst s4  }
0xd: {  	[smem:$0x3FAD] =	sst s5  }
0xe: {  	[smem:$0x3FAE] =	sst s6  }
0xf: {  	[smem:$0x3FAF] =	sst s7  }
0x10: {  	[smem:$0x3FB0] =	sst s8  }
0x11: {  	[smem:$0x3FB1] =	sst s9;
	s0 =	simm.s32 @!p0 $0x0  }
0x12: {  	s1 =	sld [smem:$0x3F97];
	s0 =	simm.s32 @p0 $0x1  }
0x13: {  	[smem:$0x3FB2] =	sst s0;
	s0 =	simm.s32 @!p1 $0x0  }
0x14: {  	s2 =	sld [smem:$0x3F96];
	s0 =	simm.s32 @p1 $0x1  }
0x15: {  	[smem:$0x3FB3] =	sst s0;
	s0 =	simm.s32 @!p2 $0x0  }
0x16: {  	s3 =	sld [smem:$0x3FDB];
	s0 =	simm.s32 @p2 $0x1  }
0x17: {  	s4 =	simm.s32 $0x1BF5;
	[smem:$0x3FB5] =	sst s0  }
0x18: {  	s0 =	sld [smem:$0x3F98];
	_ =	swait.ge [sflag:s4], $0x0  }
0x19: {  	s7 =	sld [smem:$0x3F99]  }
0x1a: {  	s8 =	sadd.s32 $0xFFFFE003, lr  }
0x1b: {  	s9 =	sadd.s32 $0xFFFFFEF7, lr;
	s5 =	simm.s32 $0xFFFFFFFF;
	p2 =	slt.u32 s8, $0xFFFFF086  }
0x1c: {  	p1 =	slt.u32 s9, $0xF7A;
	s5 =	simm.s32 @!p2 $0x0  }
0x1d: {  	s5 =	simm.s32 @p1 $0x1;
	p0 =	seq.s32 s7, s2  }
0x1e: {  	s7 =	smul.u32 @!p0 $0xF7A, s2;
	p2 =	seq.s32 @!p0 s5, $0x0  }
0x1f: {  	s9 =	smul.u32 $0xF7A, s1;
	s8 =	simm.s32 @!p0 $0x1BF5;
	p2 =	por !p2, p0  }
0x20: {  	[sflag:s8] =	ssyncset.s32 @!p0 $0xFFFFF086;
	s6 =	sadd.s32 @!p0 s3, s7;
	s7 =	simm.s32 @!p0 $0x108  }
0x21: {  	s3 =	sadd.s32 s3, s9;
	s6 =	sadd.s32 @!p0 $0x88, s6;
	s7 =	simm.s32 @p2 $0x1082  }
0x22: {  	[simem:s7], [sflag:s8] =	dma.local @!p0 [hbm:s6], $0xF7A  }
0x23: {  	s9 =	sor.u32 $0xD0000000, s2;
	s6 =	simm.s32 $0x108;
	_ =	swait.ge @!p0 [sflag:s8], $0x0  }
0x24: {  	s3 =	sadd.s32 $0x88, s3;
	s6 =	simm.s32 @!p1 $0x1082;
	[sflag:s4] =	ssyncset.s32 $0xFFFFF086  }
0x25: {  	[simem:s6], [sflag:s4] =	dma.local [hbm:s3], $0xF7A  }
0x26: {  	[smem:$0x3F99] =	sst s1;
	(tag) =	ssettag s2;
	_ =	strace s9  }
0x27: {  	s1 =	sld [smem:$0x3FA9]  }
0x28: {  	s2 =	sld [smem:$0x3FAA]  }
0x29: {  	s4 =	sld [smem:$0x3FAC]  }
0x2a: {  	p0 =	seq.s32 s5, $0x0;
	s5 =	sld [smem:$0x3FAD]  }
0x2b: {  	s6 =	sld [smem:$0x3FAE]  }
0x2c: {  	s7 =	sld [smem:$0x3FAF]  }
0x2d: {  	s3 =	simm.s32 $0x108;
	s8 =	sld [smem:$0x3FB0]  }
0x2e: {  	s3 =	simm.s32 @!p0 $0x1082;
	s9 =	sld [smem:$0x3FB1]  }
0x2f: {  	lr =	sadd.s32 s0, s3;
	s0 =	sld [smem:$0x3FA8]  }
0x30: {  	s3 =	sld [smem:$0x3FAB]  }
0x31: {  	[smem:$0x3FB4] =	sst s10  }
0x32: {  	s10 =	sld [smem:$0x3FB2];
	_ =	sdelay $0x3  }
0x33: {  	p0 =	seq.s32 s10, $0x1;
	s10 =	sld [smem:$0x3FB4];
	_ =	sdelay $0x3  }
0x34: {  	[smem:$0x3FB4] =	sst s10  }
0x35: {  	s10 =	sld [smem:$0x3FB3];
	_ =	sdelay $0x3  }
0x36: {  	p1 =	seq.s32 s10, $0x1;
	s10 =	sld [smem:$0x3FB4];
	_ =	sdelay $0x3  }
0x37: {  	[smem:$0x3FB4] =	sst s10  }
0x38: {  	s10 =	sld [smem:$0x3FB5]  }
0x39: {  	_ = 	snop;
	(pc) =	sbr.ind lr, $3  }
0x3a: {  	_ = 	snop  }
0x3b: {  	_ = 	snop  }
0x3c: {  	p2 =	seq.s32 s10, $0x1;
	s10 =	sld [smem:$0x3FB4]  }
0x3d: {  	_ =	shalt  }
0x3e: {  	_ =	shalt  }
0x3f: {  	_ =	shalt  }
0x40: {  	_ =	shalt  }
0x41: {  	_ =	shalt  }
0x42: {  	_ =	shalt  }
0x43: {  	_ =	shalt  }
0x44: {  	_ =	shalt  }
0x45: {  	_ =	shalt  }
0x46: {  	_ =	shalt  }
0x47: {  	_ =	shalt  }
0x48: {  	_ =	shalt  }
0x49: {  	_ =	shalt  }
0x4a: {  	_ =	shalt  }
0x4b: {  	_ =	shalt  }
0x4c: {  	_ =	shalt  }
0x4d: {  	_ =	shalt  }
0x4e: {  	_ =	shalt  }
0x4f: {  	_ =	shalt  }
0x50: {  	_ =	shalt  }
0x51: {  	_ =	shalt  }
0x52: {  	_ =	shalt  }
0x53: {  	_ =	shalt  }
0x54: {  	_ =	shalt  }
0x55: {  	_ =	shalt  }
0x56: {  	_ =	shalt  }
0x57: {  	_ =	shalt  }
0x58: {  	_ =	shalt  }
0x59: {  	_ =	shalt  }
0x5a: {  	_ =	shalt  }
0x5b: {  	_ =	shalt  }
0x5c: {  	_ =	shalt  }
0x5d: {  	_ =	shalt  }
0x5e: {  	_ =	shalt  }
0x5f: {  	_ =	shalt  }
0x60: {  	_ =	shalt  }
0x61: {  	_ =	shalt  }
0x62: {  	_ =	shalt  }
0x63: {  	_ =	shalt  }
0x64: {  	_ =	shalt  }
0x65: {  	_ =	shalt  }
0x66: {  	_ =	shalt  }
0x67: {  	_ =	shalt  }
0x68: {  	_ =	shalt  }
0x69: {  	_ =	shalt  }
0x6a: {  	_ =	shalt  }
0x6b: {  	_ =	shalt  }
0x6c: {  	_ =	shalt  }
0x6d: {  	_ =	shalt  }
0x6e: {  	_ =	shalt  }
0x6f: {  	_ =	shalt  }
0x70: {  	_ =	shalt  }
0x71: {  	_ =	shalt  }
0x72: {  	_ =	shalt  }
0x73: {  	_ =	shalt  }
0x74: {  	_ =	shalt  }
0x75: {  	_ =	shalt  }
0x76: {  	_ =	shalt  }
0x77: {  	_ =	shalt  }
0x78: {  	_ =	shalt  }
0x79: {  	_ =	shalt  }
0x7a: {  	_ =	shalt  }
0x7b: {  	_ =	shalt  }
0x7c: {  	_ =	shalt  }
0x7d: {  	_ =	shalt  }
0x7e: {  	_ =	shalt  }
0x7f: {  	_ =	shalt  }
0x80: {  	_ =	shalt  }
0x81: {  	_ =	shalt  }
0x82: {  	_ =	shalt  }
0x83: {  	_ =	shalt  }
0x84: {  	_ =	shalt  }
0x85: {  	_ =	shalt  }
0x86: {  	_ =	shalt  }
0x87: {  	_ =	shalt  }
.Lfunc_end0:
.L_simem_size_0:
called_computation.2_lowered:
.L_overlay_start_0:
0x88: {  	s2 =	sld [smem:$0x3FD9]  }
0x89: {  	s3 =	sld [smem:$0x3FFE];
	_ =	sdelay $0x1  }
0x8a: {  	s1 =	srdreg.scid  }
0x8b: {  	s0 =	sand.u32 $0x1, s1  }
0x8c: {  	s17 =	sshll.u32 s0, $0xA;
	s2 =	sadd.s32 s3, s2  }
0x8d: {  	s2 =	sadd.s32 s2, s17  }
0x8e: {  	[smem:$0x3FC0] =	sst s2  }
0x8f: {  	_ = 	snop  }
0x90: {  	s2 =	sld [smem:$0x3FD0];
	(tm) =	ssettm $0x1  }
0x91: {  	s18 =	sld [smem:$0x3FFB];
	_ =	sdelay $0x3  }
0x92: {  	_ =	strace s18  }
0x93: {  	s3 =	sld [smem:$0x3FFC];
	_ =	sdelay $0x3  }
0x94: {  	_ =	strace s3  }
0x95: {  	s3 =	sld [smem:$0x3FFD];
	_ =	sdelay $0x3  }
0x96: {  	_ =	strace s3  }
0x97: {  	_ =	strace $0x8FFFFFFF  }
0x98: {  	s19 =	sld [smem:$0x3FDB];
	_ =	sdelay $0x1  }
0x99: {  	s4 =	simm.s32 $_scs_section_size  }
0x9a: {  	s5 =	simm.s32 $_size__tile_overlayer_lowered;
	s6 =	simm.s32 $_tile_overlayer_lowered  }
0x9b: {  	s22 =	simm.s32 $0x1BFF;
	s21 =	sshll.u32 s6, $0x1;
	s3 =	sadd.s32 s4, s19  }
0x9c: {  	s7 =	simm.s32 $0x0;
	s20 =	sshll.u32 s5, $0x1;
	s5 =	sadd.s32 s21, s3  }
0x9d: {  	[timem:s7], [sflag:s22] =	dma.local [hbm:s5], s20  }
0x9e: {  	_ =	swait.ge [sflag:s22], s20  }
0x9f: {  	s4 =	ssub.s32 $0x0, s20;
	[sflag:s22] =	ssyncset.done $0x0  }
0xa0: {  	[sflag:s22] =	ssyncadd.s32 s4;
	_ =	sdelay $0x1  }
0xa1: {  	s23 =	simm.s32 $0x1B8B  }
0xa2: {  	_ =	swait.ge [sflag:s23], $0x1  }
0xa3: {  	[sflag:s23] =	ssyncset.done $0x0  }
0xa4: {  	s25 =	simm.s32 $0x1B8E;
	s24 =	sld [smem:$0x3FFE];
	[sflag:s23] =	ssyncadd.s32 $0xFFFFFFFF  }
0xa5: {  	s26 =	simm.s32 $execute0_lowered;
	[smem:$0x3FD2] =	sst s25  }
0xa6: {  	s5 =	sshll.u32 s26, $0x1;
	_ =	strace $0x8000004C;
	[dreg:$0x1] =	wrdreg $0xFFFFFFFF  }
0xa7: {  	s28 =	simm.s32 $_size_execute0_lowered;
	s3 =	sadd.s32 s3, s5;
	[dreg:$0x0] =	wrdreg $0x0  }
0xa8: {  	s5 =	sshll.u32 s28, $0x1;
	[dreg:$0x2] =	wrdreg s3  }
0xa9: {  	[dreg:$0x3] =	wrdreg s5  }
0xaa: {  	[dreg:$0x4] =	wrdreg $0xC0  }
0xab: {  	_ =	task [dreg:s7], $0x5FFFF  }
0xac: {  	[dreg:$0x1] =	wrdreg $0xFFFFFFFF  }
0xad: {  	[dreg:$0x0] =	wrdreg $0x60  }
0xae: {  	[dreg:$0x2] =	wrdreg s24  }
0xaf: {  	[dreg:$0x3] =	wrdreg s2  }
0xb0: {  	[dreg:$0x4] =	wrdreg $0x0  }
0xb1: {  	[dreg:$0x5] =	wrdreg $0x9  }
0xb2: {  	_ =	task.clear_ibuf [dreg:s7], $0x6FFFF;
	_ =	strace $0x9000004C  }
0xb3: {  	s29 =	simm.s32 $0x9;
	_ =	strace $0x8000004E  }
0xb4: {  	_ =	swait.ge [sflag:s29], $0x1  }
0xb5: {  	[sflag:s29] =	ssyncadd.s32 $0xFFFFFFFF  }
0xb6: {  	_ =	strace $0x9000004E  }
0xb7: {  	_ =	sfence  }
0xb8: {  	s30 =	sld [smem:$0x0];
	_ =	sdelay $0x2  }
0xb9: {  	s31 =	sshll.u32 s1, $0xD;
	s1 =	sshrl.u32 s1, $0x2  }
0xba: {  	s3 =	sand.u32 $0x4000, s31;
	s1 =	sadd.s32 s1, s30  }
0xbb: {  	s0 =	sor.u32 s3, s0;
	s1 =	sshll.u32 s1, $0x11  }
0xbc: {  	s0 =	sor.u32 s1, s0  }
0xbd: {  	s0 =	sadd.s32 $0x8F2B, s0  }
0xbe: {  	[sflag:s0] =	ssyncadd.remote.s32 $0x1  }
0xbf: {  	_ =	sfence.sel $0xFFFF  }
0xc0: {  	[dreg:$0x0] =	wrdreg $0xFFFFFFFF;
	(pc) =	sbr.abs _section_cstart, $3  }
0xc1: {  	[dreg:$0x1] =	wrdreg $0xFFFFFFFF  }
0xc2: {  	_ =	task.clear_ibuf [dreg:s7], $0x2FFFF;
	_ =	strace $0x9FFFFFFF  }
0xc3: {  	(tm) =	ssettm $0x7FFFFFFF  }
tec
execute0_lowered:
.L_overlay_start_1:
0x0: {  	(tag) =	ssettag $0x1  }
0x1: {  	s0 =	rddreg [dreg:$0x0]  }
0x2: {  	s2 =	rddreg [dreg:$0x1]  }
0x3: {  	s3 =	rddreg [dreg:$0x2];
	s22 =	simm.s32 $0x0  }
0x4: {  	s4 =	stileid.u32;
	s8 =	srdreg.scid;
	s31 =	simm.s32 $0xD  }
0x5: {  	s29 =	simm.s32 $0x16480;
	[smem:$0x7FF] =	sst s22;
	s1 =	smul.u32 $0x13800, s4  }
0x6: {  	s6 =	sadd.s32 $0xE600, s0;
	s5 =	sadd.s32 $0x4800, s0;
	s8 =	sand.u32 $0x1, s8  }
0x7: {  	s11 =	smul.u32 $0x4E000, s4;
	s12 =	sadd.s32 $0x66800, s0;
	s14 =	sshll.u32 s4, $0x6  }
0x8: {  	s28 =	smul.u32 $0x2710, s4;
	p0 =	sne.s32 s4, $0xF;
	_ =	strace $0x8000004D  }
0x9: {  	s9 =	ssub.s32 $0x2, s8;
	s10 =	sshll.u32 s8, $0x4;
	s21 =	smul.u32 $0x138800, s8  }
0xa: {  	s23 =	sor.u32 $0x1C0D, s14;
	s25 =	smul.u32 $0x27100, s8;
	[dreg:$0x4] =	wrdreg s5  }
0xb: {  	s7 =	sshrl.u32 s1, $0x3;
	s13 =	sshrl.u32 s9, $0x1;
	s10 =	sor.u32 s4, s10  }
0xc: {  	s11 =	sshrl.u32 s11, $0x2;
	[dreg:$0x7] =	wrdreg s23;
	s7 =	sadd.s32 s7, s0  }
0xd: {  	s9 =	ssub.s32 s9, s13;
	s10 =	smul.u32 $0x2710, s10;
	s11 =	sadd.s32 s11, s3  }
0xe: {  	s0 =	sadd.s32 $0x3F400, s0;
	s13 =	sadd.s32 s1, s21;
	[dreg:$0x5] =	wrdreg s11  }
0xf: {  	s7 =	sadd.s32 $0x18400, s7;
	[dreg:$0x8] =	wrdreg s0;
	s15 =	sshrl.u32 s10, $0x3  }
0x10: {  	s14 =	sshrl.u32 s21, $0x3;
	[dreg:$0x6] =	wrdreg s7;
	s16 =	sadd.s32 s6, s15  }
0x11: {  	s17 =	sadd.s32 s5, s15;
	s18 =	sadd.s32 $0xA, s15;
	[dreg:$0x9] =	wrdreg s16  }
0x12: {  	s11 =	simm.s32 $0xC;
	[dreg:$0xa] =	wrdreg s17;
	s19 =	sadd.s32 s6, s18  }
0x13: {  	s20 =	sadd.s32 $0x14, s15;
	s7 =	sadd.s32 s5, s18;
	[dreg:$0xb] =	wrdreg s19  }
0x14: {  	s10 =	simm.s32 $0xA;
	s24 =	sadd.s32 s6, s20;
	[dreg:$0xc] =	wrdreg s7  }
0x15: {  	s0 =	sadd.s32 $0x1E, s15;
	s26 =	sadd.s32 s5, s20;
	[dreg:$0xd] =	wrdreg s24  }
0x16: {  	s15 =	sadd.s32 s12, s14;
	s30 =	sadd.s32 s6, s0;
	[dreg:$0xe] =	wrdreg s26  }
0x17: {  	s14 =	simm.s32 $0x1;
	s0 =	sadd.s32 s5, s0;
	[dreg:$0xf] =	wrdreg s30  }
0x18: {  	s17 =	smax.u32 s9, $0x1;
	s9 =	simm.s32 $0x7;
	[dreg:$0x10] =	wrdreg s0  }
0x19: {  	s0 =	sshrl.u32 s13, $0x3;
	s7 =	sadd.s32 s28, s25;
	[dreg:$0x13] =	wrdreg s17  }
0x1a: {  	s30 =	sadd.s32 $0x138000, s3;
	s17 =	simm.s32 $0x13900;
	s13 =	simm.s32 $0x6  }
0x1b: {  	s0 =	sadd.s32 s12, s0;
	s16 =	sadd.s32 $0x230, s7;
	s19 =	sadd.s32 $0x1E0, s7  }
0x1c: {  	s8 =	sadd.s32 $0x190, s7;
	s28 =	sadd.s32 $0x140, s7;
	[dreg:$0x1b] =	wrdreg s30  }
0x1d: {  	s7 =	simm.s32 $0x13A80;
	[dreg:$0x11] =	wrdreg s0;
	s0 =	sadd.s32 $0x27000, s15  }
0x1e: {  	s18 =	sshrl.u32 s16, $0x3;
	s20 =	sshrl.u32 s19, $0x3;
	s21 =	sshrl.u32 s8, $0x3  }
0x1f: {  	[dreg:$0x1a] =	wrdreg s28;
	s16 =	simm.s32 $0x13880;
	s19 =	simm.s32 $0x13A00  }
0x20: {  	s15 =	simm.s32 $0x50;
	[dreg:$0x12] =	wrdreg s0;
	s1 =	sadd.s32 s18, s5  }
0x21: {  	s8 =	simm.s32 $0x9;
	s0 =	sadd.s32 s18, s6;
	[dreg:$0x14] =	wrdreg s1  }
0x22: {  	s24 =	sadd.s32 s20, s5;
	s25 =	sadd.s32 s21, s5;
	[dreg:$0x15] =	wrdreg s0  }
0x23: {  	s26 =	sadd.s32 s21, s6;
	s5 =	simm.s32 $0x13980;
	[dreg:$0x16] =	wrdreg s24  }
0x24: {  	s18 =	simm.s32 $0x2;
	s21 =	simm.s32 $0x3;
	[dreg:$0x18] =	wrdreg s25  }
0x25: {  	s0 =	sadd.s32 s20, s6;
	[dreg:$0x19] =	wrdreg s26;
	s1 =	simm.s32 $0x13B00  }
0x26: {  	s24 =	simm.s32 $0x13C00;
	s20 =	simm.s32 $0x5;
	s25 =	simm.s32 $0x8  }
0x27: {  	s26 =	simm.s32 $0x1B480;
	[dreg:$0x17] =	wrdreg s0;
	s0 =	simm.s32 $0x0  }
.LBB2_1:
0x28: {  	[dreg:$0x1c] =	wrdreg s0  }
0x29: {  	s4 =	rddreg [dreg:$0x5]  }
0x2a: {  	s12 =	rddreg [dreg:$0x6];
	s4 =	sshrl.u32 s4, $0x3  }
0x2b: {  	[dreg:$0x1d] =	wrdreg s4  }
0x2c: {  	[spmem:s4], [sflag:s23] =	dma.local [hbm:s12], $0x2700  }
0x2d: {  	_ =	swait.ge [sflag:s31], $0x2700  }
0x2e: {  	s0 =	rddreg [dreg:$0x1b]  }
0x2f: {  	[sflag:s31] =	ssyncset.done $0x0;
	s4 =	rddreg [dreg:$0x8];
	s0 =	sshrl.u32 @!p0 s0, $0x3  }
0x30: {  	s12 =	simm.s32 @!p0 $0xD;
	[sflag:s31] =	ssyncadd.s32 $0xFFFFD900;
	[dreg:$0x1e] =	wrdreg s0  }
0x31: {  	[spmem:s0], [sflag:s23] =	dma.local @!p0 [hbm:s4], $0x100  }
0x32: {  	_ =	swait.ge @!p0 [sflag:s12], $0x100  }
0x33: {  	[sflag:s12] =	ssyncset.done @!p0 $0x0  }
0x34: {  	[sflag:s12] =	ssyncadd.s32 @!p0 $0xFFFFFF00  }
0x35: {  	[bflag:$0x0] =	sbarrier.arrive $0xFFFF  }
0x36: {  	s12 =	rddreg [dreg:$0x9]  }
0x37: {  	s23 =	rddreg [dreg:$0xb]  }
0x38: {  	s0 =	rddreg [dreg:$0xc]  }
0x39: {  	s28 =	rddreg [dreg:$0x16]  }
0x3a: {  	[tilespmem:s16], [sflag:$0x1] =	stream.linear.gather [hbm4b:s12+s22], $0x50, $0x38;
	[tilespmem:$0x1DC80] =	vst v63  }
0x3b: {  	s16 =	rddreg [dreg:$0xa]  }
0x3c: {  	[tilespmem:s7], [sflag:$0x5] =	stream.linear.gather [hbm4b:s16+s22], $0x50, $0x38;
	[tilespmem:$0x1DC80] =	vst v63  }
0x3d: {  	s7 =	rddreg [dreg:$0xe]  }
0x3e: {  	s16 =	rddreg [dreg:$0xf]  }
0x3f: {  	[tilespmem:s17], [sflag:$0x2] =	stream.linear.gather [hbm4b:s23+s22], $0x50, $0x38;
	[tilespmem:$0x1DC80] =	vst v63  }
0x40: {  	s23 =	rddreg [dreg:$0x10]  }
0x41: {  	[tilespmem:s1], [sflag:$0x6] =	stream.linear.gather [hbm4b:s0+s22], $0x50, $0x38;
	[tilespmem:$0x1DC80] =	vst v63  }
0x42: {  	s1 =	rddreg [dreg:$0xd]  }
0x43: {  	[tilespmem:s5], [sflag:$0x3] =	stream.linear.gather [hbm4b:s1+s22], $0x50, $0x38;
	[tilespmem:$0x1DC80] =	vst v63  }
0x44: {  	s12 =	simm.s32 $0x13B80;
	s0 =	rddreg [dreg:$0x17]  }
0x45: {  	[tilespmem:s12], [sflag:$0x7] =	stream.linear.gather [hbm4b:s7+s22], $0x50, $0x38;
	[tilespmem:$0x1DC80] =	vst v63  }
0x46: {  	s1 =	rddreg [dreg:$0x18]  }
0x47: {  	[tilespmem:s19], [sflag:$0x4] =	stream.linear.gather [hbm4b:s16+s22], $0x50, $0x38;
	[tilespmem:$0x1DC80] =	vst v63  }
0x48: {  	s12 =	rddreg [dreg:$0x1a]  }
0x49: {  	[tilespmem:s24], [sflag:$0x8] =	stream.linear.gather [hbm4b:s23+s22], $0x50, $0x38;
	[tilespmem:$0x1DC80] =	vst v63  }
0x4a: {  	s30 =	simm.s32 $0x0;
	s19 =	rddreg [dreg:$0x19];
	s24 =	simm.s32 $0x4  }
.LBB2_2:
0x4b: {  	_ =	swait.ge [sflag:s14], $0x50  }
0x4c: {  	[sflag:s14] =	ssyncset.done $0x0  }
0x4d: {  	[sflag:s14] =	ssyncadd.s32 $0xFFFFFFB0  }
0x4e: {  	_ =	swait.ge [sflag:s20], $0x50  }
0x4f: {  	[sflag:s20] =	ssyncset.done $0x0  }
0x50: {  	s4 =	simm.s32 $0x13880;
	s5 =	simm.s32 $0x13C80;
	[sflag:s20] =	ssyncadd.s32 $0xFFFFFFB0  }
0x51: {  	[tilespmem:s5], [sflag:$0x9] =	stream.indirect.gather [hbm4b:s2+s15], $0x80, s4, s15, $0xb8;
	[tilespmem:$0x1DC80] =	vst v63  }
0x52: {  	_ =	swait.ge [sflag:s18], $0x50  }
0x53: {  	[sflag:s18] =	ssyncset.done $0x0  }
0x54: {  	[sflag:s18] =	ssyncadd.s32 $0xFFFFFFB0  }
0x55: {  	_ =	swait.ge [sflag:s13], $0x50  }
0x56: {  	[sflag:s13] =	ssyncset.done $0x0  }
0x57: {  	[sflag:s13] =	ssyncadd.s32 $0xFFFFFFB0  }
0x58: {  	[tilespmem:s29], [sflag:$0xA] =	stream.indirect.gather [hbm4b:s2+s15], $0x80, s17, s15, $0xb8;
	[tilespmem:$0x1DC80] =	vst v63  }
0x59: {  	_ =	swait.ge [sflag:s21], $0x50  }
0x5a: {  	[sflag:s21] =	ssyncset.done $0x0  }
0x5b: {  	[sflag:s21] =	ssyncadd.s32 $0xFFFFFFB0  }
0x5c: {  	_ =	swait.ge [sflag:s9], $0x50  }
0x5d: {  	[sflag:s9] =	ssyncset.done $0x0  }
0x5e: {  	s7 =	simm.s32 $0x13980;
	s16 =	simm.s32 $0x18C80;
	[sflag:s9] =	ssyncadd.s32 $0xFFFFFFB0  }
0x5f: {  	[tilespmem:s16], [sflag:$0xB] =	stream.indirect.gather [hbm4b:s2+s15], $0x80, s7, s15, $0xb8;
	[tilespmem:$0x1DC80] =	vst v63  }
0x60: {  	_ =	swait.ge [sflag:s24], $0x50  }
0x61: {  	[sflag:s24] =	ssyncset.done $0x0  }
0x62: {  	[sflag:s24] =	ssyncadd.s32 $0xFFFFFFB0  }
0x63: {  	_ =	swait.ge [sflag:s25], $0x50  }
0x64: {  	[sflag:s25] =	ssyncset.done $0x0  }
0x65: {  	s23 =	simm.s32 $0x13A00;
	[sflag:s25] =	ssyncadd.s32 $0xFFFFFFB0  }
0x66: {  	[tilespmem:s26], [sflag:$0xC] =	stream.indirect.gather [hbm4b:s2+s15], $0x80, s23, s15, $0xb8;
	[tilespmem:$0x1DC80] =	vst v63  }
0x67: {  	_ =	swait.ge [sflag:s8], $0x2800  }
0x68: {  	[sflag:s8] =	ssyncset.done $0x0  }
0x69: {  	s17 =	simm.s32 $0x13A80;
	[sflag:s8] =	ssyncadd.s32 $0xFFFFD800  }
0x6a: {  	[spmem:s3] =	stream.indirect.scatter.add.f32 [tilespmem:s5], [sflag:$0xD], $0x80, s17, s15, $0xb8;
	[tilespmem:$0x1DC80] =	vst v63  }
0x6b: {  	_ =	swait.ge [sflag:s31], $0x2800  }
0x6c: {  	s5 =	sshrl.u32 s12, $0x3;
	[sflag:s31] =	ssyncset.done $0x0  }
0x6d: {  	s7 =	sadd.s32 s6, s5;
	[sflag:s31] =	ssyncadd.s32 $0xFFFFD800  }
0x6e: {  	[tilespmem:s4], [sflag:$0x1] =	stream.linear.gather [hbm4b:s7+s22], $0x50, $0x38;
	[tilespmem:$0x1DC80] =	vst v63  }
0x6f: {  	s7 =	rddreg [dreg:$0x4]  }
0x70: {  	s5 =	sadd.s32 s7, s5  }
0x71: {  	[tilespmem:s17], [sflag:$0x5] =	stream.linear.gather [hbm4b:s5+s22], $0x50, $0x38;
	[tilespmem:$0x1DC80] =	vst v63  }
0x72: {  	_ =	swait.ge [sflag:s10], $0x2800  }
0x73: {  	[sflag:s10] =	ssyncset.done $0x0  }
0x74: {  	s5 =	simm.s32 $0x13B00;
	[sflag:s10] =	ssyncadd.s32 $0xFFFFD800  }
0x75: {  	[spmem:s3] =	stream.indirect.scatter.add.f32 [tilespmem:s29], [sflag:$0xD], $0x80, s5, s15, $0xb8;
	[tilespmem:$0x1DC80] =	vst v63  }
0x76: {  	_ =	swait.ge [sflag:s31], $0x2800  }
0x77: {  	p1 =	seq.s32 s30, $0x4B0;
	[sflag:s31] =	ssyncset.done $0x0  }
0x78: {  	s5 =	simm.s32 @p1 $0xB;
	[sflag:s31] =	ssyncadd.s32 $0xFFFFD800  }
0x79: {  	_ =	swait.ge @p1 [sflag:s5], $0x2800  }
0x7a: {  	s23 =	smov.u32 s6;
	s6 =	simm.s32 @p1 $0x13B80;
	[sflag:s5] =	ssyncset.done @p1 $0x0  }
0x7b: {  	s4 =	simm.s32 @p1 $0x18C80;
	[sflag:s5] =	ssyncadd.s32 @p1 $0xFFFFD800;
	s5 =	simm.s32 @p1 $0x50  }
0x7c: {  	[spmem:s3] =	stream.indirect.scatter.add.f32 @p1 [tilespmem:s4], [sflag:$0xD], $0x80, s6, s5, $0xb8;
	[tilespmem:$0x1DC80] =	vst v63  }
0x7d: {  	s4 =	simm.s32 @p1 $0xD  }
0x7e: {  	_ =	swait.ge @p1 [sflag:s4], $0x2800  }
0x7f: {  	s5 =	simm.s32 @!p1 $0x0;
	[sflag:s4] =	ssyncset.done @p1 $0x0  }
0x80: {  	s6 =	simm.s32 @!p1 $0x13900;
	[sflag:s4] =	ssyncadd.s32 @p1 $0xFFFFD800;
	s4 =	sadd.s32 @!p1 s30, s19  }
0x81: {  	[tilespmem:s6], [sflag:$0x2] =	stream.linear.gather @!p1 [hbm4b:s4+s5], $0x50, $0x38;
	[tilespmem:$0x1DC80] =	vst v63  }
0x82: {  	s4 =	sadd.s32 @!p1 s30, s1;
	s6 =	simm.s32 @!p1 $0x13B00  }
0x83: {  	[tilespmem:s6], [sflag:$0x6] =	stream.linear.gather @!p1 [hbm4b:s4+s5], $0x50, $0x38;
	[tilespmem:$0x1DC80] =	vst v63  }
0x84: {  	s4 =	simm.s32 @!p1 $0xB  }
0x85: {  	_ =	swait.ge @!p1 [sflag:s4], $0x2800  }
0x86: {  	s22 =	simm.s32 @!p1 $0x18C80;
	[sflag:s4] =	ssyncset.done @!p1 $0x0  }
0x87: {  	s6 =	simm.s32 @!p1 $0x13B80;
	[sflag:s4] =	ssyncadd.s32 @!p1 $0xFFFFD800;
	s4 =	simm.s32 @!p1 $0x50  }
0x88: {  	[spmem:s3] =	stream.indirect.scatter.add.f32 @!p1 [tilespmem:s22], [sflag:$0xD], $0x80, s6, s4, $0xb8;
	[tilespmem:$0x1DC80] =	vst v63  }
0x89: {  	s4 =	simm.s32 @!p1 $0xD  }
0x8a: {  	_ =	swait.ge @!p1 [sflag:s4], $0x2800  }
0x8b: {  	[sflag:s4] =	ssyncset.done @!p1 $0x0  }
0x8c: {  	s22 =	simm.s32 @!p1 $0x13980;
	[sflag:s4] =	ssyncadd.s32 @!p1 $0xFFFFD800;
	s4 =	sadd.s32 @!p1 s30, s0  }
0x8d: {  	[tilespmem:s22], [sflag:$0x3] =	stream.linear.gather @!p1 [hbm4b:s4+s5], $0x50, $0x38;
	[tilespmem:$0x1DC80] =	vst v63  }
0x8e: {  	s4 =	sadd.s32 @!p1 s30, s28  }
0x8f: {  	[tilespmem:s6], [sflag:$0x7] =	stream.linear.gather @!p1 [hbm4b:s4+s5], $0x50, $0x38;
	[tilespmem:$0x1DC80] =	vst v63  }
0x90: {  	_ =	swait.ge [sflag:s11], $0x2800  }
0x91: {  	[sflag:s11] =	ssyncset.done $0x0  }
0x92: {  	s6 =	simm.s32 $0x13C00;
	[sflag:s11] =	ssyncadd.s32 $0xFFFFD800  }
0x93: {  	[spmem:s3] =	stream.indirect.scatter.add.f32 [tilespmem:s26], [sflag:$0xD], $0x80, s6, s15, $0xb8;
	[tilespmem:$0x1DC80] =	vst v63  }
0x94: {  	_ =	swait.ge [sflag:s31], $0x2800  }
0x95: {  	[sflag:s31] =	ssyncset.done $0x0;
	s4 =	rddreg [dreg:$0x15]  }
0x96: {  	s6 =	simm.s32 @!p1 $0x13A00;
	[sflag:s31] =	ssyncadd.s32 $0xFFFFD800;
	s4 =	sadd.s32 @!p1 s30, s4  }
0x97: {  	[tilespmem:s6], [sflag:$0x4] =	stream.linear.gather @!p1 [hbm4b:s4+s5], $0x50, $0x38;
	[tilespmem:$0x1DC80] =	vst v63  }
0x98: {  	s4 =	rddreg [dreg:$0x14]  }
0x99: {  	s4 =	sadd.s32 @!p1 s30, s4;
	s30 =	sadd.s32 @!p1 $0x28, s30  }
0x9a: {  	p2 =	sne.s32 @!p1 s30, $0x4D8  }
0x9b: {  	p2 =	por p1, !p2  }
.Ltmp0:
0x9c: {  	_ = 	snop;
	(pc) =	sbr.rel @!p2 .LBB2_2-.Ltmp0, $4  }
0x9d: {  	s16 =	simm.s32 $0x13880  }
0x9e: {  	s12 =	sadd.s32 @!p1 $0x140, s12;
	s7 =	simm.s32 $0x13A80;
	s6 =	simm.s32 @!p1 $0x13C00  }
0x9f: {  	[tilespmem:s6], [sflag:$0x8] =	stream.linear.gather @!p1 [hbm4b:s4+s5], $0x50, $0x38;
	[tilespmem:$0x1DC80] =	vst v63  }
0xa0: {  	s17 =	simm.s32 $0x13900;
	s22 =	simm.s32 $0x0;
	s6 =	smov.u32 s23  }
0xa1: {  	_ =	swait.ge [sflag:s14], $0x50  }
0xa2: {  	[sflag:s14] =	ssyncset.done $0x0  }
0xa3: {  	[sflag:s14] =	ssyncadd.s32 $0xFFFFFFB0  }
0xa4: {  	_ =	swait.ge [sflag:s20], $0x50  }
0xa5: {  	[sflag:s20] =	ssyncset.done $0x0  }
0xa6: {  	s0 =	simm.s32 $0x13C80;
	[sflag:s20] =	ssyncadd.s32 $0xFFFFFFB0  }
0xa7: {  	[tilespmem:s0], [sflag:$0x9] =	stream.indirect.gather [hbm4b:s2+s15], $0x80, s16, s15, $0xb8;
	[tilespmem:$0x1DC80] =	vst v63  }
0xa8: {  	_ =	swait.ge [sflag:s8], $0x2800  }
0xa9: {  	[sflag:s8] =	ssyncset.done $0x0  }
0xaa: {  	[sflag:s8] =	ssyncadd.s32 $0xFFFFD800  }
0xab: {  	[spmem:s3] =	stream.indirect.scatter.add.f32 [tilespmem:s0], [sflag:$0xD], $0x80, s7, s15, $0xb8;
	[tilespmem:$0x1DC80] =	vst v63  }
0xac: {  	_ =	swait.ge [sflag:s31], $0x2800  }
0xad: {  	[sflag:s31] =	ssyncset.done $0x0  }
0xae: {  	[sflag:s31] =	ssyncadd.s32 $0xFFFFD800  }
0xaf: {  	[bflag:$0x0] =	sbarrier.arrive $0xFFFF  }
0xb0: {  	s23 =	rddreg [dreg:$0x7]  }
0xb1: {  	s4 =	rddreg [dreg:$0x11]  }
0xb2: {  	s28 =	rddreg [dreg:$0x1d]  }
0xb3: {  	[hbm:s4], [sflag:s23] =	dma.local [spmem:s28], $0x2700  }
0xb4: {  	_ =	swait.ge [sflag:s31], $0x2700  }
0xb5: {  	[sflag:s31] =	ssyncset.done $0x0;
	s4 =	rddreg [dreg:$0x12]  }
0xb6: {  	s0 =	rddreg [dreg:$0x1e];
	[sflag:s31] =	ssyncadd.s32 $0xFFFFD900  }
0xb7: {  	[hbm:s4], [sflag:s23] =	dma.local @!p0 [spmem:s0], $0x100  }
0xb8: {  	s4 =	simm.s32 @!p0 $0xD  }
0xb9: {  	_ =	swait.ge @!p0 [sflag:s4], $0x100  }
0xba: {  	s30 =	rddreg [dreg:$0x1c]  }
0xbb: {  	s5 =	rddreg [dreg:$0x13];
	s0 =	sadd.s32 $0x1, s30  }
0xbc: {  	p1 =	sne.s32 s0, s5  }
.Ltmp1:
0xbd: {  	_ = 	snop;
	(pc) =	sbr.rel @p1 .LBB2_1-.Ltmp1, $3  }
0xbe: {  	_ =	sdelay $0x1  }
0xbf: {  	s1 =	simm.s32 $0x13B00;
	s19 =	simm.s32 $0x13A00;
	[sflag:s4] =	ssyncset.done @!p0 $0x0  }
0xc0: {  	s24 =	simm.s32 $0x13C00;
	[sflag:s4] =	ssyncadd.s32 @!p0 $0xFFFFFF00;
	s5 =	simm.s32 $0x13980  }
0xc1: {  	_ =	sfence.sel $0x180000  }
0xc2: {  	[bflag:$0x0] =	sbarrier.arrive $0xFFFF  }
0xc3: {  	_ =	strace $0x9000004D  }
0xc4: {  	s0 =	stileid.u32;
	[bflag:$0x2] =	sbarrier.arrive $0xFFFF  }
0xc5: {  	p0 =	sne.s32 s0, $0x0;
	s0 =	rddreg [dreg:$0x3]  }
0xc6: {  	s0 =	sadd.s32 @!p0 $0x100000, s0  }
0xc7: {  	[sflag:s0] =	ssyncadd.tile.s32 @!p0 $0x1;
	_ =	shalt  }
.Lfunc_end2:
_tile_overlayer_lowered:
.L_overlay_start_2:
0xc8: {  	(tag) =	ssettag $0x2  }
0xc9: {  	s0 =	rddreg [dreg:$0x0];
	s2 =	stileid.u32  }
0xca: {  	s1 =	rddreg [dreg:$0x1];
	p0 =	sne.s32 s2, $0x0  }
0xcb: {  	s3 =	rddreg [dreg:$0x2];
	[bflag:$0x3] =	sbarrier.arrive $0xFFFF;
	s2 =	simm.s32 @!p0 $0x1C0D  }
0xcc: {  	[timem:s3], [sflag:s2] =	dma.local @!p0 [hbm:s0], s1  }
0xcd: {  	s0 =	simm.s32 @!p0 $0xD  }
0xce: {  	_ =	swait.ge @!p0 [sflag:s0], s1  }
0xcf: {  	s1 =	ssub.s32 @!p0 $0x0, s1;
	[sflag:s0] =	ssyncset.done @!p0 $0x0  }
0xd0: {  	[sflag:s0] =	ssyncadd.s32 @!p0 s1  }
0xd1: {  	[bflag:$0x3] =	sbarrier.arrive $0xFFFF  }
0xd2: {  	_ =	shalt  }

// kernel: kernel.19.cloned.1.call-start
scs
__scs_entry_jumppad:
0x0: {  	(pc) =	sbr.rel $0x88, $3  }
0x1: {  	(tag) =	ssettag $0x0;
	lr =	simm.s32 $0x1  }
0x2: {  	[smem:$0x3F99] =	sst lr;
	_ =	strace $0xD0000000  }
0x3: {  	_ = 	snop  }
0x4: {  	_ = 	snop  }
0x5: {  	_ = 	snop  }
0x6: {  	_ = 	snop  }
0x7: {  	_ = 	snop  }
__scs_overlays_trampoline_lowered:
0x8: {  	[smem:$0x3FA8] =	sst s0  }
0x9: {  	[smem:$0x3FA9] =	sst s1  }
0xa: {  	[smem:$0x3FAA] =	sst s2  }
0xb: {  	[smem:$0x3FAB] =	sst s3  }
0xc: {  	[smem:$0x3FAC] =	sst s4  }
0xd: {  	[smem:$0x3FAD] =	sst s5  }
0xe: {  	[smem:$0x3FAE] =	sst s6  }
0xf: {  	[smem:$0x3FAF] =	sst s7  }
0x10: {  	[smem:$0x3FB0] =	sst s8  }
0x11: {  	[smem:$0x3FB1] =	sst s9;
	s0 =	simm.s32 @!p0 $0x0  }
0x12: {  	s1 =	sld [smem:$0x3F97];
	s0 =	simm.s32 @p0 $0x1  }
0x13: {  	[smem:$0x3FB2] =	sst s0;
	s0 =	simm.s32 @!p1 $0x0  }
0x14: {  	s2 =	sld [smem:$0x3F96];
	s0 =	simm.s32 @p1 $0x1  }
0x15: {  	[smem:$0x3FB3] =	sst s0;
	s0 =	simm.s32 @!p2 $0x0  }
0x16: {  	s3 =	sld [smem:$0x3FDB];
	s0 =	simm.s32 @p2 $0x1  }
0x17: {  	s4 =	simm.s32 $0x1BF5;
	[smem:$0x3FB5] =	sst s0  }
0x18: {  	s0 =	sld [smem:$0x3F98];
	_ =	swait.ge [sflag:s4], $0x0  }
0x19: {  	s7 =	sld [smem:$0x3F99]  }
0x1a: {  	s8 =	sadd.s32 $0xFFFFE003, lr  }
0x1b: {  	s9 =	sadd.s32 $0xFFFFFEF7, lr;
	s5 =	simm.s32 $0xFFFFFFFF;
	p2 =	slt.u32 s8, $0xFFFFF086  }
0x1c: {  	p1 =	slt.u32 s9, $0xF7A;
	s5 =	simm.s32 @!p2 $0x0  }
0x1d: {  	s5 =	simm.s32 @p1 $0x1;
	p0 =	seq.s32 s7, s2  }
0x1e: {  	s7 =	smul.u32 @!p0 $0xF7A, s2;
	p2 =	seq.s32 @!p0 s5, $0x0  }
0x1f: {  	s9 =	smul.u32 $0xF7A, s1;
	s8 =	simm.s32 @!p0 $0x1BF5;
	p2 =	por !p2, p0  }
0x20: {  	[sflag:s8] =	ssyncset.s32 @!p0 $0xFFFFF086;
	s6 =	sadd.s32 @!p0 s3, s7;
	s7 =	simm.s32 @!p0 $0x108  }
0x21: {  	s3 =	sadd.s32 s3, s9;
	s6 =	sadd.s32 @!p0 $0x88, s6;
	s7 =	simm.s32 @p2 $0x1082  }
0x22: {  	[simem:s7], [sflag:s8] =	dma.local @!p0 [hbm:s6], $0xF7A  }
0x23: {  	s9 =	sor.u32 $0xD0000000, s2;
	s6 =	simm.s32 $0x108;
	_ =	swait.ge @!p0 [sflag:s8], $0x0  }
0x24: {  	s3 =	sadd.s32 $0x88, s3;
	s6 =	simm.s32 @!p1 $0x1082;
	[sflag:s4] =	ssyncset.s32 $0xFFFFF086  }
0x25: {  	[simem:s6], [sflag:s4] =	dma.local [hbm:s3], $0xF7A  }
0x26: {  	[smem:$0x3F99] =	sst s1;
	(tag) =	ssettag s2;
	_ =	strace s9  }
0x27: {  	s1 =	sld [smem:$0x3FA9]  }
0x28: {  	s2 =	sld [smem:$0x3FAA]  }
0x29: {  	s4 =	sld [smem:$0x3FAC]  }
0x2a: {  	p0 =	seq.s32 s5, $0x0;
	s5 =	sld [smem:$0x3FAD]  }
0x2b: {  	s6 =	sld [smem:$0x3FAE]  }
0x2c: {  	s7 =	sld [smem:$0x3FAF]  }
0x2d: {  	s3 =	simm.s32 $0x108;
	s8 =	sld [smem:$0x3FB0]  }
0x2e: {  	s3 =	simm.s32 @!p0 $0x1082;
	s9 =	sld [smem:$0x3FB1]  }
0x2f: {  	lr =	sadd.s32 s0, s3;
	s0 =	sld [smem:$0x3FA8]  }
0x30: {  	s3 =	sld [smem:$0x3FAB]  }
0x31: {  	[smem:$0x3FB4] =	sst s10  }
0x32: {  	s10 =	sld [smem:$0x3FB2];
	_ =	sdelay $0x3  }
0x33: {  	p0 =	seq.s32 s10, $0x1;
	s10 =	sld [smem:$0x3FB4];
	_ =	sdelay $0x3  }
0x34: {  	[smem:$0x3FB4] =	sst s10  }
0x35: {  	s10 =	sld [smem:$0x3FB3];
	_ =	sdelay $0x3  }
0x36: {  	p1 =	seq.s32 s10, $0x1;
	s10 =	sld [smem:$0x3FB4];
	_ =	sdelay $0x3  }
0x37: {  	[smem:$0x3FB4] =	sst s10  }
0x38: {  	s10 =	sld [smem:$0x3FB5]  }
0x39: {  	_ = 	snop;
	(pc) =	sbr.ind lr, $3  }
0x3a: {  	_ = 	snop  }
0x3b: {  	_ = 	snop  }
0x3c: {  	p2 =	seq.s32 s10, $0x1;
	s10 =	sld [smem:$0x3FB4]  }
0x3d: {  	_ =	shalt  }
0x3e: {  	_ =	shalt  }
0x3f: {  	_ =	shalt  }
0x40: {  	_ =	shalt  }
0x41: {  	_ =	shalt  }
0x42: {  	_ =	shalt  }
0x43: {  	_ =	shalt  }
0x44: {  	_ =	shalt  }
0x45: {  	_ =	shalt  }
0x46: {  	_ =	shalt  }
0x47: {  	_ =	shalt  }
0x48: {  	_ =	shalt  }
0x49: {  	_ =	shalt  }
0x4a: {  	_ =	shalt  }
0x4b: {  	_ =	shalt  }
0x4c: {  	_ =	shalt  }
0x4d: {  	_ =	shalt  }
0x4e: {  	_ =	shalt  }
0x4f: {  	_ =	shalt  }
0x50: {  	_ =	shalt  }
0x51: {  	_ =	shalt  }
0x52: {  	_ =	shalt  }
0x53: {  	_ =	shalt  }
0x54: {  	_ =	shalt  }
0x55: {  	_ =	shalt  }
0x56: {  	_ =	shalt  }
0x57: {  	_ =	shalt  }
0x58: {  	_ =	shalt  }
0x59: {  	_ =	shalt  }
0x5a: {  	_ =	shalt  }
0x5b: {  	_ =	shalt  }
0x5c: {  	_ =	shalt  }
0x5d: {  	_ =	shalt  }
0x5e: {  	_ =	shalt  }
0x5f: {  	_ =	shalt  }
0x60: {  	_ =	shalt  }
0x61: {  	_ =	shalt  }
0x62: {  	_ =	shalt  }
0x63: {  	_ =	shalt  }
0x64: {  	_ =	shalt  }
0x65: {  	_ =	shalt  }
0x66: {  	_ =	shalt  }
0x67: {  	_ =	shalt  }
0x68: {  	_ =	shalt  }
0x69: {  	_ =	shalt  }
0x6a: {  	_ =	shalt  }
0x6b: {  	_ =	shalt  }
0x6c: {  	_ =	shalt  }
0x6d: {  	_ =	shalt  }
0x6e: {  	_ =	shalt  }
0x6f: {  	_ =	shalt  }
0x70: {  	_ =	shalt  }
0x71: {  	_ =	shalt  }
0x72: {  	_ =	shalt  }
0x73: {  	_ =	shalt  }
0x74: {  	_ =	shalt  }
0x75: {  	_ =	shalt  }
0x76: {  	_ =	shalt  }
0x77: {  	_ =	shalt  }
0x78: {  	_ =	shalt  }
0x79: {  	_ =	shalt  }
0x7a: {  	_ =	shalt  }
0x7b: {  	_ =	shalt  }
0x7c: {  	_ =	shalt  }
0x7d: {  	_ =	shalt  }
0x7e: {  	_ =	shalt  }
0x7f: {  	_ =	shalt  }
0x80: {  	_ =	shalt  }
0x81: {  	_ =	shalt  }
0x82: {  	_ =	shalt  }
0x83: {  	_ =	shalt  }
0x84: {  	_ =	shalt  }
0x85: {  	_ =	shalt  }
0x86: {  	_ =	shalt  }
0x87: {  	_ =	shalt  }
.Lfunc_end0:
.L_simem_size_0:
called_computation.3_lowered:
.L_overlay_start_0:
0x88: {  	s2 =	sld [smem:$0x3FD9]  }
0x89: {  	s3 =	sld [smem:$0x3FFE];
	_ =	sdelay $0x1  }
0x8a: {  	s1 =	srdreg.scid  }
0x8b: {  	s0 =	sand.u32 $0x1, s1  }
0x8c: {  	s17 =	sshll.u32 s0, $0xA;
	s2 =	sadd.s32 s3, s2  }
0x8d: {  	s2 =	sadd.s32 s2, s17  }
0x8e: {  	[smem:$0x3FC0] =	sst s2  }
0x8f: {  	_ = 	snop  }
0x90: {  	s2 =	sld [smem:$0x3FD0];
	(tm) =	ssettm $0x1  }
0x91: {  	s18 =	sld [smem:$0x3FFB];
	_ =	sdelay $0x3  }
0x92: {  	_ =	strace s18  }
0x93: {  	s3 =	sld [smem:$0x3FFC];
	_ =	sdelay $0x3  }
0x94: {  	_ =	strace s3  }
0x95: {  	s3 =	sld [smem:$0x3FFD];
	_ =	sdelay $0x3  }
0x96: {  	_ =	strace s3  }
0x97: {  	_ =	strace $0x8FFFFFFF  }
0x98: {  	s19 =	sld [smem:$0x3FDB];
	_ =	sdelay $0x1  }
0x99: {  	s4 =	simm.s32 $_scs_section_size  }
0x9a: {  	s5 =	simm.s32 $_size__tile_overlayer_lowered;
	s6 =	simm.s32 $_tile_overlayer_lowered  }
0x9b: {  	s22 =	simm.s32 $0x1BFF;
	s21 =	sshll.u32 s6, $0x1;
	s3 =	sadd.s32 s4, s19  }
0x9c: {  	s7 =	simm.s32 $0x0;
	s20 =	sshll.u32 s5, $0x1;
	s5 =	sadd.s32 s21, s3  }
0x9d: {  	[timem:s7], [sflag:s22] =	dma.local [hbm:s5], s20  }
0x9e: {  	_ =	swait.ge [sflag:s22], s20  }
0x9f: {  	s4 =	ssub.s32 $0x0, s20;
	[sflag:s22] =	ssyncset.done $0x0  }
0xa0: {  	[sflag:s22] =	ssyncadd.s32 s4;
	_ =	sdelay $0x1  }
0xa1: {  	s23 =	simm.s32 $0x1B8B  }
0xa2: {  	_ =	swait.ge [sflag:s23], $0x1  }
0xa3: {  	[sflag:s23] =	ssyncset.done $0x0  }
0xa4: {  	s25 =	simm.s32 $0x1B8E;
	s24 =	sld [smem:$0x3FFE];
	[sflag:s23] =	ssyncadd.s32 $0xFFFFFFFF  }
0xa5: {  	s26 =	simm.s32 $execute0_lowered;
	[smem:$0x3FD2] =	sst s25  }
0xa6: {  	s5 =	sshll.u32 s26, $0x1;
	_ =	strace $0x8000004F;
	[dreg:$0x1] =	wrdreg $0xFFFFFFFF  }
0xa7: {  	s28 =	simm.s32 $_size_execute0_lowered;
	s3 =	sadd.s32 s3, s5;
	[dreg:$0x0] =	wrdreg $0x0  }
0xa8: {  	s5 =	sshll.u32 s28, $0x1;
	[dreg:$0x2] =	wrdreg s3  }
0xa9: {  	[dreg:$0x3] =	wrdreg s5  }
0xaa: {  	[dreg:$0x4] =	wrdreg $0xC0  }
0xab: {  	_ =	task [dreg:s7], $0x5FFFF  }
0xac: {  	[dreg:$0x1] =	wrdreg $0xFFFFFFFF  }
0xad: {  	[dreg:$0x0] =	wrdreg $0x60  }
0xae: {  	[dreg:$0x2] =	wrdreg s24  }
0xaf: {  	[dreg:$0x3] =	wrdreg s2  }
0xb0: {  	[dreg:$0x4] =	wrdreg $0x0  }
0xb1: {  	[dreg:$0x5] =	wrdreg $0x9  }
0xb2: {  	_ =	task.clear_ibuf [dreg:s7], $0x6FFFF;
	_ =	strace $0x9000004F  }
0xb3: {  	s29 =	simm.s32 $0x9;
	_ =	strace $0x80000051  }
0xb4: {  	_ =	swait.ge [sflag:s29], $0x1  }
0xb5: {  	[sflag:s29] =	ssyncadd.s32 $0xFFFFFFFF  }
0xb6: {  	_ =	strace $0x90000051  }
0xb7: {  	_ =	sfence  }
0xb8: {  	s30 =	sld [smem:$0x0];
	_ =	sdelay $0x2  }
0xb9: {  	s31 =	sshll.u32 s1, $0xD;
	s1 =	sshrl.u32 s1, $0x2  }
0xba: {  	s3 =	sand.u32 $0x4000, s31;
	s1 =	sadd.s32 s1, s30  }
0xbb: {  	s0 =	sor.u32 s3, s0;
	s1 =	sshll.u32 s1, $0x11  }
0xbc: {  	s0 =	sor.u32 s1, s0  }
0xbd: {  	s0 =	sadd.s32 $0x8F2B, s0  }
0xbe: {  	[sflag:s0] =	ssyncadd.remote.s32 $0x1  }
0xbf: {  	_ =	sfence.sel $0xFFFF  }
0xc0: {  	[dreg:$0x0] =	wrdreg $0xFFFFFFFF;
	(pc) =	sbr.abs _section_cstart, $3  }
0xc1: {  	[dreg:$0x1] =	wrdreg $0xFFFFFFFF  }
0xc2: {  	_ =	task.clear_ibuf [dreg:s7], $0x2FFFF;
	_ =	strace $0x9FFFFFFF  }
0xc3: {  	(tm) =	ssettm $0x7FFFFFFF  }
tec
execute0_lowered:
.L_overlay_start_1:
0x0: {  	(tag) =	ssettag $0x1  }
0x1: {  	s0 =	rddreg [dreg:$0x0]  }
0x2: {  	s2 =	rddreg [dreg:$0x1]  }
0x3: {  	s3 =	rddreg [dreg:$0x2];
	s22 =	simm.s32 $0x0  }
0x4: {  	s4 =	stileid.u32;
	s8 =	srdreg.scid;
	s31 =	simm.s32 $0xD  }
0x5: {  	s29 =	simm.s32 $0x16480;
	[smem:$0x7FF] =	sst s22;
	s1 =	smul.u32 $0x13800, s4  }
0x6: {  	s6 =	sadd.s32 $0xE600, s0;
	s5 =	sadd.s32 $0x4800, s0;
	s8 =	sand.u32 $0x1, s8  }
0x7: {  	s11 =	smul.u32 $0x4E000, s4;
	s12 =	sadd.s32 $0x66800, s0;
	s14 =	sshll.u32 s4, $0x6  }
0x8: {  	s28 =	smul.u32 $0x2710, s4;
	p0 =	sne.s32 s4, $0xF;
	_ =	strace $0x80000050  }
0x9: {  	s9 =	ssub.s32 $0x2, s8;
	s10 =	sshll.u32 s8, $0x4;
	s21 =	smul.u32 $0x138800, s8  }
0xa: {  	s23 =	sor.u32 $0x1C0D, s14;
	s25 =	smul.u32 $0x27100, s8;
	[dreg:$0x4] =	wrdreg s5  }
0xb: {  	s7 =	sshrl.u32 s1, $0x3;
	s13 =	sshrl.u32 s9, $0x1;
	s10 =	sor.u32 s4, s10  }
0xc: {  	s11 =	sshrl.u32 s11, $0x2;
	[dreg:$0x7] =	wrdreg s23;
	s7 =	sadd.s32 s7, s0  }
0xd: {  	s9 =	ssub.s32 s9, s13;
	s10 =	smul.u32 $0x2710, s10;
	s11 =	sadd.s32 s11, s3  }
0xe: {  	s0 =	sadd.s32 $0x3F400, s0;
	s13 =	sadd.s32 s1, s21;
	[dreg:$0x5] =	wrdreg s11  }
0xf: {  	s7 =	sadd.s32 $0x18400, s7;
	[dreg:$0x8] =	wrdreg s0;
	s15 =	sshrl.u32 s10, $0x3  }
0x10: {  	s14 =	sshrl.u32 s21, $0x3;
	[dreg:$0x6] =	wrdreg s7;
	s16 =	sadd.s32 s6, s15  }
0x11: {  	s17 =	sadd.s32 s5, s15;
	s18 =	sadd.s32 $0xA, s15;
	[dreg:$0x9] =	wrdreg s16  }
0x12: {  	s11 =	simm.s32 $0xC;
	[dreg:$0xa] =	wrdreg s17;
	s19 =	sadd.s32 s6, s18  }
0x13: {  	s20 =	sadd.s32 $0x14, s15;
	s7 =	sadd.s32 s5, s18;
	[dreg:$0xb] =	wrdreg s19  }
0x14: {  	s10 =	simm.s32 $0xA;
	s24 =	sadd.s32 s6, s20;
	[dreg:$0xc] =	wrdreg s7  }
0x15: {  	s0 =	sadd.s32 $0x1E, s15;
	s26 =	sadd.s32 s5, s20;
	[dreg:$0xd] =	wrdreg s24  }
0x16: {  	s15 =	sadd.s32 s12, s14;
	s30 =	sadd.s32 s6, s0;
	[dreg:$0xe] =	wrdreg s26  }
0x17: {  	s14 =	simm.s32 $0x1;
	s0 =	sadd.s32 s5, s0;
	[dreg:$0xf] =	wrdreg s30  }
0x18: {  	s17 =	smax.u32 s9, $0x1;
	s9 =	simm.s32 $0x7;
	[dreg:$0x10] =	wrdreg s0  }
0x19: {  	s0 =	sshrl.u32 s13, $0x3;
	s7 =	sadd.s32 s28, s25;
	[dreg:$0x13] =	wrdreg s17  }
0x1a: {  	s30 =	sadd.s32 $0x138000, s3;
	s17 =	simm.s32 $0x13900;
	s13 =	simm.s32 $0x6  }
0x1b: {  	s0 =	sadd.s32 s12, s0;
	s16 =	sadd.s32 $0x230, s7;
	s19 =	sadd.s32 $0x1E0, s7  }
0x1c: {  	s8 =	sadd.s32 $0x190, s7;
	s28 =	sadd.s32 $0x140, s7;
	[dreg:$0x1b] =	wrdreg s30  }
0x1d: {  	s7 =	simm.s32 $0x13A80;
	[dreg:$0x11] =	wrdreg s0;
	s0 =	sadd.s32 $0x27000, s15  }
0x1e: {  	s18 =	sshrl.u32 s16, $0x3;
	s20 =	sshrl.u32 s19, $0x3;
	s21 =	sshrl.u32 s8, $0x3  }
0x1f: {  	[dreg:$0x1a] =	wrdreg s28;
	s16 =	simm.s32 $0x13880;
	s19 =	simm.s32 $0x13A00  }
0x20: {  	s15 =	simm.s32 $0x50;
	[dreg:$0x12] =	wrdreg s0;
	s1 =	sadd.s32 s18, s5  }
0x21: {  	s8 =	simm.s32 $0x9;
	s0 =	sadd.s32 s18, s6;
	[dreg:$0x14] =	wrdreg s1  }
0x22: {  	s24 =	sadd.s32 s20, s5;
	s25 =	sadd.s32 s21, s5;
	[dreg:$0x15] =	wrdreg s0  }
0x23: {  	s26 =	sadd.s32 s21, s6;
	s5 =	simm.s32 $0x13980;
	[dreg:$0x16] =	wrdreg s24  }
0x24: {  	s18 =	simm.s32 $0x2;
	s21 =	simm.s32 $0x3;
	[dreg:$0x18] =	wrdreg s25  }
0x25: {  	s0 =	sadd.s32 s20, s6;
	[dreg:$0x19] =	wrdreg s26;
	s1 =	simm.s32 $0x13B00  }
0x26: {  	s24 =	simm.s32 $0x13C00;
	s20 =	simm.s32 $0x5;
	s25 =	simm.s32 $0x8  }
0x27: {  	s26 =	simm.s32 $0x1B480;
	[dreg:$0x17] =	wrdreg s0;
	s0 =	simm.s32 $0x0  }
.LBB2_1:
0x28: {  	[dreg:$0x1c] =	wrdreg s0  }
0x29: {  	s4 =	rddreg [dreg:$0x5]  }
0x2a: {  	s12 =	rddreg [dreg:$0x6];
	s4 =	sshrl.u32 s4, $0x3  }
0x2b: {  	[dreg:$0x1d] =	wrdreg s4  }
0x2c: {  	[spmem:s4], [sflag:s23] =	dma.local [hbm:s12], $0x2700  }
0x2d: {  	_ =	swait.ge [sflag:s31], $0x2700  }
0x2e: {  	s0 =	rddreg [dreg:$0x1b]  }
0x2f: {  	[sflag:s31] =	ssyncset.done $0x0;
	s4 =	rddreg [dreg:$0x8];
	s0 =	sshrl.u32 @!p0 s0, $0x3  }
0x30: {  	s12 =	simm.s32 @!p0 $0xD;
	[sflag:s31] =	ssyncadd.s32 $0xFFFFD900;
	[dreg:$0x1e] =	wrdreg s0  }
0x31: {  	[spmem:s0], [sflag:s23] =	dma.local @!p0 [hbm:s4], $0x100  }
0x32: {  	_ =	swait.ge @!p0 [sflag:s12], $0x100  }
0x33: {  	[sflag:s12] =	ssyncset.done @!p0 $0x0  }
0x34: {  	[sflag:s12] =	ssyncadd.s32 @!p0 $0xFFFFFF00  }
0x35: {  	[bflag:$0x0] =	sbarrier.arrive $0xFFFF  }
0x36: {  	s12 =	rddreg [dreg:$0x9]  }
0x37: {  	s23 =	rddreg [dreg:$0xb]  }
0x38: {  	s0 =	rddreg [dreg:$0xc]  }
0x39: {  	s28 =	rddreg [dreg:$0x16]  }
0x3a: {  	[tilespmem:s16], [sflag:$0x1] =	stream.linear.gather [hbm4b:s12+s22], $0x50, $0x38;
	[tilespmem:$0x1DC80] =	vst v63  }
0x3b: {  	s16 =	rddreg [dreg:$0xa]  }
0x3c: {  	[tilespmem:s7], [sflag:$0x5] =	stream.linear.gather [hbm4b:s16+s22], $0x50, $0x38;
	[tilespmem:$0x1DC80] =	vst v63  }
0x3d: {  	s7 =	rddreg [dreg:$0xe]  }
0x3e: {  	s16 =	rddreg [dreg:$0xf]  }
0x3f: {  	[tilespmem:s17], [sflag:$0x2] =	stream.linear.gather [hbm4b:s23+s22], $0x50, $0x38;
	[tilespmem:$0x1DC80] =	vst v63  }
0x40: {  	s23 =	rddreg [dreg:$0x10]  }
0x41: {  	[tilespmem:s1], [sflag:$0x6] =	stream.linear.gather [hbm4b:s0+s22], $0x50, $0x38;
	[tilespmem:$0x1DC80] =	vst v63  }
0x42: {  	s1 =	rddreg [dreg:$0xd]  }
0x43: {  	[tilespmem:s5], [sflag:$0x3] =	stream.linear.gather [hbm4b:s1+s22], $0x50, $0x38;
	[tilespmem:$0x1DC80] =	vst v63  }
0x44: {  	s12 =	simm.s32 $0x13B80;
	s0 =	rddreg [dreg:$0x17]  }
0x45: {  	[tilespmem:s12], [sflag:$0x7] =	stream.linear.gather [hbm4b:s7+s22], $0x50, $0x38;
	[tilespmem:$0x1DC80] =	vst v63  }
0x46: {  	s1 =	rddreg [dreg:$0x18]  }
0x47: {  	[tilespmem:s19], [sflag:$0x4] =	stream.linear.gather [hbm4b:s16+s22], $0x50, $0x38;
	[tilespmem:$0x1DC80] =	vst v63  }
0x48: {  	s12 =	rddreg [dreg:$0x1a]  }
0x49: {  	[tilespmem:s24], [sflag:$0x8] =	stream.linear.gather [hbm4b:s23+s22], $0x50, $0x38;
	[tilespmem:$0x1DC80] =	vst v63  }
0x4a: {  	s30 =	simm.s32 $0x0;
	s19 =	rddreg [dreg:$0x19];
	s24 =	simm.s32 $0x4  }
.LBB2_2:
0x4b: {  	_ =	swait.ge [sflag:s14], $0x50  }
0x4c: {  	[sflag:s14] =	ssyncset.done $0x0  }
0x4d: {  	[sflag:s14] =	ssyncadd.s32 $0xFFFFFFB0  }
0x4e: {  	_ =	swait.ge [sflag:s20], $0x50  }
0x4f: {  	[sflag:s20] =	ssyncset.done $0x0  }
0x50: {  	s4 =	simm.s32 $0x13880;
	s5 =	simm.s32 $0x13C80;
	[sflag:s20] =	ssyncadd.s32 $0xFFFFFFB0  }
0x51: {  	[tilespmem:s5], [sflag:$0x9] =	stream.indirect.gather [hbm4b:s2+s15], $0x80, s4, s15, $0xb8;
	[tilespmem:$0x1DC80] =	vst v63  }
0x52: {  	_ =	swait.ge [sflag:s18], $0x50  }
0x53: {  	[sflag:s18] =	ssyncset.done $0x0  }
0x54: {  	[sflag:s18] =	ssyncadd.s32 $0xFFFFFFB0  }
0x55: {  	_ =	swait.ge [sflag:s13], $0x50  }
0x56: {  	[sflag:s13] =	ssyncset.done $0x0  }
0x57: {  	[sflag:s13] =	ssyncadd.s32 $0xFFFFFFB0  }
0x58: {  	[tilespmem:s29], [sflag:$0xA] =	stream.indirect.gather [hbm4b:s2+s15], $0x80, s17, s15, $0xb8;
	[tilespmem:$0x1DC80] =	vst v63  }
0x59: {  	_ =	swait.ge [sflag:s21], $0x50  }
0x5a: {  	[sflag:s21] =	ssyncset.done $0x0  }
0x5b: {  	[sflag:s21] =	ssyncadd.s32 $0xFFFFFFB0  }
0x5c: {  	_ =	swait.ge [sflag:s9], $0x50  }
0x5d: {  	[sflag:s9] =	ssyncset.done $0x0  }
0x5e: {  	s7 =	simm.s32 $0x13980;
	s16 =	simm.s32 $0x18C80;
	[sflag:s9] =	ssyncadd.s32 $0xFFFFFFB0  }
0x5f: {  	[tilespmem:s16], [sflag:$0xB] =	stream.indirect.gather [hbm4b:s2+s15], $0x80, s7, s15, $0xb8;
	[tilespmem:$0x1DC80] =	vst v63  }
0x60: {  	_ =	swait.ge [sflag:s24], $0x50  }
0x61: {  	[sflag:s24] =	ssyncset.done $0x0  }
0x62: {  	[sflag:s24] =	ssyncadd.s32 $0xFFFFFFB0  }
0x63: {  	_ =	swait.ge [sflag:s25], $0x50  }
0x64: {  	[sflag:s25] =	ssyncset.done $0x0  }
0x65: {  	s23 =	simm.s32 $0x13A00;
	[sflag:s25] =	ssyncadd.s32 $0xFFFFFFB0  }
0x66: {  	[tilespmem:s26], [sflag:$0xC] =	stream.indirect.gather [hbm4b:s2+s15], $0x80, s23, s15, $0xb8;
	[tilespmem:$0x1DC80] =	vst v63  }
0x67: {  	_ =	swait.ge [sflag:s8], $0x2800  }
0x68: {  	[sflag:s8] =	ssyncset.done $0x0  }
0x69: {  	s17 =	simm.s32 $0x13A80;
	[sflag:s8] =	ssyncadd.s32 $0xFFFFD800  }
0x6a: {  	[spmem:s3] =	stream.indirect.scatter.add.f32 [tilespmem:s5], [sflag:$0xD], $0x80, s17, s15, $0xb8;
	[tilespmem:$0x1DC80] =	vst v63  }
0x6b: {  	_ =	swait.ge [sflag:s31], $0x2800  }
0x6c: {  	s5 =	sshrl.u32 s12, $0x3;
	[sflag:s31] =	ssyncset.done $0x0  }
0x6d: {  	s7 =	sadd.s32 s6, s5;
	[sflag:s31] =	ssyncadd.s32 $0xFFFFD800  }
0x6e: {  	[tilespmem:s4], [sflag:$0x1] =	stream.linear.gather [hbm4b:s7+s22], $0x50, $0x38;
	[tilespmem:$0x1DC80] =	vst v63  }
0x6f: {  	s7 =	rddreg [dreg:$0x4]  }
0x70: {  	s5 =	sadd.s32 s7, s5  }
0x71: {  	[tilespmem:s17], [sflag:$0x5] =	stream.linear.gather [hbm4b:s5+s22], $0x50, $0x38;
	[tilespmem:$0x1DC80] =	vst v63  }
0x72: {  	_ =	swait.ge [sflag:s10], $0x2800  }
0x73: {  	[sflag:s10] =	ssyncset.done $0x0  }
0x74: {  	s5 =	simm.s32 $0x13B00;
	[sflag:s10] =	ssyncadd.s32 $0xFFFFD800  }
0x75: {  	[spmem:s3] =	stream.indirect.scatter.add.f32 [tilespmem:s29], [sflag:$0xD], $0x80, s5, s15, $0xb8;
	[tilespmem:$0x1DC80] =	vst v63  }
0x76: {  	_ =	swait.ge [sflag:s31], $0x2800  }
0x77: {  	p1 =	seq.s32 s30, $0x4B0;
	[sflag:s31] =	ssyncset.done $0x0  }
0x78: {  	s5 =	simm.s32 @p1 $0xB;
	[sflag:s31] =	ssyncadd.s32 $0xFFFFD800  }
0x79: {  	_ =	swait.ge @p1 [sflag:s5], $0x2800  }
0x7a: {  	s23 =	smov.u32 s6;
	s6 =	simm.s32 @p1 $0x13B80;
	[sflag:s5] =	ssyncset.done @p1 $0x0  }
0x7b: {  	s4 =	simm.s32 @p1 $0x18C80;
	[sflag:s5] =	ssyncadd.s32 @p1 $0xFFFFD800;
	s5 =	simm.s32 @p1 $0x50  }
0x7c: {  	[spmem:s3] =	stream.indirect.scatter.add.f32 @p1 [tilespmem:s4], [sflag:$0xD], $0x80, s6, s5, $0xb8;
	[tilespmem:$0x1DC80] =	vst v63  }
0x7d: {  	s4 =	simm.s32 @p1 $0xD  }
0x7e: {  	_ =	swait.ge @p1 [sflag:s4], $0x2800  }
0x7f: {  	s5 =	simm.s32 @!p1 $0x0;
	[sflag:s4] =	ssyncset.done @p1 $0x0  }
0x80: {  	s6 =	simm.s32 @!p1 $0x13900;
	[sflag:s4] =	ssyncadd.s32 @p1 $0xFFFFD800;
	s4 =	sadd.s32 @!p1 s30, s19  }
0x81: {  	[tilespmem:s6], [sflag:$0x2] =	stream.linear.gather @!p1 [hbm4b:s4+s5], $0x50, $0x38;
	[tilespmem:$0x1DC80] =	vst v63  }
0x82: {  	s4 =	sadd.s32 @!p1 s30, s1;
	s6 =	simm.s32 @!p1 $0x13B00  }
0x83: {  	[tilespmem:s6], [sflag:$0x6] =	stream.linear.gather @!p1 [hbm4b:s4+s5], $0x50, $0x38;
	[tilespmem:$0x1DC80] =	vst v63  }
0x84: {  	s4 =	simm.s32 @!p1 $0xB  }
0x85: {  	_ =	swait.ge @!p1 [sflag:s4], $0x2800  }
0x86: {  	s22 =	simm.s32 @!p1 $0x18C80;
	[sflag:s4] =	ssyncset.done @!p1 $0x0  }
0x87: {  	s6 =	simm.s32 @!p1 $0x13B80;
	[sflag:s4] =	ssyncadd.s32 @!p1 $0xFFFFD800;
	s4 =	simm.s32 @!p1 $0x50  }
0x88: {  	[spmem:s3] =	stream.indirect.scatter.add.f32 @!p1 [tilespmem:s22], [sflag:$0xD], $0x80, s6, s4, $0xb8;
	[tilespmem:$0x1DC80] =	vst v63  }
0x89: {  	s4 =	simm.s32 @!p1 $0xD  }
0x8a: {  	_ =	swait.ge @!p1 [sflag:s4], $0x2800  }
0x8b: {  	[sflag:s4] =	ssyncset.done @!p1 $0x0  }
0x8c: {  	s22 =	simm.s32 @!p1 $0x13980;
	[sflag:s4] =	ssyncadd.s32 @!p1 $0xFFFFD800;
	s4 =	sadd.s32 @!p1 s30, s0  }
0x8d: {  	[tilespmem:s22], [sflag:$0x3] =	stream.linear.gather @!p1 [hbm4b:s4+s5], $0x50, $0x38;
	[tilespmem:$0x1DC80] =	vst v63  }
0x8e: {  	s4 =	sadd.s32 @!p1 s30, s28  }
0x8f: {  	[tilespmem:s6], [sflag:$0x7] =	stream.linear.gather @!p1 [hbm4b:s4+s5], $0x50, $0x38;
	[tilespmem:$0x1DC80] =	vst v63  }
0x90: {  	_ =	swait.ge [sflag:s11], $0x2800  }
0x91: {  	[sflag:s11] =	ssyncset.done $0x0  }
0x92: {  	s6 =	simm.s32 $0x13C00;
	[sflag:s11] =	ssyncadd.s32 $0xFFFFD800  }
0x93: {  	[spmem:s3] =	stream.indirect.scatter.add.f32 [tilespmem:s26], [sflag:$0xD], $0x80, s6, s15, $0xb8;
	[tilespmem:$0x1DC80] =	vst v63  }
0x94: {  	_ =	swait.ge [sflag:s31], $0x2800  }
0x95: {  	[sflag:s31] =	ssyncset.done $0x0;
	s4 =	rddreg [dreg:$0x15]  }
0x96: {  	s6 =	simm.s32 @!p1 $0x13A00;
	[sflag:s31] =	ssyncadd.s32 $0xFFFFD800;
	s4 =	sadd.s32 @!p1 s30, s4  }
0x97: {  	[tilespmem:s6], [sflag:$0x4] =	stream.linear.gather @!p1 [hbm4b:s4+s5], $0x50, $0x38;
	[tilespmem:$0x1DC80] =	vst v63  }
0x98: {  	s4 =	rddreg [dreg:$0x14]  }
0x99: {  	s4 =	sadd.s32 @!p1 s30, s4;
	s30 =	sadd.s32 @!p1 $0x28, s30  }
0x9a: {  	p2 =	sne.s32 @!p1 s30, $0x4D8  }
0x9b: {  	p2 =	por p1, !p2  }
.Ltmp0:
0x9c: {  	_ = 	snop;
	(pc) =	sbr.rel @!p2 .LBB2_2-.Ltmp0, $4  }
0x9d: {  	s16 =	simm.s32 $0x13880  }
0x9e: {  	s12 =	sadd.s32 @!p1 $0x140, s12;
	s7 =	simm.s32 $0x13A80;
	s6 =	simm.s32 @!p1 $0x13C00  }
0x9f: {  	[tilespmem:s6], [sflag:$0x8] =	stream.linear.gather @!p1 [hbm4b:s4+s5], $0x50, $0x38;
	[tilespmem:$0x1DC80] =	vst v63  }
0xa0: {  	s17 =	simm.s32 $0x13900;
	s22 =	simm.s32 $0x0;
	s6 =	smov.u32 s23  }
0xa1: {  	_ =	swait.ge [sflag:s14], $0x50  }
0xa2: {  	[sflag:s14] =	ssyncset.done $0x0  }
0xa3: {  	[sflag:s14] =	ssyncadd.s32 $0xFFFFFFB0  }
0xa4: {  	_ =	swait.ge [sflag:s20], $0x50  }
0xa5: {  	[sflag:s20] =	ssyncset.done $0x0  }
0xa6: {  	s0 =	simm.s32 $0x13C80;
	[sflag:s20] =	ssyncadd.s32 $0xFFFFFFB0  }
0xa7: {  	[tilespmem:s0], [sflag:$0x9] =	stream.indirect.gather [hbm4b:s2+s15], $0x80, s16, s15, $0xb8;
	[tilespmem:$0x1DC80] =	vst v63  }
0xa8: {  	_ =	swait.ge [sflag:s8], $0x2800  }
0xa9: {  	[sflag:s8] =	ssyncset.done $0x0  }
0xaa: {  	[sflag:s8] =	ssyncadd.s32 $0xFFFFD800  }
0xab: {  	[spmem:s3] =	stream.indirect.scatter.add.f32 [tilespmem:s0], [sflag:$0xD], $0x80, s7, s15, $0xb8;
	[tilespmem:$0x1DC80] =	vst v63  }
0xac: {  	_ =	swait.ge [sflag:s31], $0x2800  }
0xad: {  	[sflag:s31] =	ssyncset.done $0x0  }
0xae: {  	[sflag:s31] =	ssyncadd.s32 $0xFFFFD800  }
0xaf: {  	[bflag:$0x0] =	sbarrier.arrive $0xFFFF  }
0xb0: {  	s23 =	rddreg [dreg:$0x7]  }
0xb1: {  	s4 =	rddreg [dreg:$0x11]  }
0xb2: {  	s28 =	rddreg [dreg:$0x1d]  }
0xb3: {  	[hbm:s4], [sflag:s23] =	dma.local [spmem:s28], $0x2700  }
0xb4: {  	_ =	swait.ge [sflag:s31], $0x2700  }
0xb5: {  	[sflag:s31] =	ssyncset.done $0x0;
	s4 =	rddreg [dreg:$0x12]  }
0xb6: {  	s0 =	rddreg [dreg:$0x1e];
	[sflag:s31] =	ssyncadd.s32 $0xFFFFD900  }
0xb7: {  	[hbm:s4], [sflag:s23] =	dma.local @!p0 [spmem:s0], $0x100  }
0xb8: {  	s4 =	simm.s32 @!p0 $0xD  }
0xb9: {  	_ =	swait.ge @!p0 [sflag:s4], $0x100  }
0xba: {  	s30 =	rddreg [dreg:$0x1c]  }
0xbb: {  	s5 =	rddreg [dreg:$0x13];
	s0 =	sadd.s32 $0x1, s30  }
0xbc: {  	p1 =	sne.s32 s0, s5  }
.Ltmp1:
0xbd: {  	_ = 	snop;
	(pc) =	sbr.rel @p1 .LBB2_1-.Ltmp1, $3  }
0xbe: {  	_ =	sdelay $0x1  }
0xbf: {  	s1 =	simm.s32 $0x13B00;
	s19 =	simm.s32 $0x13A00;
	[sflag:s4] =	ssyncset.done @!p0 $0x0  }
0xc0: {  	s24 =	simm.s32 $0x13C00;
	[sflag:s4] =	ssyncadd.s32 @!p0 $0xFFFFFF00;
	s5 =	simm.s32 $0x13980  }
0xc1: {  	_ =	sfence.sel $0x180000  }
0xc2: {  	[bflag:$0x0] =	sbarrier.arrive $0xFFFF  }
0xc3: {  	_ =	strace $0x90000050  }
0xc4: {  	s0 =	stileid.u32;
	[bflag:$0x2] =	sbarrier.arrive $0xFFFF  }
0xc5: {  	p0 =	sne.s32 s0, $0x0;
	s0 =	rddreg [dreg:$0x3]  }
0xc6: {  	s0 =	sadd.s32 @!p0 $0x100000, s0  }
0xc7: {  	[sflag:s0] =	ssyncadd.tile.s32 @!p0 $0x1;
	_ =	shalt  }
.Lfunc_end2:
_tile_overlayer_lowered:
.L_overlay_start_2:
0xc8: {  	(tag) =	ssettag $0x2  }
0xc9: {  	s0 =	rddreg [dreg:$0x0];
	s2 =	stileid.u32  }
0xca: {  	s1 =	rddreg [dreg:$0x1];
	p0 =	sne.s32 s2, $0x0  }
0xcb: {  	s3 =	rddreg [dreg:$0x2];
	[bflag:$0x3] =	sbarrier.arrive $0xFFFF;
	s2 =	simm.s32 @!p0 $0x1C0D  }
0xcc: {  	[timem:s3], [sflag:s2] =	dma.local @!p0 [hbm:s0], s1  }
0xcd: {  	s0 =	simm.s32 @!p0 $0xD  }
0xce: {  	_ =	swait.ge @!p0 [sflag:s0], s1  }
0xcf: {  	s1 =	ssub.s32 @!p0 $0x0, s1;
	[sflag:s0] =	ssyncset.done @!p0 $0x0  }
0xd0: {  	[sflag:s0] =	ssyncadd.s32 @!p0 s1  }
0xd1: {  	[bflag:$0x3] =	sbarrier.arrive $0xFFFF  }
0xd2: {  	_ =	shalt  }

</sc_bundles>
